<compile_context>
chip_gen: v7x
topology: tpu7x:2x2x1
jax: 0.10.2.dev20260603
libtpu: 0.0.44.dev20260713+nightly
codegen_flags: <defaults>
</compile_context>

<pallas_src>
import functools

import jax
import jax.numpy as jnp
from jax import lax
from jax.experimental import pallas as pl
from jax.experimental.pallas import tpu as pltpu
from jax.experimental.pallas import tpu_sc as plsc

N = 10000
E = 320000
D = 128
G = 64
HID = 128

NS = 16
ROWS_PT = 624
TAIL_OFF = NS * ROWS_PT
TAIL = N - TAIL_OFF
K = 80
KJ = 50
IDX_LOAD = K * KJ
N_OUTER = E // NS // IDX_LOAD


def _sc_mesh():
    return plsc.VectorSubcoreMesh(core_axis_name="c", subcore_axis_name="s",
                                  num_cores=2, num_subcores=NS)


def _sc_degree_body(dst_hbm, out_hbm, ones_v, didx_v, acc_sh, ssem):
    c = lax.axis_index("c")
    s = lax.axis_index("s")

    def fill(i, _):
        for l in range(D // 16):
            ones_v[i, pl.ds(16 * l, 16)] = jnp.ones((16,), jnp.float32)
        return 0

    lax.fori_loop(0, K, fill, 0)
    for i in range(7):
        pltpu.sync_copy(ones_v,
                        acc_sh.at[pl.ds(s * ROWS_PT + i * K, K)])
    pltpu.sync_copy(ones_v.at[pl.ds(0, ROWS_PT - 7 * K)],
                    acc_sh.at[pl.ds(s * ROWS_PT + 7 * K, ROWS_PT - 7 * K)])

    @pl.when(s == NS - 1)
    def _():
        pltpu.sync_copy(ones_v.at[pl.ds(0, TAIL)],
                        acc_sh.at[pl.ds(TAIL_OFF, TAIL)])

    plsc.subcore_barrier()

    def outer(it, _):
        g = s * N_OUTER + it
        pltpu.sync_copy(dst_hbm.at[c, g], didx_v)
        descs = [pltpu.async_copy(ones_v, acc_sh.at[didx_v.at[j]], ssem,
                                  add=True) for j in range(KJ)]
        for d in descs:
            d.wait()
        return 0

    lax.fori_loop(0, N_OUTER, outer, 0)
    plsc.subcore_barrier()
    pltpu.sync_copy(acc_sh.at[pl.ds(s * ROWS_PT, ROWS_PT)],
                    out_hbm.at[c, pl.ds(s * ROWS_PT, ROWS_PT)])

    @pl.when(s == NS - 1)
    def _():
        pltpu.sync_copy(acc_sh.at[pl.ds(TAIL_OFF, TAIL)],
                        out_hbm.at[c, pl.ds(TAIL_OFF, TAIL)])


@jax.jit
def _sc_degree(dst_r):
    return pl.kernel(
        _sc_degree_body,
        out_type=jax.ShapeDtypeStruct((2, N, D), jnp.float32),
        mesh=_sc_mesh(),
        scratch_types=[
            pltpu.VMEM((K, D), jnp.float32),
            pltpu.VMEM((KJ, K), jnp.int32),
            pltpu.VMEM_SHARED((N, D), jnp.float32),
            pltpu.SemaphoreType.DMA,
        ],
    )(dst_r)


def _sc_prop_body(ys_hbm, src_hbm, dst_hbm, out_hbm,
                  sidx_v, didx_v, rows0_v, rows1_v, rows2_v, acc_sh,
                  gsem0, gsem1, gsem2, ssem0, ssem1, ssem2):
    c = lax.axis_index("c")
    s = lax.axis_index("s")

    pltpu.sync_copy(ys_hbm.at[pl.ds(c * N + s * ROWS_PT, ROWS_PT)],
                    acc_sh.at[pl.ds(s * ROWS_PT, ROWS_PT)])

    @pl.when(s == NS - 1)
    def _():
        pltpu.sync_copy(ys_hbm.at[pl.ds(c * N + TAIL_OFF, TAIL)],
                        acc_sh.at[pl.ds(TAIL_OFF, TAIL)])

    plsc.subcore_barrier()

    rows = [rows0_v, rows1_v, rows2_v]
    gsem = [gsem0, gsem1, gsem2]
    ssem = [ssem0, ssem1, ssem2]
    NB = 3

    def outer(it, _):
        g = s * N_OUTER + it
        pltpu.sync_copy(src_hbm.at[c, g], sidx_v)
        pltpu.sync_copy(dst_hbm.at[c, g], didx_v)
        dg = {}
        ds = {}
        for j in range(KJ):
            p = j % NB
            if j >= NB:
                ds[j - NB].wait()
            dg[j] = pltpu.async_copy(ys_hbm.at[sidx_v.at[j]], rows[p],
                                     gsem[p])
            if j >= 1:
                q = (j - 1) % NB
                dg[j - 1].wait()
                ds[j - 1] = pltpu.async_copy(rows[q],
                                             acc_sh.at[didx_v.at[j - 1]],
                                             ssem[q], add=True)
        q = (KJ - 1) % NB
        dg[KJ - 1].wait()
        ds[KJ - 1] = pltpu.async_copy(rows[q],
                                      acc_sh.at[didx_v.at[KJ - 1]],
                                      ssem[q], add=True)
        for j in range(KJ - NB, KJ):
            ds[j].wait()
        return 0

    lax.fori_loop(0, N_OUTER, outer, 0)
    plsc.subcore_barrier()
    pltpu.sync_copy(acc_sh.at[pl.ds(s * ROWS_PT, ROWS_PT)],
                    out_hbm.at[c, pl.ds(s * ROWS_PT, ROWS_PT)])

    @pl.when(s == NS - 1)
    def _():
        pltpu.sync_copy(acc_sh.at[pl.ds(TAIL_OFF, TAIL)],
                        out_hbm.at[c, pl.ds(TAIL_OFF, TAIL)])


@jax.jit
def _sc_prop(ys2d, src_r, dst_r):
    return pl.kernel(
        _sc_prop_body,
        out_type=jax.ShapeDtypeStruct((2, N, D), jnp.float32),
        mesh=_sc_mesh(),
        scratch_types=[
            pltpu.VMEM((KJ, K), jnp.int32),
            pltpu.VMEM((KJ, K), jnp.int32),
            pltpu.VMEM((K, D), jnp.float32),
            pltpu.VMEM((K, D), jnp.float32),
            pltpu.VMEM((K, D), jnp.float32),
            pltpu.VMEM_SHARED((N, D), jnp.float32),
            pltpu.SemaphoreType.DMA,
            pltpu.SemaphoreType.DMA,
            pltpu.SemaphoreType.DMA,
            pltpu.SemaphoreType.DMA,
            pltpu.SemaphoreType.DMA,
            pltpu.SemaphoreType.DMA,
        ],
    )(ys2d, src_r, dst_r)


RT = 1000
NRT = N // RT


def _tc1_body(x_ref, w_ref, d_ref, o_ref):
    dis = lax.rsqrt(d_ref[0, :, 0:1].astype(jnp.float32))
    o_ref[0] = jnp.dot(x_ref[0], w_ref[0],
                       preferred_element_type=jnp.float32) * dis


@jax.jit
def _tc_first(xs, ws, degp):
    return pl.pallas_call(
        _tc1_body,
        grid=(2, NRT),
        in_specs=[
            pl.BlockSpec((1, RT, D), lambda b, r: (b, r, 0)),
            pl.BlockSpec((1, D, D), lambda b, r: (b, 0, 0)),
            pl.BlockSpec((1, RT, D), lambda b, r: (b, r, 0)),
        ],
        out_specs=pl.BlockSpec((1, RT, D), lambda b, r: (b, r, 0)),
        out_shape=jax.ShapeDtypeStruct((2, N, D), jnp.float32),
    )(xs, ws, degp)


def _tc2_body(p_ref, d_ref, b_ref, w_ref, o_ref):
    dis = lax.rsqrt(d_ref[0, :, 0:1].astype(jnp.float32))
    h = jnp.maximum(p_ref[0] * dis + b_ref[0], 0.0)
    o_ref[0] = jnp.dot(h, w_ref[0], preferred_element_type=jnp.float32) * dis


@jax.jit
def _tc_mid(p1, degp, b0s, w1s):
    return pl.pallas_call(
        _tc2_body,
        grid=(2, NRT),
        in_specs=[
            pl.BlockSpec((1, RT, D), lambda b, r: (b, r, 0)),
            pl.BlockSpec((1, RT, D), lambda b, r: (b, r, 0)),
            pl.BlockSpec((1, 1, D), lambda b, r: (b, 0, 0)),
            pl.BlockSpec((1, D, D), lambda b, r: (b, 0, 0)),
        ],
        out_specs=pl.BlockSpec((1, RT, D), lambda b, r: (b, r, 0)),
        out_shape=jax.ShapeDtypeStruct((2, N, D), jnp.float32),
    )(p1, degp, b0s, w1s)


def _tc3_body(p_ref, d_ref, b_ref, bt_ref, wm0_ref, bm0_ref, wm1_ref,
              bm1_ref, wm2_ref, bm2_ref, wm3_ref, bm3_ref, o_ref,
              sums, cnts):
    b = pl.program_id(0)
    r = pl.program_id(1)

    @pl.when((b == 0) & (r == 0))
    def _():
        sums[...] = jnp.zeros((2, G, D), jnp.float32)
        cnts[...] = jnp.zeros((2, G, D), jnp.float32)

    dis = lax.rsqrt(d_ref[0, :, 0:1].astype(jnp.float32))
    h = jnp.maximum(p_ref[0] * dis + b_ref[0], 0.0)
    bt = bt_ref[0, :, 0:1]
    iota = lax.broadcasted_iota(jnp.int32, (RT, G), 1).astype(jnp.float32)
    oh = (bt == iota).astype(jnp.float32)
    dn = (((0,), (0,)), ((), ()))
    psum = lax.dot_general(oh, h, dn, preferred_element_type=jnp.float32)
    pcnt = lax.dot_general(oh, jnp.ones((RT, D), jnp.float32), dn,
                           preferred_element_type=jnp.float32)
    sums[pl.ds(b, 1)] += psum[None]
    cnts[pl.ds(b, 1)] += pcnt[None]

    @pl.when((b == 1) & (r == NRT - 1))
    def _():
        m0 = sums[0] / jnp.maximum(cnts[0], 1.0)
        m1 = sums[1] / jnp.maximum(cnts[1], 1.0)
        z = jnp.concatenate([m0, m1], axis=1)
        z = jnp.maximum(jnp.dot(z, wm0_ref[...],
                                preferred_element_type=jnp.float32)
                        + bm0_ref[...], 0.0)
        z = jnp.maximum(jnp.dot(z, wm1_ref[...],
                                preferred_element_type=jnp.float32)
                        + bm1_ref[...], 0.0)
        z = jnp.maximum(jnp.dot(z, wm2_ref[...],
                                preferred_element_type=jnp.float32)
                        + bm2_ref[...], 0.0)
        o_ref[...] = jnp.dot(z, wm3_ref[...],
                             preferred_element_type=jnp.float32) + bm3_ref[...]


@jax.jit
def _tc_final(p2, degp, b1s, batchb, wm0, bm0, wm1, bm1, wm2, bm2,
              wm3p, bm3p):
    fixed = lambda b, r: (0, 0)
    return pl.pallas_call(
        _tc3_body,
        grid=(2, NRT),
        in_specs=[
            pl.BlockSpec((1, RT, D), lambda b, r: (b, r, 0)),
            pl.BlockSpec((1, RT, D), lambda b, r: (b, r, 0)),
            pl.BlockSpec((1, 1, D), lambda b, r: (b, 0, 0)),
            pl.BlockSpec((1, RT, 16), lambda b, r: (b, r, 0)),
            pl.BlockSpec((2 * D, HID), fixed),
            pl.BlockSpec((1, HID), fixed),
            pl.BlockSpec((HID, HID), fixed),
            pl.BlockSpec((1, HID), fixed),
            pl.BlockSpec((HID, HID), fixed),
            pl.BlockSpec((1, HID), fixed),
            pl.BlockSpec((HID, HID), fixed),
            pl.BlockSpec((1, HID), fixed),
        ],
        out_specs=pl.BlockSpec((G, HID), fixed),
        out_shape=jax.ShapeDtypeStruct((G, HID), jnp.float32),
        scratch_shapes=[
            pltpu.VMEM((2, G, D), jnp.float32),
            pltpu.VMEM((2, G, D), jnp.float32),
        ],
    )(p2, degp, b1s, batchb, wm0, bm0, wm1, bm1, wm2, bm2, wm3p, bm3p)


def kernel(x1, edge_index1, x2, edge_index2, batch1, batch2,
           W1_0, b1_0, W1_1, b1_1, W2_0, b2_0, W2_1, b2_1,
           Wm0, bm0, Wm1, bm1, Wm2, bm2, Wm3, bm3):
    src_r = jnp.stack([edge_index1[0], edge_index2[0] + N]).reshape(
        2, NS * N_OUTER, KJ, K)
    dst_r = jnp.stack([edge_index1[1], edge_index2[1]]).reshape(
        2, NS * N_OUTER, KJ, K)
    xs = jnp.stack([x1, x2])
    w0s = jnp.stack([W1_0, W2_0])
    w1s = jnp.stack([W1_1, W2_1])
    b0s = jnp.stack([b1_0, b2_0]).reshape(2, 1, D)
    b1s = jnp.stack([b1_1, b2_1]).reshape(2, 1, D)
    batchb = jnp.broadcast_to(
        jnp.stack([batch1, batch2]).astype(jnp.float32)[:, :, None],
        (2, N, 16))
    wm3p = jnp.pad(Wm3, ((0, 0), (0, HID - Wm3.shape[1])))
    bm3p = jnp.pad(bm3, (0, HID - bm3.shape[0])).reshape(1, HID)
    bm0r = bm0.reshape(1, HID)
    bm1r = bm1.reshape(1, HID)
    bm2r = bm2.reshape(1, HID)

    degp = _sc_degree(dst_r)
    y1 = _tc_first(xs, w0s, degp)
    p1 = _sc_prop(y1.reshape(2 * N, D), src_r, dst_r)
    y2 = _tc_mid(p1, degp, b0s, w1s)
    p2 = _sc_prop(y2.reshape(2 * N, D), src_r, dst_r)
    out = _tc_final(p2, degp, b1s, batchb, Wm0, bm0r, Wm1, bm1r,
                    Wm2, bm2r, wm3p, bm3p)
    return out[:, :Wm3.shape[1]]

# --- scband reference (transcript-rebuilt; emitter-appended) ---
"""Pipeline reference for scband-gnn-classifier-79826262164189 (READ-ONLY COPY).

The authoritative reference and input builder live on the scoring server;
editing this copy changes nothing except your own understanding.
"""

import jax, jax.numpy as jnp
import numpy as np

N = 10000
E = 320000
D = 128
G = 64
HID = 128
OUT = 4


def setup_inputs(seed: int = 0):
    key = jax.random.key(seed)
    ks = [jax.random.fold_in(key, i) for i in range(40)]
    inp = {}
    inp['x1'] = jax.random.normal(ks[0], (N, D), dtype=jnp.float32)
    inp['edge_index1'] = jax.random.randint(ks[1], (2, E), 0, N, dtype=jnp.int32)
    inp['x2'] = jax.random.normal(ks[2], (N, D), dtype=jnp.float32)
    inp['edge_index2'] = jax.random.randint(ks[3], (2, E), 0, N, dtype=jnp.int32)
    inp['batch1'] = jnp.sort(jax.random.randint(ks[4], (N,), 0, G, dtype=jnp.int32))
    inp['batch2'] = jnp.sort(jax.random.randint(ks[5], (N,), 0, G, dtype=jnp.int32))
    s = 1.0 / np.sqrt(D)
    # GCN layer weights for branch 1 and branch 2 (2 layers each)
    inp['W1_0'] = jax.random.normal(ks[6], (D, D), dtype=jnp.float32) * s
    inp['b1_0'] = jnp.zeros((D,), dtype=jnp.float32)
    inp['W1_1'] = jax.random.normal(ks[7], (D, D), dtype=jnp.float32) * s
    inp['b1_1'] = jnp.zeros((D,), dtype=jnp.float32)
    inp['W2_0'] = jax.random.normal(ks[8], (D, D), dtype=jnp.float32) * s
    inp['b2_0'] = jnp.zeros((D,), dtype=jnp.float32)
    inp['W2_1'] = jax.random.normal(ks[9], (D, D), dtype=jnp.float32) * s
    inp['b2_1'] = jnp.zeros((D,), dtype=jnp.float32)
    # MLP: channels [2D, HID, HID, HID, OUT]
    inp['Wm0'] = jax.random.normal(ks[10], (2 * D, HID), dtype=jnp.float32) * (1.0 / np.sqrt(2 * D))
    inp['bm0'] = jnp.zeros((HID,), dtype=jnp.float32)
    inp['Wm1'] = jax.random.normal(ks[11], (HID, HID), dtype=jnp.float32) * (1.0 / np.sqrt(HID))
    inp['bm1'] = jnp.zeros((HID,), dtype=jnp.float32)
    inp['Wm2'] = jax.random.normal(ks[12], (HID, HID), dtype=jnp.float32) * (1.0 / np.sqrt(HID))
    inp['bm2'] = jnp.zeros((HID,), dtype=jnp.float32)
    inp['Wm3'] = jax.random.normal(ks[13], (HID, OUT), dtype=jnp.float32) * (1.0 / np.sqrt(HID))
    inp['bm3'] = jnp.zeros((OUT,), dtype=jnp.float32)
    return inp


def gcn_conv(x, edge_index, W, b):
    # PyG GCNConv: x' = D^{-1/2}(A+I)D^{-1/2} X W + b
    n = x.shape[0]
    x = x @ W
    loop = jnp.arange(n, dtype=edge_index.dtype)
    src = jnp.concatenate([edge_index[0], loop])
    dst = jnp.concatenate([edge_index[1], loop])
    deg = jnp.zeros((n,), x.dtype).at[dst].add(1.0)
    dis = jnp.where(deg > 0, 1.0 / jnp.sqrt(deg), 0.0)
    norm = dis[src] * dis[dst]
    msg = x[src] * norm[:, None]
    out = jnp.zeros_like(x).at[dst].add(msg)
    return out + b


def global_mean_pool(x, batch, num_graphs):
    s = jnp.zeros((num_graphs, x.shape[1]), x.dtype).at[batch].add(x)
    c = jnp.zeros((num_graphs,), x.dtype).at[batch].add(1.0)
    return s / jnp.clip(c, 1.0)[:, None]


def process_graph(x, edge_index, batch, layers):
    # eval mode: dropout is identity
    for (W, b) in layers:
        x = jax.nn.relu(gcn_conv(x, edge_index, W, b))
    return global_mean_pool(x, batch, G)


def mlp(x, Ws, bs):
    # PyG MLP in eval mode with default (identity-initialized) batch norm running stats
    for i in range(len(Ws) - 1):
        x = jax.nn.relu(x @ Ws[i] + bs[i])
    return x @ Ws[-1] + bs[-1]


def reference(x1, edge_index1, x2, edge_index2, batch1, batch2, W1_0, b1_0, W1_1, b1_1, W2_0, b2_0, W2_1, b2_1, Wm0, bm0, Wm1, bm1, Wm2, bm2, Wm3, bm3):
    h1 = process_graph(x1, edge_index1, batch1, [(W1_0, b1_0), (W1_1, b1_1)])
    h2 = process_graph(x2, edge_index2, batch2, [(W2_0, b2_0), (W2_1, b2_1)])
    h = jnp.concatenate([h1, h2], axis=1)
    return mlp(h, [Wm0, Wm1, Wm2, Wm3], [bm0, bm1, bm2, bm3])

if __name__ == "__main__":
    import jax
    _d = setup_inputs()
    print(jax.jit(kernel)(*tuple(_d.values())))

</pallas_src>

<mosaic_0001>
#map = affine_map<(d0, d1) -> (0, 0, 0, 0)>
#map1 = affine_map<(d0, d1) -> (0, 0, 0)>
module attributes {stable_mosaic.version = 14 : i64} {
  func.func @_sc_degree_body(%arg0: i32, %arg1: i32, %arg2: memref<2x80x50x80xi32, #tpu.memory_space<hbm>>, %arg3: memref<2x10000x128xf32, #tpu.memory_space<hbm>>, %arg4: memref<80x128xf32, #tpu.memory_space<vmem>>, %arg5: memref<50x80xi32, #tpu.memory_space<vmem>>, %arg6: memref<10000x128xf32, #tpu.memory_space<vmem_shared>>, %arg7: memref<!tpu.dma_semaphore, #tpu.memory_space<semaphore_mem>>) attributes {dimension_semantics = [#tpu.dimension_semantics<core_parallel>, #tpu.dimension_semantics<subcore_parallel>], iteration_bounds = array<i64: 2, 16>, scalar_prefetch = 0 : i64, scratch_operands = 4 : i64, tpu.core_type = #tpu.core_type<sc_vector_subcore>, window_params = [{transform_indices = #map}, {transform_indices = #map1}]} {
    %scan3A = arith.constant 0 : i32
    %scan3A_0 = arith.constant 0 : i32
    %scan3A_1 = arith.constant 80 : i32
    %scan3A_2 = arith.addi %scan3A_0, %scan3A_1 : i32
    %scan3A_3 = arith.constant 1 : i32
    %scan3A_4 = scf.for %scan3A_55 = %scan3A_0 to %scan3A_2 step %scan3A_3 iter_args(%scan3A_56 = %scan3A) -> (i32)  : i32 {
      %broadcast_in_dim3A = arith.constant 1.000000e+00 : f32
      %broadcast_in_dim3A_57 = vector.broadcast %broadcast_in_dim3A : f32 to vector<16xf32>
      %swap3A = arith.index_cast %scan3A_55 : i32 to index
      %swap3A_58 = arith.constant 0 : index
      %swap3A_59 = tpu.vector_load %arg4[%swap3A, %swap3A_58] {strides = array<i32>} : memref<80x128xf32, #tpu.memory_space<vmem>>, vector<1x16xf32>,
      %swap3A_60 = vector.shape_cast %swap3A_59 : vector<1x16xf32> to vector<16xf32>
      %swap3A_61 = vector.shape_cast %broadcast_in_dim3A_57 : vector<16xf32> to vector<1x16xf32>
      tpu.vector_store %arg4[%swap3A, %swap3A_58], %swap3A_61 {strides = array<i32>} : memref<80x128xf32, #tpu.memory_space<vmem>>, vector<1x16xf32>,
      %broadcast_in_dim3A_62 = arith.constant 1.000000e+00 : f32
      %broadcast_in_dim3A_63 = vector.broadcast %broadcast_in_dim3A_62 : f32 to vector<16xf32>
      %swap3A_64 = arith.index_cast %scan3A_55 : i32 to index
      %swap3A_65 = arith.constant 16 : index
      %swap3A_66 = tpu.vector_load %arg4[%swap3A_64, %swap3A_65] {strides = array<i32>} : memref<80x128xf32, #tpu.memory_space<vmem>>, vector<1x16xf32>,
      %swap3A_67 = vector.shape_cast %swap3A_66 : vector<1x16xf32> to vector<16xf32>
      %swap3A_68 = vector.shape_cast %broadcast_in_dim3A_63 : vector<16xf32> to vector<1x16xf32>
      tpu.vector_store %arg4[%swap3A_64, %swap3A_65], %swap3A_68 {strides = array<i32>} : memref<80x128xf32, #tpu.memory_space<vmem>>, vector<1x16xf32>,
      %broadcast_in_dim3A_69 = arith.constant 1.000000e+00 : f32
      %broadcast_in_dim3A_70 = vector.broadcast %broadcast_in_dim3A_69 : f32 to vector<16xf32>
      %swap3A_71 = arith.index_cast %scan3A_55 : i32 to index
      %swap3A_72 = arith.constant 32 : index
      %swap3A_73 = tpu.vector_load %arg4[%swap3A_71, %swap3A_72] {strides = array<i32>} : memref<80x128xf32, #tpu.memory_space<vmem>>, vector<1x16xf32>,
      %swap3A_74 = vector.shape_cast %swap3A_73 : vector<1x16xf32> to vector<16xf32>
      %swap3A_75 = vector.shape_cast %broadcast_in_dim3A_70 : vector<16xf32> to vector<1x16xf32>
      tpu.vector_store %arg4[%swap3A_71, %swap3A_72], %swap3A_75 {strides = array<i32>} : memref<80x128xf32, #tpu.memory_space<vmem>>, vector<1x16xf32>,
      %broadcast_in_dim3A_76 = arith.constant 1.000000e+00 : f32
      %broadcast_in_dim3A_77 = vector.broadcast %broadcast_in_dim3A_76 : f32 to vector<16xf32>
      %swap3A_78 = arith.index_cast %scan3A_55 : i32 to index
      %swap3A_79 = arith.constant 48 : index
      %swap3A_80 = tpu.vector_load %arg4[%swap3A_78, %swap3A_79] {strides = array<i32>} : memref<80x128xf32, #tpu.memory_space<vmem>>, vector<1x16xf32>,
      %swap3A_81 = vector.shape_cast %swap3A_80 : vector<1x16xf32> to vector<16xf32>
      %swap3A_82 = vector.shape_cast %broadcast_in_dim3A_77 : vector<16xf32> to vector<1x16xf32>
      tpu.vector_store %arg4[%swap3A_78, %swap3A_79], %swap3A_82 {strides = array<i32>} : memref<80x128xf32, #tpu.memory_space<vmem>>, vector<1x16xf32>,
      %broadcast_in_dim3A_83 = arith.constant 1.000000e+00 : f32
      %broadcast_in_dim3A_84 = vector.broadcast %broadcast_in_dim3A_83 : f32 to vector<16xf32>
      %swap3A_85 = arith.index_cast %scan3A_55 : i32 to index
      %swap3A_86 = arith.constant 64 : index
      %swap3A_87 = tpu.vector_load %arg4[%swap3A_85, %swap3A_86] {strides = array<i32>} : memref<80x128xf32, #tpu.memory_space<vmem>>, vector<1x16xf32>,
      %swap3A_88 = vector.shape_cast %swap3A_87 : vector<1x16xf32> to vector<16xf32>
      %swap3A_89 = vector.shape_cast %broadcast_in_dim3A_84 : vector<16xf32> to vector<1x16xf32>
      tpu.vector_store %arg4[%swap3A_85, %swap3A_86], %swap3A_89 {strides = array<i32>} : memref<80x128xf32, #tpu.memory_space<vmem>>, vector<1x16xf32>,
      %broadcast_in_dim3A_90 = arith.constant 1.000000e+00 : f32
      %broadcast_in_dim3A_91 = vector.broadcast %broadcast_in_dim3A_90 : f32 to vector<16xf32>
      %swap3A_92 = arith.index_cast %scan3A_55 : i32 to index
      %swap3A_93 = arith.constant 80 : index
      %swap3A_94 = tpu.vector_load %arg4[%swap3A_92, %swap3A_93] {strides = array<i32>} : memref<80x128xf32, #tpu.memory_space<vmem>>, vector<1x16xf32>,
      %swap3A_95 = vector.shape_cast %swap3A_94 : vector<1x16xf32> to vector<16xf32>
      %swap3A_96 = vector.shape_cast %broadcast_in_dim3A_91 : vector<16xf32> to vector<1x16xf32>
      tpu.vector_store %arg4[%swap3A_92, %swap3A_93], %swap3A_96 {strides = array<i32>} : memref<80x128xf32, #tpu.memory_space<vmem>>, vector<1x16xf32>,
      %broadcast_in_dim3A_97 = arith.constant 1.000000e+00 : f32
      %broadcast_in_dim3A_98 = vector.broadcast %broadcast_in_dim3A_97 : f32 to vector<16xf32>
      %swap3A_99 = arith.index_cast %scan3A_55 : i32 to index
      %swap3A_100 = arith.constant 96 : index
      %swap3A_101 = tpu.vector_load %arg4[%swap3A_99, %swap3A_100] {strides = array<i32>} : memref<80x128xf32, #tpu.memory_space<vmem>>, vector<1x16xf32>,
      %swap3A_102 = vector.shape_cast %swap3A_101 : vector<1x16xf32> to vector<16xf32>
      %swap3A_103 = vector.shape_cast %broadcast_in_dim3A_98 : vector<16xf32> to vector<1x16xf32>
      tpu.vector_store %arg4[%swap3A_99, %swap3A_100], %swap3A_103 {strides = array<i32>} : memref<80x128xf32, #tpu.memory_space<vmem>>, vector<1x16xf32>,
      %broadcast_in_dim3A_104 = arith.constant 1.000000e+00 : f32
      %broadcast_in_dim3A_105 = vector.broadcast %broadcast_in_dim3A_104 : f32 to vector<16xf32>
      %swap3A_106 = arith.index_cast %scan3A_55 : i32 to index
      %swap3A_107 = arith.constant 112 : index
      %swap3A_108 = tpu.vector_load %arg4[%swap3A_106, %swap3A_107] {strides = array<i32>} : memref<80x128xf32, #tpu.memory_space<vmem>>, vector<1x16xf32>,
      %swap3A_109 = vector.shape_cast %swap3A_108 : vector<1x16xf32> to vector<16xf32>
      %swap3A_110 = vector.shape_cast %broadcast_in_dim3A_105 : vector<16xf32> to vector<1x16xf32>
      tpu.vector_store %arg4[%swap3A_106, %swap3A_107], %swap3A_110 {strides = array<i32>} : memref<80x128xf32, #tpu.memory_space<vmem>>, vector<1x16xf32>,
      %scan3A_111 = arith.constant 0 : i32
      scf.yield %scan3A_111 : i32
    }
    %scan3A_5 = arith.constant 80 : i32
    %mul3A = arith.constant 624 : i32
    %mul3A_6 = arith.muli %arg1, %mul3A : i32
    %add3A = arith.constant 0 : i32
    %add3A_7 = arith.addi %mul3A_6, %add3A : i32
    "tpu.region"() ({
      %run_scoped3A = tpu.sem_alloc : memref<!tpu.dma_semaphore, #tpu.memory_space<semaphore_mem>>
      %dma_start3A = arith.constant 0 : i32
      %dma_start3A_55 = tpu.memref_slice %arg6[%add3A_7, %dma_start3A] : memref<10000x128xf32, #tpu.memory_space<vmem_shared>> -> memref<80x128xf32, #tpu.memory_space<vmem_shared>>
      %dma_start3A_56 = arith.constant 0 : i32
      %dma_start3A_57 = tpu.memref_slice %arg6[%add3A_7, %dma_start3A_56] : memref<10000x128xf32, #tpu.memory_space<vmem_shared>> -> memref<80x128xf32, #tpu.memory_space<vmem_shared>>
      tpu.enqueue_dma source(%arg4 : memref<80x128xf32, #tpu.memory_space<vmem>>) target(%dma_start3A_57 : memref<80x128xf32, #tpu.memory_space<vmem_shared>>) target_semaphore(%run_scoped3A : memref<!tpu.dma_semaphore, #tpu.memory_space<semaphore_mem>>)
      %dma_wait3A = arith.constant 0 : i32
      %dma_wait3A_58 = tpu.memref_slice %arg6[%add3A_7, %dma_wait3A] : memref<10000x128xf32, #tpu.memory_space<vmem_shared>> -> memref<80x128xf32, #tpu.memory_space<vmem_shared>>
      %dma_wait3A_59 = arith.constant 0 : i32
      %dma_wait3A_60 = tpu.memref_slice %arg6[%add3A_7, %dma_wait3A_59] : memref<10000x128xf32, #tpu.memory_space<vmem_shared>> -> memref<80x128xf32, #tpu.memory_space<vmem_shared>>
      tpu.wait_dma2 semaphore(%run_scoped3A : memref<!tpu.dma_semaphore, #tpu.memory_space<semaphore_mem>>) src(%arg4 : memref<80x128xf32, #tpu.memory_space<vmem>>) dst(%dma_wait3A_60 : memref<80x128xf32, #tpu.memory_space<vmem_shared>>)
      tpu.yield
    }) : () -> ()
    %mul3A_8 = arith.constant 624 : i32
    %mul3A_9 = arith.muli %arg1, %mul3A_8 : i32
    %add3A_10 = arith.constant 80 : i32
    %add3A_11 = arith.addi %mul3A_9, %add3A_10 : i32
    "tpu.region"() ({
      %run_scoped3A = tpu.sem_alloc : memref<!tpu.dma_semaphore, #tpu.memory_space<semaphore_mem>>
      %dma_start3A = arith.constant 0 : i32
      %dma_start3A_55 = tpu.memref_slice %arg6[%add3A_11, %dma_start3A] : memref<10000x128xf32, #tpu.memory_space<vmem_shared>> -> memref<80x128xf32, #tpu.memory_space<vmem_shared>>
      %dma_start3A_56 = arith.constant 0 : i32
      %dma_start3A_57 = tpu.memref_slice %arg6[%add3A_11, %dma_start3A_56] : memref<10000x128xf32, #tpu.memory_space<vmem_shared>> -> memref<80x128xf32, #tpu.memory_space<vmem_shared>>
      tpu.enqueue_dma source(%arg4 : memref<80x128xf32, #tpu.memory_space<vmem>>) target(%dma_start3A_57 : memref<80x128xf32, #tpu.memory_space<vmem_shared>>) target_semaphore(%run_scoped3A : memref<!tpu.dma_semaphore, #tpu.memory_space<semaphore_mem>>)
      %dma_wait3A = arith.constant 0 : i32
      %dma_wait3A_58 = tpu.memref_slice %arg6[%add3A_11, %dma_wait3A] : memref<10000x128xf32, #tpu.memory_space<vmem_shared>> -> memref<80x128xf32, #tpu.memory_space<vmem_shared>>
      %dma_wait3A_59 = arith.constant 0 : i32
      %dma_wait3A_60 = tpu.memref_slice %arg6[%add3A_11, %dma_wait3A_59] : memref<10000x128xf32, #tpu.memory_space<vmem_shared>> -> memref<80x128xf32, #tpu.memory_space<vmem_shared>>
      tpu.wait_dma2 semaphore(%run_scoped3A : memref<!tpu.dma_semaphore, #tpu.memory_space<semaphore_mem>>) src(%arg4 : memref<80x128xf32, #tpu.memory_space<vmem>>) dst(%dma_wait3A_60 : memref<80x128xf32, #tpu.memory_space<vmem_shared>>)
      tpu.yield
    }) : () -> ()
    %mul3A_12 = arith.constant 624 : i32
    %mul3A_13 = arith.muli %arg1, %mul3A_12 : i32
    %add3A_14 = arith.constant 160 : i32
    %add3A_15 = arith.addi %mul3A_13, %add3A_14 : i32
    "tpu.region"() ({
      %run_scoped3A = tpu.sem_alloc : memref<!tpu.dma_semaphore, #tpu.memory_space<semaphore_mem>>
      %dma_start3A = arith.constant 0 : i32
      %dma_start3A_55 = tpu.memref_slice %arg6[%add3A_15, %dma_start3A] : memref<10000x128xf32, #tpu.memory_space<vmem_shared>> -> memref<80x128xf32, #tpu.memory_space<vmem_shared>>
      %dma_start3A_56 = arith.constant 0 : i32
      %dma_start3A_57 = tpu.memref_slice %arg6[%add3A_15, %dma_start3A_56] : memref<10000x128xf32, #tpu.memory_space<vmem_shared>> -> memref<80x128xf32, #tpu.memory_space<vmem_shared>>
      tpu.enqueue_dma source(%arg4 : memref<80x128xf32, #tpu.memory_space<vmem>>) target(%dma_start3A_57 : memref<80x128xf32, #tpu.memory_space<vmem_shared>>) target_semaphore(%run_scoped3A : memref<!tpu.dma_semaphore, #tpu.memory_space<semaphore_mem>>)
      %dma_wait3A = arith.constant 0 : i32
      %dma_wait3A_58 = tpu.memref_slice %arg6[%add3A_15, %dma_wait3A] : memref<10000x128xf32, #tpu.memory_space<vmem_shared>> -> memref<80x128xf32, #tpu.memory_space<vmem_shared>>
      %dma_wait3A_59 = arith.constant 0 : i32
      %dma_wait3A_60 = tpu.memref_slice %arg6[%add3A_15, %dma_wait3A_59] : memref<10000x128xf32, #tpu.memory_space<vmem_shared>> -> memref<80x128xf32, #tpu.memory_space<vmem_shared>>
      tpu.wait_dma2 semaphore(%run_scoped3A : memref<!tpu.dma_semaphore, #tpu.memory_space<semaphore_mem>>) src(%arg4 : memref<80x128xf32, #tpu.memory_space<vmem>>) dst(%dma_wait3A_60 : memref<80x128xf32, #tpu.memory_space<vmem_shared>>)
      tpu.yield
    }) : () -> ()
    %mul3A_16 = arith.constant 624 : i32
    %mul3A_17 = arith.muli %arg1, %mul3A_16 : i32
    %add3A_18 = arith.constant 240 : i32
    %add3A_19 = arith.addi %mul3A_17, %add3A_18 : i32
    "tpu.region"() ({
      %run_scoped3A = tpu.sem_alloc : memref<!tpu.dma_semaphore, #tpu.memory_space<semaphore_mem>>
      %dma_start3A = arith.constant 0 : i32
      %dma_start3A_55 = tpu.memref_slice %arg6[%add3A_19, %dma_start3A] : memref<10000x128xf32, #tpu.memory_space<vmem_shared>> -> memref<80x128xf32, #tpu.memory_space<vmem_shared>>
      %dma_start3A_56 = arith.constant 0 : i32
      %dma_start3A_57 = tpu.memref_slice %arg6[%add3A_19, %dma_start3A_56] : memref<10000x128xf32, #tpu.memory_space<vmem_shared>> -> memref<80x128xf32, #tpu.memory_space<vmem_shared>>
      tpu.enqueue_dma source(%arg4 : memref<80x128xf32, #tpu.memory_space<vmem>>) target(%dma_start3A_57 : memref<80x128xf32, #tpu.memory_space<vmem_shared>>) target_semaphore(%run_scoped3A : memref<!tpu.dma_semaphore, #tpu.memory_space<semaphore_mem>>)
      %dma_wait3A = arith.constant 0 : i32
      %dma_wait3A_58 = tpu.memref_slice %arg6[%add3A_19, %dma_wait3A] : memref<10000x128xf32, #tpu.memory_space<vmem_shared>> -> memref<80x128xf32, #tpu.memory_space<vmem_shared>>
      %dma_wait3A_59 = arith.constant 0 : i32
      %dma_wait3A_60 = tpu.memref_slice %arg6[%add3A_19, %dma_wait3A_59] : memref<10000x128xf32, #tpu.memory_space<vmem_shared>> -> memref<80x128xf32, #tpu.memory_space<vmem_shared>>
      tpu.wait_dma2 semaphore(%run_scoped3A : memref<!tpu.dma_semaphore, #tpu.memory_space<semaphore_mem>>) src(%arg4 : memref<80x128xf32, #tpu.memory_space<vmem>>) dst(%dma_wait3A_60 : memref<80x128xf32, #tpu.memory_space<vmem_shared>>)
      tpu.yield
    }) : () -> ()
    %mul3A_20 = arith.constant 624 : i32
    %mul3A_21 = arith.muli %arg1, %mul3A_20 : i32
    %add3A_22 = arith.constant 320 : i32
    %add3A_23 = arith.addi %mul3A_21, %add3A_22 : i32
    "tpu.region"() ({
      %run_scoped3A = tpu.sem_alloc : memref<!tpu.dma_semaphore, #tpu.memory_space<semaphore_mem>>
      %dma_start3A = arith.constant 0 : i32
      %dma_start3A_55 = tpu.memref_slice %arg6[%add3A_23, %dma_start3A] : memref<10000x128xf32, #tpu.memory_space<vmem_shared>> -> memref<80x128xf32, #tpu.memory_space<vmem_shared>>
      %dma_start3A_56 = arith.constant 0 : i32
      %dma_start3A_57 = tpu.memref_slice %arg6[%add3A_23, %dma_start3A_56] : memref<10000x128xf32, #tpu.memory_space<vmem_shared>> -> memref<80x128xf32, #tpu.memory_space<vmem_shared>>
      tpu.enqueue_dma source(%arg4 : memref<80x128xf32, #tpu.memory_space<vmem>>) target(%dma_start3A_57 : memref<80x128xf32, #tpu.memory_space<vmem_shared>>) target_semaphore(%run_scoped3A : memref<!tpu.dma_semaphore, #tpu.memory_space<semaphore_mem>>)
      %dma_wait3A = arith.constant 0 : i32
      %dma_wait3A_58 = tpu.memref_slice %arg6[%add3A_23, %dma_wait3A] : memref<10000x128xf32, #tpu.memory_space<vmem_shared>> -> memref<80x128xf32, #tpu.memory_space<vmem_shared>>
      %dma_wait3A_59 = arith.constant 0 : i32
      %dma_wait3A_60 = tpu.memref_slice %arg6[%add3A_23, %dma_wait3A_59] : memref<10000x128xf32, #tpu.memory_space<vmem_shared>> -> memref<80x128xf32, #tpu.memory_space<vmem_shared>>
      tpu.wait_dma2 semaphore(%run_scoped3A : memref<!tpu.dma_semaphore, #tpu.memory_space<semaphore_mem>>) src(%arg4 : memref<80x128xf32, #tpu.memory_space<vmem>>) dst(%dma_wait3A_60 : memref<80x128xf32, #tpu.memory_space<vmem_shared>>)
      tpu.yield
    }) : () -> ()
    %mul3A_24 = arith.constant 624 : i32
    %mul3A_25 = arith.muli %arg1, %mul3A_24 : i32
    %add3A_26 = arith.constant 400 : i32
    %add3A_27 = arith.addi %mul3A_25, %add3A_26 : i32
    "tpu.region"() ({
      %run_scoped3A = tpu.sem_alloc : memref<!tpu.dma_semaphore, #tpu.memory_space<semaphore_mem>>
      %dma_start3A = arith.constant 0 : i32
      %dma_start3A_55 = tpu.memref_slice %arg6[%add3A_27, %dma_start3A] : memref<10000x128xf32, #tpu.memory_space<vmem_shared>> -> memref<80x128xf32, #tpu.memory_space<vmem_shared>>
      %dma_start3A_56 = arith.constant 0 : i32
      %dma_start3A_57 = tpu.memref_slice %arg6[%add3A_27, %dma_start3A_56] : memref<10000x128xf32, #tpu.memory_space<vmem_shared>> -> memref<80x128xf32, #tpu.memory_space<vmem_shared>>
      tpu.enqueue_dma source(%arg4 : memref<80x128xf32, #tpu.memory_space<vmem>>) target(%dma_start3A_57 : memref<80x128xf32, #tpu.memory_space<vmem_shared>>) target_semaphore(%run_scoped3A : memref<!tpu.dma_semaphore, #tpu.memory_space<semaphore_mem>>)
      %dma_wait3A = arith.constant 0 : i32
      %dma_wait3A_58 = tpu.memref_slice %arg6[%add3A_27, %dma_wait3A] : memref<10000x128xf32, #tpu.memory_space<vmem_shared>> -> memref<80x128xf32, #tpu.memory_space<vmem_shared>>
      %dma_wait3A_59 = arith.constant 0 : i32
      %dma_wait3A_60 = tpu.memref_slice %arg6[%add3A_27, %dma_wait3A_59] : memref<10000x128xf32, #tpu.memory_space<vmem_shared>> -> memref<80x128xf32, #tpu.memory_space<vmem_shared>>
      tpu.wait_dma2 semaphore(%run_scoped3A : memref<!tpu.dma_semaphore, #tpu.memory_space<semaphore_mem>>) src(%arg4 : memref<80x128xf32, #tpu.memory_space<vmem>>) dst(%dma_wait3A_60 : memref<80x128xf32, #tpu.memory_space<vmem_shared>>)
      tpu.yield
    }) : () -> ()
    %mul3A_28 = arith.constant 624 : i32
    %mul3A_29 = arith.muli %arg1, %mul3A_28 : i32
    %add3A_30 = arith.constant 480 : i32
    %add3A_31 = arith.addi %mul3A_29, %add3A_30 : i32
    "tpu.region"() ({
      %run_scoped3A = tpu.sem_alloc : memref<!tpu.dma_semaphore, #tpu.memory_space<semaphore_mem>>
      %dma_start3A = arith.constant 0 : i32
      %dma_start3A_55 = tpu.memref_slice %arg6[%add3A_31, %dma_start3A] : memref<10000x128xf32, #tpu.memory_space<vmem_shared>> -> memref<80x128xf32, #tpu.memory_space<vmem_shared>>
      %dma_start3A_56 = arith.constant 0 : i32
      %dma_start3A_57 = tpu.memref_slice %arg6[%add3A_31, %dma_start3A_56] : memref<10000x128xf32, #tpu.memory_space<vmem_shared>> -> memref<80x128xf32, #tpu.memory_space<vmem_shared>>
      tpu.enqueue_dma source(%arg4 : memref<80x128xf32, #tpu.memory_space<vmem>>) target(%dma_start3A_57 : memref<80x128xf32, #tpu.memory_space<vmem_shared>>) target_semaphore(%run_scoped3A : memref<!tpu.dma_semaphore, #tpu.memory_space<semaphore_mem>>)
      %dma_wait3A = arith.constant 0 : i32
      %dma_wait3A_58 = tpu.memref_slice %arg6[%add3A_31, %dma_wait3A] : memref<10000x128xf32, #tpu.memory_space<vmem_shared>> -> memref<80x128xf32, #tpu.memory_space<vmem_shared>>
      %dma_wait3A_59 = arith.constant 0 : i32
      %dma_wait3A_60 = tpu.memref_slice %arg6[%add3A_31, %dma_wait3A_59] : memref<10000x128xf32, #tpu.memory_space<vmem_shared>> -> memref<80x128xf32, #tpu.memory_space<vmem_shared>>
      tpu.wait_dma2 semaphore(%run_scoped3A : memref<!tpu.dma_semaphore, #tpu.memory_space<semaphore_mem>>) src(%arg4 : memref<80x128xf32, #tpu.memory_space<vmem>>) dst(%dma_wait3A_60 : memref<80x128xf32, #tpu.memory_space<vmem_shared>>)
      tpu.yield
    }) : () -> ()
    %mul3A_32 = arith.constant 624 : i32
    %mul3A_33 = arith.muli %arg1, %mul3A_32 : i32
    %add3A_34 = arith.constant 560 : i32
    %add3A_35 = arith.addi %mul3A_33, %add3A_34 : i32
    "tpu.region"() ({
      %run_scoped3A = tpu.sem_alloc : memref<!tpu.dma_semaphore, #tpu.memory_space<semaphore_mem>>
      %dma_start3A = arith.constant 0 : i32
      %dma_start3A_55 = arith.constant 0 : i32
      %dma_start3A_56 = tpu.memref_slice %arg4[%dma_start3A, %dma_start3A_55] : memref<80x128xf32, #tpu.memory_space<vmem>> -> memref<64x128xf32, #tpu.memory_space<vmem>>
      %dma_start3A_57 = arith.constant 0 : i32
      %dma_start3A_58 = tpu.memref_slice %arg6[%add3A_35, %dma_start3A_57] : memref<10000x128xf32, #tpu.memory_space<vmem_shared>> -> memref<64x128xf32, #tpu.memory_space<vmem_shared>>
      %dma_start3A_59 = arith.constant 0 : i32
      %dma_start3A_60 = tpu.memref_slice %arg6[%add3A_35, %dma_start3A_59] : memref<10000x128xf32, #tpu.memory_space<vmem_shared>> -> memref<64x128xf32, #tpu.memory_space<vmem_shared>>
      %dma_start3A_61 = arith.constant 0 : i32
      %dma_start3A_62 = arith.constant 0 : i32
      %dma_start3A_63 = tpu.memref_slice %arg4[%dma_start3A_61, %dma_start3A_62] : memref<80x128xf32, #tpu.memory_space<vmem>> -> memref<64x128xf32, #tpu.memory_space<vmem>>
      tpu.enqueue_dma source(%dma_start3A_63 : memref<64x128xf32, #tpu.memory_space<vmem>>) target(%dma_start3A_60 : memref<64x128xf32, #tpu.memory_space<vmem_shared>>) target_semaphore(%run_scoped3A : memref<!tpu.dma_semaphore, #tpu.memory_space<semaphore_mem>>)
      %dma_wait3A = arith.constant 0 : i32
      %dma_wait3A_64 = arith.constant 0 : i32
      %dma_wait3A_65 = tpu.memref_slice %arg4[%dma_wait3A, %dma_wait3A_64] : memref<80x128xf32, #tpu.memory_space<vmem>> -> memref<64x128xf32, #tpu.memory_space<vmem>>
      %dma_wait3A_66 = arith.constant 0 : i32
      %dma_wait3A_67 = tpu.memref_slice %arg6[%add3A_35, %dma_wait3A_66] : memref<10000x128xf32, #tpu.memory_space<vmem_shared>> -> memref<64x128xf32, #tpu.memory_space<vmem_shared>>
      %dma_wait3A_68 = arith.constant 0 : i32
      %dma_wait3A_69 = tpu.memref_slice %arg6[%add3A_35, %dma_wait3A_68] : memref<10000x128xf32, #tpu.memory_space<vmem_shared>> -> memref<64x128xf32, #tpu.memory_space<vmem_shared>>
      %dma_wait3A_70 = arith.constant 0 : i32
      %dma_wait3A_71 = arith.constant 0 : i32
      %dma_wait3A_72 = tpu.memref_slice %arg4[%dma_wait3A_70, %dma_wait3A_71] : memref<80x128xf32, #tpu.memory_space<vmem>> -> memref<64x128xf32, #tpu.memory_space<vmem>>
      tpu.wait_dma2 semaphore(%run_scoped3A : memref<!tpu.dma_semaphore, #tpu.memory_space<semaphore_mem>>) src(%dma_wait3A_72 : memref<64x128xf32, #tpu.memory_space<vmem>>) dst(%dma_wait3A_69 : memref<64x128xf32, #tpu.memory_space<vmem_shared>>)
      tpu.yield
    }) : () -> ()
    %eq3A = arith.constant 15 : i32
    %eq3A_36 = arith.cmpi eq, %arg1, %eq3A : i32
    %convert_element_type3A = arith.extui %eq3A_36 : i1 to i32
    %cond3A = arith.constant 0 : i32
    %cond3A_37 = arith.cmpi ne, %convert_element_type3A, %cond3A : i32
    scf.if %cond3A_37 {
      "tpu.region"() ({
        %run_scoped3A = tpu.sem_alloc : memref<!tpu.dma_semaphore, #tpu.memory_space<semaphore_mem>>
        %dma_start3A = arith.constant 0 : i32
        %dma_start3A_55 = arith.constant 0 : i32
        %dma_start3A_56 = tpu.memref_slice %arg4[%dma_start3A, %dma_start3A_55] : memref<80x128xf32, #tpu.memory_space<vmem>> -> memref<16x128xf32, #tpu.memory_space<vmem>>
        %dma_start3A_57 = arith.constant 9984 : i32
        %dma_start3A_58 = arith.constant 0 : i32
        %dma_start3A_59 = tpu.memref_slice %arg6[%dma_start3A_57, %dma_start3A_58] : memref<10000x128xf32, #tpu.memory_space<vmem_shared>> -> memref<16x128xf32, #tpu.memory_space<vmem_shared>>
        %dma_start3A_60 = arith.constant 9984 : i32
        %dma_start3A_61 = arith.constant 0 : i32
        %dma_start3A_62 = tpu.memref_slice %arg6[%dma_start3A_60, %dma_start3A_61] : memref<10000x128xf32, #tpu.memory_space<vmem_shared>> -> memref<16x128xf32, #tpu.memory_space<vmem_shared>>
        %dma_start3A_63 = arith.constant 0 : i32
        %dma_start3A_64 = arith.constant 0 : i32
        %dma_start3A_65 = tpu.memref_slice %arg4[%dma_start3A_63, %dma_start3A_64] : memref<80x128xf32, #tpu.memory_space<vmem>> -> memref<16x128xf32, #tpu.memory_space<vmem>>
        tpu.enqueue_dma source(%dma_start3A_65 : memref<16x128xf32, #tpu.memory_space<vmem>>) target(%dma_start3A_62 : memref<16x128xf32, #tpu.memory_space<vmem_shared>>) target_semaphore(%run_scoped3A : memref<!tpu.dma_semaphore, #tpu.memory_space<semaphore_mem>>)
        %dma_wait3A = arith.constant 0 : i32
        %dma_wait3A_66 = arith.constant 0 : i32
        %dma_wait3A_67 = tpu.memref_slice %arg4[%dma_wait3A, %dma_wait3A_66] : memref<80x128xf32, #tpu.memory_space<vmem>> -> memref<16x128xf32, #tpu.memory_space<vmem>>
        %dma_wait3A_68 = arith.constant 9984 : i32
        %dma_wait3A_69 = arith.constant 0 : i32
        %dma_wait3A_70 = tpu.memref_slice %arg6[%dma_wait3A_68, %dma_wait3A_69] : memref<10000x128xf32, #tpu.memory_space<vmem_shared>> -> memref<16x128xf32, #tpu.memory_space<vmem_shared>>
        %dma_wait3A_71 = arith.constant 9984 : i32
        %dma_wait3A_72 = arith.constant 0 : i32
        %dma_wait3A_73 = tpu.memref_slice %arg6[%dma_wait3A_71, %dma_wait3A_72] : memref<10000x128xf32, #tpu.memory_space<vmem_shared>> -> memref<16x128xf32, #tpu.memory_space<vmem_shared>>
        %dma_wait3A_74 = arith.constant 0 : i32
        %dma_wait3A_75 = arith.constant 0 : i32
        %dma_wait3A_76 = tpu.memref_slice %arg4[%dma_wait3A_74, %dma_wait3A_75] : memref<80x128xf32, #tpu.memory_space<vmem>> -> memref<16x128xf32, #tpu.memory_space<vmem>>
        tpu.wait_dma2 semaphore(%run_scoped3A : memref<!tpu.dma_semaphore, #tpu.memory_space<semaphore_mem>>) src(%dma_wait3A_76 : memref<16x128xf32, #tpu.memory_space<vmem>>) dst(%dma_wait3A_73 : memref<16x128xf32, #tpu.memory_space<vmem_shared>>)
        tpu.yield
      }) : () -> ()
    } else {
    }
    %barrier3A = arith.constant 0 : index
    tpu.barrier barrier_id(%barrier3A)
    %scan3A_38 = arith.constant 0 : i32
    %scan3A_39 = arith.constant 0 : i32
    %scan3A_40 = arith.constant 5 : i32
    %scan3A_41 = arith.addi %scan3A_39, %scan3A_40 : i32
    %scan3A_42 = arith.constant 1 : i32
    %scan3A_43 = scf.for %scan3A_55 = %scan3A_39 to %scan3A_41 step %scan3A_42 iter_args(%scan3A_56 = %scan3A_38) -> (i32)  : i32 {
      %mul3A_57 = arith.constant 5 : i32
      %mul3A_58 = arith.muli %arg1, %mul3A_57 : i32
      %add3A_59 = arith.addi %mul3A_58, %scan3A_55 : i32
      "tpu.region"() ({
        %run_scoped3A = tpu.sem_alloc : memref<!tpu.dma_semaphore, #tpu.memory_space<semaphore_mem>>
        %dma_start3A_759 = arith.constant 0 : i32
        %dma_start3A_760 = arith.constant 0 : i32
        %dma_start3A_761 = tpu.memref_slice %arg2[%arg0, %add3A_59, %dma_start3A_759, %dma_start3A_760] : memref<2x80x50x80xi32, #tpu.memory_space<hbm>> -> memref<1x1x50x80xi32, #tpu.memory_space<hbm>>
        %dma_start3A_762 = tpu.memref_squeeze %dma_start3A_761 : memref<1x1x50x80xi32, #tpu.memory_space<hbm>> -> memref<50x80xi32, #tpu.memory_space<hbm>>
        %dma_start3A_763 = arith.constant 0 : i32
        %dma_start3A_764 = arith.constant 0 : i32
        %dma_start3A_765 = tpu.memref_slice %arg2[%arg0, %add3A_59, %dma_start3A_763, %dma_start3A_764] : memref<2x80x50x80xi32, #tpu.memory_space<hbm>> -> memref<1x1x50x80xi32, #tpu.memory_space<hbm>>
        %dma_start3A_766 = tpu.memref_squeeze %dma_start3A_765 : memref<1x1x50x80xi32, #tpu.memory_space<hbm>> -> memref<50x80xi32, #tpu.memory_space<hbm>>
        tpu.enqueue_dma source(%dma_start3A_766 : memref<50x80xi32, #tpu.memory_space<hbm>>) target(%arg5 : memref<50x80xi32, #tpu.memory_space<vmem>>) target_semaphore(%run_scoped3A : memref<!tpu.dma_semaphore, #tpu.memory_space<semaphore_mem>>)
        %dma_wait3A_767 = arith.constant 0 : i32
        %dma_wait3A_768 = arith.constant 0 : i32
        %dma_wait3A_769 = tpu.memref_slice %arg2[%arg0, %add3A_59, %dma_wait3A_767, %dma_wait3A_768] : memref<2x80x50x80xi32, #tpu.memory_space<hbm>> -> memref<1x1x50x80xi32, #tpu.memory_space<hbm>>
        %dma_wait3A_770 = tpu.memref_squeeze %dma_wait3A_769 : memref<1x1x50x80xi32, #tpu.memory_space<hbm>> -> memref<50x80xi32, #tpu.memory_space<hbm>>
        %dma_wait3A_771 = arith.constant 0 : i32
        %dma_wait3A_772 = arith.constant 0 : i32
        %dma_wait3A_773 = tpu.memref_slice %arg2[%arg0, %add3A_59, %dma_wait3A_771, %dma_wait3A_772] : memref<2x80x50x80xi32, #tpu.memory_space<hbm>> -> memref<1x1x50x80xi32, #tpu.memory_space<hbm>>
        %dma_wait3A_774 = tpu.memref_squeeze %dma_wait3A_773 : memref<1x1x50x80xi32, #tpu.memory_space<hbm>> -> memref<50x80xi32, #tpu.memory_space<hbm>>
        tpu.wait_dma2 semaphore(%run_scoped3A : memref<!tpu.dma_semaphore, #tpu.memory_space<semaphore_mem>>) src(%dma_wait3A_774 : memref<50x80xi32, #tpu.memory_space<hbm>>) dst(%arg5 : memref<50x80xi32, #tpu.memory_space<vmem>>)
        tpu.yield
      }) : () -> ()
      %dma_start3A = arith.constant 0 : i32
      %dma_start3A_60 = arith.constant 0 : i32
      %dma_start3A_61 = tpu.memref_slice %arg5[%dma_start3A, %dma_start3A_60] : memref<50x80xi32, #tpu.memory_space<vmem>> -> memref<1x80xi32, #tpu.memory_space<vmem>>
      %dma_start3A_62 = tpu.memref_squeeze %dma_start3A_61 : memref<1x80xi32, #tpu.memory_space<vmem>> -> memref<80xi32, #tpu.memory_space<vmem>>
      %dma_start3A_63 = arith.constant 0 : i32
      %dma_start3A_64 = arith.constant 0 : i32
      %dma_start3A_65 = tpu.memref_slice %arg6[%dma_start3A_63, %dma_start3A_64] : memref<10000x128xf32, #tpu.memory_space<vmem_shared>> -> memref<10000x128xf32, #tpu.memory_space<vmem_shared>>
      tpu.enqueue_indirect_dma source(%arg4 : memref<80x128xf32, #tpu.memory_space<vmem>>) target(%dma_start3A_65 : memref<10000x128xf32, #tpu.memory_space<vmem_shared>>) offsets(%dma_start3A_62 : memref<80xi32, #tpu.memory_space<vmem>>) semaphore(%arg7 : memref<!tpu.dma_semaphore, #tpu.memory_space<semaphore_mem>>) {add = true}
      %dma_start3A_66 = arith.constant 1 : i32
      %dma_start3A_67 = arith.constant 0 : i32
      %dma_start3A_68 = tpu.memref_slice %arg5[%dma_start3A_66, %dma_start3A_67] : memref<50x80xi32, #tpu.memory_space<vmem>> -> memref<1x80xi32, #tpu.memory_space<vmem>>
      %dma_start3A_69 = tpu.memref_squeeze %dma_start3A_68 : memref<1x80xi32, #tpu.memory_space<vmem>> -> memref<80xi32, #tpu.memory_space<vmem>>
      %dma_start3A_70 = arith.constant 0 : i32
      %dma_start3A_71 = arith.constant 0 : i32
      %dma_start3A_72 = tpu.memref_slice %arg6[%dma_start3A_70, %dma_start3A_71] : memref<10000x128xf32, #tpu.memory_space<vmem_shared>> -> memref<10000x128xf32, #tpu.memory_space<vmem_shared>>
      tpu.enqueue_indirect_dma source(%arg4 : memref<80x128xf32, #tpu.memory_space<vmem>>) target(%dma_start3A_72 : memref<10000x128xf32, #tpu.memory_space<vmem_shared>>) offsets(%dma_start3A_69 : memref<80xi32, #tpu.memory_space<vmem>>) semaphore(%arg7 : memref<!tpu.dma_semaphore, #tpu.memory_space<semaphore_mem>>) {add = true}
      %dma_start3A_73 = arith.constant 2 : i32
      %dma_start3A_74 = arith.constant 0 : i32
      %dma_start3A_75 = tpu.memref_slice %arg5[%dma_start3A_73, %dma_start3A_74] : memref<50x80xi32, #tpu.memory_space<vmem>> -> memref<1x80xi32, #tpu.memory_space<vmem>>
      %dma_start3A_76 = tpu.memref_squeeze %dma_start3A_75 : memref<1x80xi32, #tpu.memory_space<vmem>> -> memref<80xi32, #tpu.memory_space<vmem>>
      %dma_start3A_77 = arith.constant 0 : i32
      %dma_start3A_78 = arith.constant 0 : i32
      %dma_start3A_79 = tpu.memref_slice %arg6[%dma_start3A_77, %dma_start3A_78] : memref<10000x128xf32, #tpu.memory_space<vmem_shared>> -> memref<10000x128xf32, #tpu.memory_space<vmem_shared>>
      tpu.enqueue_indirect_dma source(%arg4 : memref<80x128xf32, #tpu.memory_space<vmem>>) target(%dma_start3A_79 : memref<10000x128xf32, #tpu.memory_space<vmem_shared>>) offsets(%dma_start3A_76 : memref<80xi32, #tpu.memory_space<vmem>>) semaphore(%arg7 : memref<!tpu.dma_semaphore, #tpu.memory_space<semaphore_mem>>) {add = true}
      %dma_start3A_80 = arith.constant 3 : i32
      %dma_start3A_81 = arith.constant 0 : i32
      %dma_start3A_82 = tpu.memref_slice %arg5[%dma_start3A_80, %dma_start3A_81] : memref<50x80xi32, #tpu.memory_space<vmem>> -> memref<1x80xi32, #tpu.memory_space<vmem>>
      %dma_start3A_83 = tpu.memref_squeeze %dma_start3A_82 : memref<1x80xi32, #tpu.memory_space<vmem>> -> memref<80xi32, #tpu.memory_space<vmem>>
      %dma_start3A_84 = arith.constant 0 : i32
      %dma_start3A_85 = arith.constant 0 : i32
      %dma_start3A_86 = tpu.memref_slice %arg6[%dma_start3A_84, %dma_start3A_85] : memref<10000x128xf32, #tpu.memory_space<vmem_shared>> -> memref<10000x128xf32, #tpu.memory_space<vmem_shared>>
      tpu.enqueue_indirect_dma source(%arg4 : memref<80x128xf32, #tpu.memory_space<vmem>>) target(%dma_start3A_86 : memref<10000x128xf32, #tpu.memory_space<vmem_shared>>) offsets(%dma_start3A_83 : memref<80xi32, #tpu.memory_space<vmem>>) semaphore(%arg7 : memref<!tpu.dma_semaphore, #tpu.memory_space<semaphore_mem>>) {add = true}
      %dma_start3A_87 = arith.constant 4 : i32
      %dma_start3A_88 = arith.constant 0 : i32
      %dma_start3A_89 = tpu.memref_slice %arg5[%dma_start3A_87, %dma_start3A_88] : memref<50x80xi32, #tpu.memory_space<vmem>> -> memref<1x80xi32, #tpu.memory_space<vmem>>
      %dma_start3A_90 = tpu.memref_squeeze %dma_start3A_89 : memref<1x80xi32, #tpu.memory_space<vmem>> -> memref<80xi32, #tpu.memory_space<vmem>>
      %dma_start3A_91 = arith.constant 0 : i32
      %dma_start3A_92 = arith.constant 0 : i32
      %dma_start3A_93 = tpu.memref_slice %arg6[%dma_start3A_91, %dma_start3A_92] : memref<10000x128xf32, #tpu.memory_space<vmem_shared>> -> memref<10000x128xf32, #tpu.memory_space<vmem_shared>>
      tpu.enqueue_indirect_dma source(%arg4 : memref<80x128xf32, #tpu.memory_space<vmem>>) target(%dma_start3A_93 : memref<10000x128xf32, #tpu.memory_space<vmem_shared>>) offsets(%dma_start3A_90 : memref<80xi32, #tpu.memory_space<vmem>>) semaphore(%arg7 : memref<!tpu.dma_semaphore, #tpu.memory_space<semaphore_mem>>) {add = true}
      %dma_start3A_94 = arith.constant 5 : i32
      %dma_start3A_95 = arith.constant 0 : i32
      %dma_start3A_96 = tpu.memref_slice %arg5[%dma_start3A_94, %dma_start3A_95] : memref<50x80xi32, #tpu.memory_space<vmem>> -> memref<1x80xi32, #tpu.memory_space<vmem>>
      %dma_start3A_97 = tpu.memref_squeeze %dma_start3A_96 : memref<1x80xi32, #tpu.memory_space<vmem>> -> memref<80xi32, #tpu.memory_space<vmem>>
      %dma_start3A_98 = arith.constant 0 : i32
      %dma_start3A_99 = arith.constant 0 : i32
      %dma_start3A_100 = tpu.memref_slice %arg6[%dma_start3A_98, %dma_start3A_99] : memref<10000x128xf32, #tpu.memory_space<vmem_shared>> -> memref<10000x128xf32, #tpu.memory_space<vmem_shared>>
      tpu.enqueue_indirect_dma source(%arg4 : memref<80x128xf32, #tpu.memory_space<vmem>>) target(%dma_start3A_100 : memref<10000x128xf32, #tpu.memory_space<vmem_shared>>) offsets(%dma_start3A_97 : memref<80xi32, #tpu.memory_space<vmem>>) semaphore(%arg7 : memref<!tpu.dma_semaphore, #tpu.memory_space<semaphore_mem>>) {add = true}
      %dma_start3A_101 = arith.constant 6 : i32
      %dma_start3A_102 = arith.constant 0 : i32
      %dma_start3A_103 = tpu.memref_slice %arg5[%dma_start3A_101, %dma_start3A_102] : memref<50x80xi32, #tpu.memory_space<vmem>> -> memref<1x80xi32, #tpu.memory_space<vmem>>
      %dma_start3A_104 = tpu.memref_squeeze %dma_start3A_103 : memref<1x80xi32, #tpu.memory_space<vmem>> -> memref<80xi32, #tpu.memory_space<vmem>>
      %dma_start3A_105 = arith.constant 0 : i32
      %dma_start3A_106 = arith.constant 0 : i32
      %dma_start3A_107 = tpu.memref_slice %arg6[%dma_start3A_105, %dma_start3A_106] : memref<10000x128xf32, #tpu.memory_space<vmem_shared>> -> memref<10000x128xf32, #tpu.memory_space<vmem_shared>>
      tpu.enqueue_indirect_dma source(%arg4 : memref<80x128xf32, #tpu.memory_space<vmem>>) target(%dma_start3A_107 : memref<10000x128xf32, #tpu.memory_space<vmem_shared>>) offsets(%dma_start3A_104 : memref<80xi32, #tpu.memory_space<vmem>>) semaphore(%arg7 : memref<!tpu.dma_semaphore, #tpu.memory_space<semaphore_mem>>) {add = true}
      %dma_start3A_108 = arith.constant 7 : i32
      %dma_start3A_109 = arith.constant 0 : i32
      %dma_start3A_110 = tpu.memref_slice %arg5[%dma_start3A_108, %dma_start3A_109] : memref<50x80xi32, #tpu.memory_space<vmem>> -> memref<1x80xi32, #tpu.memory_space<vmem>>
      %dma_start3A_111 = tpu.memref_squeeze %dma_start3A_110 : memref<1x80xi32, #tpu.memory_space<vmem>> -> memref<80xi32, #tpu.memory_space<vmem>>
      %dma_start3A_112 = arith.constant 0 : i32
      %dma_start3A_113 = arith.constant 0 : i32
      %dma_start3A_114 = tpu.memref_slice %arg6[%dma_start3A_112, %dma_start3A_113] : memref<10000x128xf32, #tpu.memory_space<vmem_shared>> -> memref<10000x128xf32, #tpu.memory_space<vmem_shared>>
      tpu.enqueue_indirect_dma source(%arg4 : memref<80x128xf32, #tpu.memory_space<vmem>>) target(%dma_start3A_114 : memref<10000x128xf32, #tpu.memory_space<vmem_shared>>) offsets(%dma_start3A_111 : memref<80xi32, #tpu.memory_space<vmem>>) semaphore(%arg7 : memref<!tpu.dma_semaphore, #tpu.memory_space<semaphore_mem>>) {add = true}
      %dma_start3A_115 = arith.constant 8 : i32
      %dma_start3A_116 = arith.constant 0 : i32
      %dma_start3A_117 = tpu.memref_slice %arg5[%dma_start3A_115, %dma_start3A_116] : memref<50x80xi32, #tpu.memory_space<vmem>> -> memref<1x80xi32, #tpu.memory_space<vmem>>
      %dma_start3A_118 = tpu.memref_squeeze %dma_start3A_117 : memref<1x80xi32, #tpu.memory_space<vmem>> -> memref<80xi32, #tpu.memory_space<vmem>>
      %dma_start3A_119 = arith.constant 0 : i32
      %dma_start3A_120 = arith.constant 0 : i32
      %dma_start3A_121 = tpu.memref_slice %arg6[%dma_start3A_119, %dma_start3A_120] : memref<10000x128xf32, #tpu.memory_space<vmem_shared>> -> memref<10000x128xf32, #tpu.memory_space<vmem_shared>>
      tpu.enqueue_indirect_dma source(%arg4 : memref<80x128xf32, #tpu.memory_space<vmem>>) target(%dma_start3A_121 : memref<10000x128xf32, #tpu.memory_space<vmem_shared>>) offsets(%dma_start3A_118 : memref<80xi32, #tpu.memory_space<vmem>>) semaphore(%arg7 : memref<!tpu.dma_semaphore, #tpu.memory_space<semaphore_mem>>) {add = true}
      %dma_start3A_122 = arith.constant 9 : i32
      %dma_start3A_123 = arith.constant 0 : i32
      %dma_start3A_124 = tpu.memref_slice %arg5[%dma_start3A_122, %dma_start3A_123] : memref<50x80xi32, #tpu.memory_space<vmem>> -> memref<1x80xi32, #tpu.memory_space<vmem>>
      %dma_start3A_125 = tpu.memref_squeeze %dma_start3A_124 : memref<1x80xi32, #tpu.memory_space<vmem>> -> memref<80xi32, #tpu.memory_space<vmem>>
      %dma_start3A_126 = arith.constant 0 : i32
      %dma_start3A_127 = arith.constant 0 : i32
      %dma_start3A_128 = tpu.memref_slice %arg6[%dma_start3A_126, %dma_start3A_127] : memref<10000x128xf32, #tpu.memory_space<vmem_shared>> -> memref<10000x128xf32, #tpu.memory_space<vmem_shared>>
      tpu.enqueue_indirect_dma source(%arg4 : memref<80x128xf32, #tpu.memory_space<vmem>>) target(%dma_start3A_128 : memref<10000x128xf32, #tpu.memory_space<vmem_shared>>) offsets(%dma_start3A_125 : memref<80xi32, #tpu.memory_space<vmem>>) semaphore(%arg7 : memref<!tpu.dma_semaphore, #tpu.memory_space<semaphore_mem>>) {add = true}
      %dma_start3A_129 = arith.constant 10 : i32
      %dma_start3A_130 = arith.constant 0 : i32
      %dma_start3A_131 = tpu.memref_slice %arg5[%dma_start3A_129, %dma_start3A_130] : memref<50x80xi32, #tpu.memory_space<vmem>> -> memref<1x80xi32, #tpu.memory_space<vmem>>
      %dma_start3A_132 = tpu.memref_squeeze %dma_start3A_131 : memref<1x80xi32, #tpu.memory_space<vmem>> -> memref<80xi32, #tpu.memory_space<vmem>>
      %dma_start3A_133 = arith.constant 0 : i32
      %dma_start3A_134 = arith.constant 0 : i32
      %dma_start3A_135 = tpu.memref_slice %arg6[%dma_start3A_133, %dma_start3A_134] : memref<10000x128xf32, #tpu.memory_space<vmem_shared>> -> memref<10000x128xf32, #tpu.memory_space<vmem_shared>>
      tpu.enqueue_indirect_dma source(%arg4 : memref<80x128xf32, #tpu.memory_space<vmem>>) target(%dma_start3A_135 : memref<10000x128xf32, #tpu.memory_space<vmem_shared>>) offsets(%dma_start3A_132 : memref<80xi32, #tpu.memory_space<vmem>>) semaphore(%arg7 : memref<!tpu.dma_semaphore, #tpu.memory_space<semaphore_mem>>) {add = true}
      %dma_start3A_136 = arith.constant 11 : i32
      %dma_start3A_137 = arith.constant 0 : i32
      %dma_start3A_138 = tpu.memref_slice %arg5[%dma_start3A_136, %dma_start3A_137] : memref<50x80xi32, #tpu.memory_space<vmem>> -> memref<1x80xi32, #tpu.memory_space<vmem>>
      %dma_start3A_139 = tpu.memref_squeeze %dma_start3A_138 : memref<1x80xi32, #tpu.memory_space<vmem>> -> memref<80xi32, #tpu.memory_space<vmem>>
      %dma_start3A_140 = arith.constant 0 : i32
      %dma_start3A_141 = arith.constant 0 : i32
      %dma_start3A_142 = tpu.memref_slice %arg6[%dma_start3A_140, %dma_start3A_141] : memref<10000x128xf32, #tpu.memory_space<vmem_shared>> -> memref<10000x128xf32, #tpu.memory_space<vmem_shared>>
      tpu.enqueue_indirect_dma source(%arg4 : memref<80x128xf32, #tpu.memory_space<vmem>>) target(%dma_start3A_142 : memref<10000x128xf32, #tpu.memory_space<vmem_shared>>) offsets(%dma_start3A_139 : memref<80xi32, #tpu.memory_space<vmem>>) semaphore(%arg7 : memref<!tpu.dma_semaphore, #tpu.memory_space<semaphore_mem>>) {add = true}
      %dma_start3A_143 = arith.constant 12 : i32
      %dma_start3A_144 = arith.constant 0 : i32
      %dma_start3A_145 = tpu.memref_slice %arg5[%dma_start3A_143, %dma_start3A_144] : memref<50x80xi32, #tpu.memory_space<vmem>> -> memref<1x80xi32, #tpu.memory_space<vmem>>
      %dma_start3A_146 = tpu.memref_squeeze %dma_start3A_145 : memref<1x80xi32, #tpu.memory_space<vmem>> -> memref<80xi32, #tpu.memory_space<vmem>>
      %dma_start3A_147 = arith.constant 0 : i32
      %dma_start3A_148 = arith.constant 0 : i32
      %dma_start3A_149 = tpu.memref_slice %arg6[%dma_start3A_147, %dma_start3A_148] : memref<10000x128xf32, #tpu.memory_space<vmem_shared>> -> memref<10000x128xf32, #tpu.memory_space<vmem_shared>>
      tpu.enqueue_indirect_dma source(%arg4 : memref<80x128xf32, #tpu.memory_space<vmem>>) target(%dma_start3A_149 : memref<10000x128xf32, #tpu.memory_space<vmem_shared>>) offsets(%dma_start3A_146 : memref<80xi32, #tpu.memory_space<vmem>>) semaphore(%arg7 : memref<!tpu.dma_semaphore, #tpu.memory_space<semaphore_mem>>) {add = true}
      %dma_start3A_150 = arith.constant 13 : i32
      %dma_start3A_151 = arith.constant 0 : i32
      %dma_start3A_152 = tpu.memref_slice %arg5[%dma_start3A_150, %dma_start3A_151] : memref<50x80xi32, #tpu.memory_space<vmem>> -> memref<1x80xi32, #tpu.memory_space<vmem>>
      %dma_start3A_153 = tpu.memref_squeeze %dma_start3A_152 : memref<1x80xi32, #tpu.memory_space<vmem>> -> memref<80xi32, #tpu.memory_space<vmem>>
      %dma_start3A_154 = arith.constant 0 : i32
      %dma_start3A_155 = arith.constant 0 : i32
      %dma_start3A_156 = tpu.memref_slice %arg6[%dma_start3A_154, %dma_start3A_155] : memref<10000x128xf32, #tpu.memory_space<vmem_shared>> -> memref<10000x128xf32, #tpu.memory_space<vmem_shared>>
      tpu.enqueue_indirect_dma source(%arg4 : memref<80x128xf32, #tpu.memory_space<vmem>>) target(%dma_start3A_156 : memref<10000x128xf32, #tpu.memory_space<vmem_shared>>) offsets(%dma_start3A_153 : memref<80xi32, #tpu.memory_space<vmem>>) semaphore(%arg7 : memref<!tpu.dma_semaphore, #tpu.memory_space<semaphore_mem>>) {add = true}
      %dma_start3A_157 = arith.constant 14 : i32
      %dma_start3A_158 = arith.constant 0 : i32
      %dma_start3A_159 = tpu.memref_slice %arg5[%dma_start3A_157, %dma_start3A_158] : memref<50x80xi32, #tpu.memory_space<vmem>> -> memref<1x80xi32, #tpu.memory_space<vmem>>
      %dma_start3A_160 = tpu.memref_squeeze %dma_start3A_159 : memref<1x80xi32, #tpu.memory_space<vmem>> -> memref<80xi32, #tpu.memory_space<vmem>>
      %dma_start3A_161 = arith.constant 0 : i32
      %dma_start3A_162 = arith.constant 0 : i32
      %dma_start3A_163 = tpu.memref_slice %arg6[%dma_start3A_161, %dma_start3A_162] : memref<10000x128xf32, #tpu.memory_space<vmem_shared>> -> memref<10000x128xf32, #tpu.memory_space<vmem_shared>>
      tpu.enqueue_indirect_dma source(%arg4 : memref<80x128xf32, #tpu.memory_space<vmem>>) target(%dma_start3A_163 : memref<10000x128xf32, #tpu.memory_space<vmem_shared>>) offsets(%dma_start3A_160 : memref<80xi32, #tpu.memory_space<vmem>>) semaphore(%arg7 : memref<!tpu.dma_semaphore, #tpu.memory_space<semaphore_mem>>) {add = true}
      %dma_start3A_164 = arith.constant 15 : i32
      %dma_start3A_165 = arith.constant 0 : i32
      %dma_start3A_166 = tpu.memref_slice %arg5[%dma_start3A_164, %dma_start3A_165] : memref<50x80xi32, #tpu.memory_space<vmem>> -> memref<1x80xi32, #tpu.memory_space<vmem>>
      %dma_start3A_167 = tpu.memref_squeeze %dma_start3A_166 : memref<1x80xi32, #tpu.memory_space<vmem>> -> memref<80xi32, #tpu.memory_space<vmem>>
      %dma_start3A_168 = arith.constant 0 : i32
      %dma_start3A_169 = arith.constant 0 : i32
      %dma_start3A_170 = tpu.memref_slice %arg6[%dma_start3A_168, %dma_start3A_169] : memref<10000x128xf32, #tpu.memory_space<vmem_shared>> -> memref<10000x128xf32, #tpu.memory_space<vmem_shared>>
      tpu.enqueue_indirect_dma source(%arg4 : memref<80x128xf32, #tpu.memory_space<vmem>>) target(%dma_start3A_170 : memref<10000x128xf32, #tpu.memory_space<vmem_shared>>) offsets(%dma_start3A_167 : memref<80xi32, #tpu.memory_space<vmem>>) semaphore(%arg7 : memref<!tpu.dma_semaphore, #tpu.memory_space<semaphore_mem>>) {add = true}
      %dma_start3A_171 = arith.constant 16 : i32
      %dma_start3A_172 = arith.constant 0 : i32
      %dma_start3A_173 = tpu.memref_slice %arg5[%dma_start3A_171, %dma_start3A_172] : memref<50x80xi32, #tpu.memory_space<vmem>> -> memref<1x80xi32, #tpu.memory_space<vmem>>
      %dma_start3A_174 = tpu.memref_squeeze %dma_start3A_173 : memref<1x80xi32, #tpu.memory_space<vmem>> -> memref<80xi32, #tpu.memory_space<vmem>>
      %dma_start3A_175 = arith.constant 0 : i32
      %dma_start3A_176 = arith.constant 0 : i32
      %dma_start3A_177 = tpu.memref_slice %arg6[%dma_start3A_175, %dma_start3A_176] : memref<10000x128xf32, #tpu.memory_space<vmem_shared>> -> memref<10000x128xf32, #tpu.memory_space<vmem_shared>>
      tpu.enqueue_indirect_dma source(%arg4 : memref<80x128xf32, #tpu.memory_space<vmem>>) target(%dma_start3A_177 : memref<10000x128xf32, #tpu.memory_space<vmem_shared>>) offsets(%dma_start3A_174 : memref<80xi32, #tpu.memory_space<vmem>>) semaphore(%arg7 : memref<!tpu.dma_semaphore, #tpu.memory_space<semaphore_mem>>) {add = true}
      %dma_start3A_178 = arith.constant 17 : i32
      %dma_start3A_179 = arith.constant 0 : i32
      %dma_start3A_180 = tpu.memref_slice %arg5[%dma_start3A_178, %dma_start3A_179] : memref<50x80xi32, #tpu.memory_space<vmem>> -> memref<1x80xi32, #tpu.memory_space<vmem>>
      %dma_start3A_181 = tpu.memref_squeeze %dma_start3A_180 : memref<1x80xi32, #tpu.memory_space<vmem>> -> memref<80xi32, #tpu.memory_space<vmem>>
      %dma_start3A_182 = arith.constant 0 : i32
      %dma_start3A_183 = arith.constant 0 : i32
      %dma_start3A_184 = tpu.memref_slice %arg6[%dma_start3A_182, %dma_start3A_183] : memref<10000x128xf32, #tpu.memory_space<vmem_shared>> -> memref<10000x128xf32, #tpu.memory_space<vmem_shared>>
      tpu.enqueue_indirect_dma source(%arg4 : memref<80x128xf32, #tpu.memory_space<vmem>>) target(%dma_start3A_184 : memref<10000x128xf32, #tpu.memory_space<vmem_shared>>) offsets(%dma_start3A_181 : memref<80xi32, #tpu.memory_space<vmem>>) semaphore(%arg7 : memref<!tpu.dma_semaphore, #tpu.memory_space<semaphore_mem>>) {add = true}
      %dma_start3A_185 = arith.constant 18 : i32
      %dma_start3A_186 = arith.constant 0 : i32
      %dma_start3A_187 = tpu.memref_slice %arg5[%dma_start3A_185, %dma_start3A_186] : memref<50x80xi32, #tpu.memory_space<vmem>> -> memref<1x80xi32, #tpu.memory_space<vmem>>
      %dma_start3A_188 = tpu.memref_squeeze %dma_start3A_187 : memref<1x80xi32, #tpu.memory_space<vmem>> -> memref<80xi32, #tpu.memory_space<vmem>>
      %dma_start3A_189 = arith.constant 0 : i32
      %dma_start3A_190 = arith.constant 0 : i32
      %dma_start3A_191 = tpu.memref_slice %arg6[%dma_start3A_189, %dma_start3A_190] : memref<10000x128xf32, #tpu.memory_space<vmem_shared>> -> memref<10000x128xf32, #tpu.memory_space<vmem_shared>>
      tpu.enqueue_indirect_dma source(%arg4 : memref<80x128xf32, #tpu.memory_space<vmem>>) target(%dma_start3A_191 : memref<10000x128xf32, #tpu.memory_space<vmem_shared>>) offsets(%dma_start3A_188 : memref<80xi32, #tpu.memory_space<vmem>>) semaphore(%arg7 : memref<!tpu.dma_semaphore, #tpu.memory_space<semaphore_mem>>) {add = true}
      %dma_start3A_192 = arith.constant 19 : i32
      %dma_start3A_193 = arith.constant 0 : i32
      %dma_start3A_194 = tpu.memref_slice %arg5[%dma_start3A_192, %dma_start3A_193] : memref<50x80xi32, #tpu.memory_space<vmem>> -> memref<1x80xi32, #tpu.memory_space<vmem>>
      %dma_start3A_195 = tpu.memref_squeeze %dma_start3A_194 : memref<1x80xi32, #tpu.memory_space<vmem>> -> memref<80xi32, #tpu.memory_space<vmem>>
      %dma_start3A_196 = arith.constant 0 : i32
      %dma_start3A_197 = arith.constant 0 : i32
      %dma_start3A_198 = tpu.memref_slice %arg6[%dma_start3A_196, %dma_start3A_197] : memref<10000x128xf32, #tpu.memory_space<vmem_shared>> -> memref<10000x128xf32, #tpu.memory_space<vmem_shared>>
      tpu.enqueue_indirect_dma source(%arg4 : memref<80x128xf32, #tpu.memory_space<vmem>>) target(%dma_start3A_198 : memref<10000x128xf32, #tpu.memory_space<vmem_shared>>) offsets(%dma_start3A_195 : memref<80xi32, #tpu.memory_space<vmem>>) semaphore(%arg7 : memref<!tpu.dma_semaphore, #tpu.memory_space<semaphore_mem>>) {add = true}
      %dma_start3A_199 = arith.constant 20 : i32
      %dma_start3A_200 = arith.constant 0 : i32
      %dma_start3A_201 = tpu.memref_slice %arg5[%dma_start3A_199, %dma_start3A_200] : memref<50x80xi32, #tpu.memory_space<vmem>> -> memref<1x80xi32, #tpu.memory_space<vmem>>
      %dma_start3A_202 = tpu.memref_squeeze %dma_start3A_201 : memref<1x80xi32, #tpu.memory_space<vmem>> -> memref<80xi32, #tpu.memory_space<vmem>>
      %dma_start3A_203 = arith.constant 0 : i32
      %dma_start3A_204 = arith.constant 0 : i32
      %dma_start3A_205 = tpu.memref_slice %arg6[%dma_start3A_203, %dma_start3A_204] : memref<10000x128xf32, #tpu.memory_space<vmem_shared>> -> memref<10000x128xf32, #tpu.memory_space<vmem_shared>>
      tpu.enqueue_indirect_dma source(%arg4 : memref<80x128xf32, #tpu.memory_space<vmem>>) target(%dma_start3A_205 : memref<10000x128xf32, #tpu.memory_space<vmem_shared>>) offsets(%dma_start3A_202 : memref<80xi32, #tpu.memory_space<vmem>>) semaphore(%arg7 : memref<!tpu.dma_semaphore, #tpu.memory_space<semaphore_mem>>) {add = true}
      %dma_start3A_206 = arith.constant 21 : i32
      %dma_start3A_207 = arith.constant 0 : i32
      %dma_start3A_208 = tpu.memref_slice %arg5[%dma_start3A_206, %dma_start3A_207] : memref<50x80xi32, #tpu.memory_space<vmem>> -> memref<1x80xi32, #tpu.memory_space<vmem>>
      %dma_start3A_209 = tpu.memref_squeeze %dma_start3A_208 : memref<1x80xi32, #tpu.memory_space<vmem>> -> memref<80xi32, #tpu.memory_space<vmem>>
      %dma_start3A_210 = arith.constant 0 : i32
      %dma_start3A_211 = arith.constant 0 : i32
      %dma_start3A_212 = tpu.memref_slice %arg6[%dma_start3A_210, %dma_start3A_211] : memref<10000x128xf32, #tpu.memory_space<vmem_shared>> -> memref<10000x128xf32, #tpu.memory_space<vmem_shared>>
      tpu.enqueue_indirect_dma source(%arg4 : memref<80x128xf32, #tpu.memory_space<vmem>>) target(%dma_start3A_212 : memref<10000x128xf32, #tpu.memory_space<vmem_shared>>) offsets(%dma_start3A_209 : memref<80xi32, #tpu.memory_space<vmem>>) semaphore(%arg7 : memref<!tpu.dma_semaphore, #tpu.memory_space<semaphore_mem>>) {add = true}
      %dma_start3A_213 = arith.constant 22 : i32
      %dma_start3A_214 = arith.constant 0 : i32
      %dma_start3A_215 = tpu.memref_slice %arg5[%dma_start3A_213, %dma_start3A_214] : memref<50x80xi32, #tpu.memory_space<vmem>> -> memref<1x80xi32, #tpu.memory_space<vmem>>
      %dma_start3A_216 = tpu.memref_squeeze %dma_start3A_215 : memref<1x80xi32, #tpu.memory_space<vmem>> -> memref<80xi32, #tpu.memory_space<vmem>>
      %dma_start3A_217 = arith.constant 0 : i32
      %dma_start3A_218 = arith.constant 0 : i32
      %dma_start3A_219 = tpu.memref_slice %arg6[%dma_start3A_217, %dma_start3A_218] : memref<10000x128xf32, #tpu.memory_space<vmem_shared>> -> memref<10000x128xf32, #tpu.memory_space<vmem_shared>>
      tpu.enqueue_indirect_dma source(%arg4 : memref<80x128xf32, #tpu.memory_space<vmem>>) target(%dma_start3A_219 : memref<10000x128xf32, #tpu.memory_space<vmem_shared>>) offsets(%dma_start3A_216 : memref<80xi32, #tpu.memory_space<vmem>>) semaphore(%arg7 : memref<!tpu.dma_semaphore, #tpu.memory_space<semaphore_mem>>) {add = true}
      %dma_start3A_220 = arith.constant 23 : i32
      %dma_start3A_221 = arith.constant 0 : i32
      %dma_start3A_222 = tpu.memref_slice %arg5[%dma_start3A_220, %dma_start3A_221] : memref<50x80xi32, #tpu.memory_space<vmem>> -> memref<1x80xi32, #tpu.memory_space<vmem>>
      %dma_start3A_223 = tpu.memref_squeeze %dma_start3A_222 : memref<1x80xi32, #tpu.memory_space<vmem>> -> memref<80xi32, #tpu.memory_space<vmem>>
      %dma_start3A_224 = arith.constant 0 : i32
      %dma_start3A_225 = arith.constant 0 : i32
      %dma_start3A_226 = tpu.memref_slice %arg6[%dma_start3A_224, %dma_start3A_225] : memref<10000x128xf32, #tpu.memory_space<vmem_shared>> -> memref<10000x128xf32, #tpu.memory_space<vmem_shared>>
      tpu.enqueue_indirect_dma source(%arg4 : memref<80x128xf32, #tpu.memory_space<vmem>>) target(%dma_start3A_226 : memref<10000x128xf32, #tpu.memory_space<vmem_shared>>) offsets(%dma_start3A_223 : memref<80xi32, #tpu.memory_space<vmem>>) semaphore(%arg7 : memref<!tpu.dma_semaphore, #tpu.memory_space<semaphore_mem>>) {add = true}
      %dma_start3A_227 = arith.constant 24 : i32
      %dma_start3A_228 = arith.constant 0 : i32
      %dma_start3A_229 = tpu.memref_slice %arg5[%dma_start3A_227, %dma_start3A_228] : memref<50x80xi32, #tpu.memory_space<vmem>> -> memref<1x80xi32, #tpu.memory_space<vmem>>
      %dma_start3A_230 = tpu.memref_squeeze %dma_start3A_229 : memref<1x80xi32, #tpu.memory_space<vmem>> -> memref<80xi32, #tpu.memory_space<vmem>>
      %dma_start3A_231 = arith.constant 0 : i32
      %dma_start3A_232 = arith.constant 0 : i32
      %dma_start3A_233 = tpu.memref_slice %arg6[%dma_start3A_231, %dma_start3A_232] : memref<10000x128xf32, #tpu.memory_space<vmem_shared>> -> memref<10000x128xf32, #tpu.memory_space<vmem_shared>>
      tpu.enqueue_indirect_dma source(%arg4 : memref<80x128xf32, #tpu.memory_space<vmem>>) target(%dma_start3A_233 : memref<10000x128xf32, #tpu.memory_space<vmem_shared>>) offsets(%dma_start3A_230 : memref<80xi32, #tpu.memory_space<vmem>>) semaphore(%arg7 : memref<!tpu.dma_semaphore, #tpu.memory_space<semaphore_mem>>) {add = true}
      %dma_start3A_234 = arith.constant 25 : i32
      %dma_start3A_235 = arith.constant 0 : i32
      %dma_start3A_236 = tpu.memref_slice %arg5[%dma_start3A_234, %dma_start3A_235] : memref<50x80xi32, #tpu.memory_space<vmem>> -> memref<1x80xi32, #tpu.memory_space<vmem>>
      %dma_start3A_237 = tpu.memref_squeeze %dma_start3A_236 : memref<1x80xi32, #tpu.memory_space<vmem>> -> memref<80xi32, #tpu.memory_space<vmem>>
      %dma_start3A_238 = arith.constant 0 : i32
      %dma_start3A_239 = arith.constant 0 : i32
      %dma_start3A_240 = tpu.memref_slice %arg6[%dma_start3A_238, %dma_start3A_239] : memref<10000x128xf32, #tpu.memory_space<vmem_shared>> -> memref<10000x128xf32, #tpu.memory_space<vmem_shared>>
      tpu.enqueue_indirect_dma source(%arg4 : memref<80x128xf32, #tpu.memory_space<vmem>>) target(%dma_start3A_240 : memref<10000x128xf32, #tpu.memory_space<vmem_shared>>) offsets(%dma_start3A_237 : memref<80xi32, #tpu.memory_space<vmem>>) semaphore(%arg7 : memref<!tpu.dma_semaphore, #tpu.memory_space<semaphore_mem>>) {add = true}
      %dma_start3A_241 = arith.constant 26 : i32
      %dma_start3A_242 = arith.constant 0 : i32
      %dma_start3A_243 = tpu.memref_slice %arg5[%dma_start3A_241, %dma_start3A_242] : memref<50x80xi32, #tpu.memory_space<vmem>> -> memref<1x80xi32, #tpu.memory_space<vmem>>
      %dma_start3A_244 = tpu.memref_squeeze %dma_start3A_243 : memref<1x80xi32, #tpu.memory_space<vmem>> -> memref<80xi32, #tpu.memory_space<vmem>>
      %dma_start3A_245 = arith.constant 0 : i32
      %dma_start3A_246 = arith.constant 0 : i32
      %dma_start3A_247 = tpu.memref_slice %arg6[%dma_start3A_245, %dma_start3A_246] : memref<10000x128xf32, #tpu.memory_space<vmem_shared>> -> memref<10000x128xf32, #tpu.memory_space<vmem_shared>>
      tpu.enqueue_indirect_dma source(%arg4 : memref<80x128xf32, #tpu.memory_space<vmem>>) target(%dma_start3A_247 : memref<10000x128xf32, #tpu.memory_space<vmem_shared>>) offsets(%dma_start3A_244 : memref<80xi32, #tpu.memory_space<vmem>>) semaphore(%arg7 : memref<!tpu.dma_semaphore, #tpu.memory_space<semaphore_mem>>) {add = true}
      %dma_start3A_248 = arith.constant 27 : i32
      %dma_start3A_249 = arith.constant 0 : i32
      %dma_start3A_250 = tpu.memref_slice %arg5[%dma_start3A_248, %dma_start3A_249] : memref<50x80xi32, #tpu.memory_space<vmem>> -> memref<1x80xi32, #tpu.memory_space<vmem>>
      %dma_start3A_251 = tpu.memref_squeeze %dma_start3A_250 : memref<1x80xi32, #tpu.memory_space<vmem>> -> memref<80xi32, #tpu.memory_space<vmem>>
      %dma_start3A_252 = arith.constant 0 : i32
      %dma_start3A_253 = arith.constant 0 : i32
      %dma_start3A_254 = tpu.memref_slice %arg6[%dma_start3A_252, %dma_start3A_253] : memref<10000x128xf32, #tpu.memory_space<vmem_shared>> -> memref<10000x128xf32, #tpu.memory_space<vmem_shared>>
      tpu.enqueue_indirect_dma source(%arg4 : memref<80x128xf32, #tpu.memory_space<vmem>>) target(%dma_start3A_254 : memref<10000x128xf32, #tpu.memory_space<vmem_shared>>) offsets(%dma_start3A_251 : memref<80xi32, #tpu.memory_space<vmem>>) semaphore(%arg7 : memref<!tpu.dma_semaphore, #tpu.memory_space<semaphore_mem>>) {add = true}
      %dma_start3A_255 = arith.constant 28 : i32
      %dma_start3A_256 = arith.constant 0 : i32
      %dma_start3A_257 = tpu.memref_slice %arg5[%dma_start3A_255, %dma_start3A_256] : memref<50x80xi32, #tpu.memory_space<vmem>> -> memref<1x80xi32, #tpu.memory_space<vmem>>
      %dma_start3A_258 = tpu.memref_squeeze %dma_start3A_257 : memref<1x80xi32, #tpu.memory_space<vmem>> -> memref<80xi32, #tpu.memory_space<vmem>>
      %dma_start3A_259 = arith.constant 0 : i32
      %dma_start3A_260 = arith.constant 0 : i32
      %dma_start3A_261 = tpu.memref_slice %arg6[%dma_start3A_259, %dma_start3A_260] : memref<10000x128xf32, #tpu.memory_space<vmem_shared>> -> memref<10000x128xf32, #tpu.memory_space<vmem_shared>>
      tpu.enqueue_indirect_dma source(%arg4 : memref<80x128xf32, #tpu.memory_space<vmem>>) target(%dma_start3A_261 : memref<10000x128xf32, #tpu.memory_space<vmem_shared>>) offsets(%dma_start3A_258 : memref<80xi32, #tpu.memory_space<vmem>>) semaphore(%arg7 : memref<!tpu.dma_semaphore, #tpu.memory_space<semaphore_mem>>) {add = true}
      %dma_start3A_262 = arith.constant 29 : i32
      %dma_start3A_263 = arith.constant 0 : i32
      %dma_start3A_264 = tpu.memref_slice %arg5[%dma_start3A_262, %dma_start3A_263] : memref<50x80xi32, #tpu.memory_space<vmem>> -> memref<1x80xi32, #tpu.memory_space<vmem>>
      %dma_start3A_265 = tpu.memref_squeeze %dma_start3A_264 : memref<1x80xi32, #tpu.memory_space<vmem>> -> memref<80xi32, #tpu.memory_space<vmem>>
      %dma_start3A_266 = arith.constant 0 : i32
      %dma_start3A_267 = arith.constant 0 : i32
      %dma_start3A_268 = tpu.memref_slice %arg6[%dma_start3A_266, %dma_start3A_267] : memref<10000x128xf32, #tpu.memory_space<vmem_shared>> -> memref<10000x128xf32, #tpu.memory_space<vmem_shared>>
      tpu.enqueue_indirect_dma source(%arg4 : memref<80x128xf32, #tpu.memory_space<vmem>>) target(%dma_start3A_268 : memref<10000x128xf32, #tpu.memory_space<vmem_shared>>) offsets(%dma_start3A_265 : memref<80xi32, #tpu.memory_space<vmem>>) semaphore(%arg7 : memref<!tpu.dma_semaphore, #tpu.memory_space<semaphore_mem>>) {add = true}
      %dma_start3A_269 = arith.constant 30 : i32
      %dma_start3A_270 = arith.constant 0 : i32
      %dma_start3A_271 = tpu.memref_slice %arg5[%dma_start3A_269, %dma_start3A_270] : memref<50x80xi32, #tpu.memory_space<vmem>> -> memref<1x80xi32, #tpu.memory_space<vmem>>
      %dma_start3A_272 = tpu.memref_squeeze %dma_start3A_271 : memref<1x80xi32, #tpu.memory_space<vmem>> -> memref<80xi32, #tpu.memory_space<vmem>>
      %dma_start3A_273 = arith.constant 0 : i32
      %dma_start3A_274 = arith.constant 0 : i32
      %dma_start3A_275 = tpu.memref_slice %arg6[%dma_start3A_273, %dma_start3A_274] : memref<10000x128xf32, #tpu.memory_space<vmem_shared>> -> memref<10000x128xf32, #tpu.memory_space<vmem_shared>>
      tpu.enqueue_indirect_dma source(%arg4 : memref<80x128xf32, #tpu.memory_space<vmem>>) target(%dma_start3A_275 : memref<10000x128xf32, #tpu.memory_space<vmem_shared>>) offsets(%dma_start3A_272 : memref<80xi32, #tpu.memory_space<vmem>>) semaphore(%arg7 : memref<!tpu.dma_semaphore, #tpu.memory_space<semaphore_mem>>) {add = true}
      %dma_start3A_276 = arith.constant 31 : i32
      %dma_start3A_277 = arith.constant 0 : i32
      %dma_start3A_278 = tpu.memref_slice %arg5[%dma_start3A_276, %dma_start3A_277] : memref<50x80xi32, #tpu.memory_space<vmem>> -> memref<1x80xi32, #tpu.memory_space<vmem>>
      %dma_start3A_279 = tpu.memref_squeeze %dma_start3A_278 : memref<1x80xi32, #tpu.memory_space<vmem>> -> memref<80xi32, #tpu.memory_space<vmem>>
      %dma_start3A_280 = arith.constant 0 : i32
      %dma_start3A_281 = arith.constant 0 : i32
      %dma_start3A_282 = tpu.memref_slice %arg6[%dma_start3A_280, %dma_start3A_281] : memref<10000x128xf32, #tpu.memory_space<vmem_shared>> -> memref<10000x128xf32, #tpu.memory_space<vmem_shared>>
      tpu.enqueue_indirect_dma source(%arg4 : memref<80x128xf32, #tpu.memory_space<vmem>>) target(%dma_start3A_282 : memref<10000x128xf32, #tpu.memory_space<vmem_shared>>) offsets(%dma_start3A_279 : memref<80xi32, #tpu.memory_space<vmem>>) semaphore(%arg7 : memref<!tpu.dma_semaphore, #tpu.memory_space<semaphore_mem>>) {add = true}
      %dma_start3A_283 = arith.constant 32 : i32
      %dma_start3A_284 = arith.constant 0 : i32
      %dma_start3A_285 = tpu.memref_slice %arg5[%dma_start3A_283, %dma_start3A_284] : memref<50x80xi32, #tpu.memory_space<vmem>> -> memref<1x80xi32, #tpu.memory_space<vmem>>
      %dma_start3A_286 = tpu.memref_squeeze %dma_start3A_285 : memref<1x80xi32, #tpu.memory_space<vmem>> -> memref<80xi32, #tpu.memory_space<vmem>>
      %dma_start3A_287 = arith.constant 0 : i32
      %dma_start3A_288 = arith.constant 0 : i32
      %dma_start3A_289 = tpu.memref_slice %arg6[%dma_start3A_287, %dma_start3A_288] : memref<10000x128xf32, #tpu.memory_space<vmem_shared>> -> memref<10000x128xf32, #tpu.memory_space<vmem_shared>>
      tpu.enqueue_indirect_dma source(%arg4 : memref<80x128xf32, #tpu.memory_space<vmem>>) target(%dma_start3A_289 : memref<10000x128xf32, #tpu.memory_space<vmem_shared>>) offsets(%dma_start3A_286 : memref<80xi32, #tpu.memory_space<vmem>>) semaphore(%arg7 : memref<!tpu.dma_semaphore, #tpu.memory_space<semaphore_mem>>) {add = true}
      %dma_start3A_290 = arith.constant 33 : i32
      %dma_start3A_291 = arith.constant 0 : i32
      %dma_start3A_292 = tpu.memref_slice %arg5[%dma_start3A_290, %dma_start3A_291] : memref<50x80xi32, #tpu.memory_space<vmem>> -> memref<1x80xi32, #tpu.memory_space<vmem>>
      %dma_start3A_293 = tpu.memref_squeeze %dma_start3A_292 : memref<1x80xi32, #tpu.memory_space<vmem>> -> memref<80xi32, #tpu.memory_space<vmem>>
      %dma_start3A_294 = arith.constant 0 : i32
      %dma_start3A_295 = arith.constant 0 : i32
      %dma_start3A_296 = tpu.memref_slice %arg6[%dma_start3A_294, %dma_start3A_295] : memref<10000x128xf32, #tpu.memory_space<vmem_shared>> -> memref<10000x128xf32, #tpu.memory_space<vmem_shared>>
      tpu.enqueue_indirect_dma source(%arg4 : memref<80x128xf32, #tpu.memory_space<vmem>>) target(%dma_start3A_296 : memref<10000x128xf32, #tpu.memory_space<vmem_shared>>) offsets(%dma_start3A_293 : memref<80xi32, #tpu.memory_space<vmem>>) semaphore(%arg7 : memref<!tpu.dma_semaphore, #tpu.memory_space<semaphore_mem>>) {add = true}
      %dma_start3A_297 = arith.constant 34 : i32
      %dma_start3A_298 = arith.constant 0 : i32
      %dma_start3A_299 = tpu.memref_slice %arg5[%dma_start3A_297, %dma_start3A_298] : memref<50x80xi32, #tpu.memory_space<vmem>> -> memref<1x80xi32, #tpu.memory_space<vmem>>
      %dma_start3A_300 = tpu.memref_squeeze %dma_start3A_299 : memref<1x80xi32, #tpu.memory_space<vmem>> -> memref<80xi32, #tpu.memory_space<vmem>>
      %dma_start3A_301 = arith.constant 0 : i32
      %dma_start3A_302 = arith.constant 0 : i32
      %dma_start3A_303 = tpu.memref_slice %arg6[%dma_start3A_301, %dma_start3A_302] : memref<10000x128xf32, #tpu.memory_space<vmem_shared>> -> memref<10000x128xf32, #tpu.memory_space<vmem_shared>>
      tpu.enqueue_indirect_dma source(%arg4 : memref<80x128xf32, #tpu.memory_space<vmem>>) target(%dma_start3A_303 : memref<10000x128xf32, #tpu.memory_space<vmem_shared>>) offsets(%dma_start3A_300 : memref<80xi32, #tpu.memory_space<vmem>>) semaphore(%arg7 : memref<!tpu.dma_semaphore, #tpu.memory_space<semaphore_mem>>) {add = true}
      %dma_start3A_304 = arith.constant 35 : i32
      %dma_start3A_305 = arith.constant 0 : i32
      %dma_start3A_306 = tpu.memref_slice %arg5[%dma_start3A_304, %dma_start3A_305] : memref<50x80xi32, #tpu.memory_space<vmem>> -> memref<1x80xi32, #tpu.memory_space<vmem>>
      %dma_start3A_307 = tpu.memref_squeeze %dma_start3A_306 : memref<1x80xi32, #tpu.memory_space<vmem>> -> memref<80xi32, #tpu.memory_space<vmem>>
      %dma_start3A_308 = arith.constant 0 : i32
      %dma_start3A_309 = arith.constant 0 : i32
      %dma_start3A_310 = tpu.memref_slice %arg6[%dma_start3A_308, %dma_start3A_309] : memref<10000x128xf32, #tpu.memory_space<vmem_shared>> -> memref<10000x128xf32, #tpu.memory_space<vmem_shared>>
      tpu.enqueue_indirect_dma source(%arg4 : memref<80x128xf32, #tpu.memory_space<vmem>>) target(%dma_start3A_310 : memref<10000x128xf32, #tpu.memory_space<vmem_shared>>) offsets(%dma_start3A_307 : memref<80xi32, #tpu.memory_space<vmem>>) semaphore(%arg7 : memref<!tpu.dma_semaphore, #tpu.memory_space<semaphore_mem>>) {add = true}
      %dma_start3A_311 = arith.constant 36 : i32
      %dma_start3A_312 = arith.constant 0 : i32
      %dma_start3A_313 = tpu.memref_slice %arg5[%dma_start3A_311, %dma_start3A_312] : memref<50x80xi32, #tpu.memory_space<vmem>> -> memref<1x80xi32, #tpu.memory_space<vmem>>
      %dma_start3A_314 = tpu.memref_squeeze %dma_start3A_313 : memref<1x80xi32, #tpu.memory_space<vmem>> -> memref<80xi32, #tpu.memory_space<vmem>>
      %dma_start3A_315 = arith.constant 0 : i32
      %dma_start3A_316 = arith.constant 0 : i32
      %dma_start3A_317 = tpu.memref_slice %arg6[%dma_start3A_315, %dma_start3A_316] : memref<10000x128xf32, #tpu.memory_space<vmem_shared>> -> memref<10000x128xf32, #tpu.memory_space<vmem_shared>>
      tpu.enqueue_indirect_dma source(%arg4 : memref<80x128xf32, #tpu.memory_space<vmem>>) target(%dma_start3A_317 : memref<10000x128xf32, #tpu.memory_space<vmem_shared>>) offsets(%dma_start3A_314 : memref<80xi32, #tpu.memory_space<vmem>>) semaphore(%arg7 : memref<!tpu.dma_semaphore, #tpu.memory_space<semaphore_mem>>) {add = true}
      %dma_start3A_318 = arith.constant 37 : i32
      %dma_start3A_319 = arith.constant 0 : i32
      %dma_start3A_320 = tpu.memref_slice %arg5[%dma_start3A_318, %dma_start3A_319] : memref<50x80xi32, #tpu.memory_space<vmem>> -> memref<1x80xi32, #tpu.memory_space<vmem>>
      %dma_start3A_321 = tpu.memref_squeeze %dma_start3A_320 : memref<1x80xi32, #tpu.memory_space<vmem>> -> memref<80xi32, #tpu.memory_space<vmem>>
      %dma_start3A_322 = arith.constant 0 : i32
      %dma_start3A_323 = arith.constant 0 : i32
      %dma_start3A_324 = tpu.memref_slice %arg6[%dma_start3A_322, %dma_start3A_323] : memref<10000x128xf32, #tpu.memory_space<vmem_shared>> -> memref<10000x128xf32, #tpu.memory_space<vmem_shared>>
      tpu.enqueue_indirect_dma source(%arg4 : memref<80x128xf32, #tpu.memory_space<vmem>>) target(%dma_start3A_324 : memref<10000x128xf32, #tpu.memory_space<vmem_shared>>) offsets(%dma_start3A_321 : memref<80xi32, #tpu.memory_space<vmem>>) semaphore(%arg7 : memref<!tpu.dma_semaphore, #tpu.memory_space<semaphore_mem>>) {add = true}
      %dma_start3A_325 = arith.constant 38 : i32
      %dma_start3A_326 = arith.constant 0 : i32
      %dma_start3A_327 = tpu.memref_slice %arg5[%dma_start3A_325, %dma_start3A_326] : memref<50x80xi32, #tpu.memory_space<vmem>> -> memref<1x80xi32, #tpu.memory_space<vmem>>
      %dma_start3A_328 = tpu.memref_squeeze %dma_start3A_327 : memref<1x80xi32, #tpu.memory_space<vmem>> -> memref<80xi32, #tpu.memory_space<vmem>>
      %dma_start3A_329 = arith.constant 0 : i32
      %dma_start3A_330 = arith.constant 0 : i32
      %dma_start3A_331 = tpu.memref_slice %arg6[%dma_start3A_329, %dma_start3A_330] : memref<10000x128xf32, #tpu.memory_space<vmem_shared>> -> memref<10000x128xf32, #tpu.memory_space<vmem_shared>>
      tpu.enqueue_indirect_dma source(%arg4 : memref<80x128xf32, #tpu.memory_space<vmem>>) target(%dma_start3A_331 : memref<10000x128xf32, #tpu.memory_space<vmem_shared>>) offsets(%dma_start3A_328 : memref<80xi32, #tpu.memory_space<vmem>>) semaphore(%arg7 : memref<!tpu.dma_semaphore, #tpu.memory_space<semaphore_mem>>) {add = true}
      %dma_start3A_332 = arith.constant 39 : i32
      %dma_start3A_333 = arith.constant 0 : i32
      %dma_start3A_334 = tpu.memref_slice %arg5[%dma_start3A_332, %dma_start3A_333] : memref<50x80xi32, #tpu.memory_space<vmem>> -> memref<1x80xi32, #tpu.memory_space<vmem>>
      %dma_start3A_335 = tpu.memref_squeeze %dma_start3A_334 : memref<1x80xi32, #tpu.memory_space<vmem>> -> memref<80xi32, #tpu.memory_space<vmem>>
      %dma_start3A_336 = arith.constant 0 : i32
      %dma_start3A_337 = arith.constant 0 : i32
      %dma_start3A_338 = tpu.memref_slice %arg6[%dma_start3A_336, %dma_start3A_337] : memref<10000x128xf32, #tpu.memory_space<vmem_shared>> -> memref<10000x128xf32, #tpu.memory_space<vmem_shared>>
      tpu.enqueue_indirect_dma source(%arg4 : memref<80x128xf32, #tpu.memory_space<vmem>>) target(%dma_start3A_338 : memref<10000x128xf32, #tpu.memory_space<vmem_shared>>) offsets(%dma_start3A_335 : memref<80xi32, #tpu.memory_space<vmem>>) semaphore(%arg7 : memref<!tpu.dma_semaphore, #tpu.memory_space<semaphore_mem>>) {add = true}
      %dma_start3A_339 = arith.constant 40 : i32
      %dma_start3A_340 = arith.constant 0 : i32
      %dma_start3A_341 = tpu.memref_slice %arg5[%dma_start3A_339, %dma_start3A_340] : memref<50x80xi32, #tpu.memory_space<vmem>> -> memref<1x80xi32, #tpu.memory_space<vmem>>
      %dma_start3A_342 = tpu.memref_squeeze %dma_start3A_341 : memref<1x80xi32, #tpu.memory_space<vmem>> -> memref<80xi32, #tpu.memory_space<vmem>>
      %dma_start3A_343 = arith.constant 0 : i32
      %dma_start3A_344 = arith.constant 0 : i32
      %dma_start3A_345 = tpu.memref_slice %arg6[%dma_start3A_343, %dma_start3A_344] : memref<10000x128xf32, #tpu.memory_space<vmem_shared>> -> memref<10000x128xf32, #tpu.memory_space<vmem_shared>>
      tpu.enqueue_indirect_dma source(%arg4 : memref<80x128xf32, #tpu.memory_space<vmem>>) target(%dma_start3A_345 : memref<10000x128xf32, #tpu.memory_space<vmem_shared>>) offsets(%dma_start3A_342 : memref<80xi32, #tpu.memory_space<vmem>>) semaphore(%arg7 : memref<!tpu.dma_semaphore, #tpu.memory_space<semaphore_mem>>) {add = true}
      %dma_start3A_346 = arith.constant 41 : i32
      %dma_start3A_347 = arith.constant 0 : i32
      %dma_start3A_348 = tpu.memref_slice %arg5[%dma_start3A_346, %dma_start3A_347] : memref<50x80xi32, #tpu.memory_space<vmem>> -> memref<1x80xi32, #tpu.memory_space<vmem>>
      %dma_start3A_349 = tpu.memref_squeeze %dma_start3A_348 : memref<1x80xi32, #tpu.memory_space<vmem>> -> memref<80xi32, #tpu.memory_space<vmem>>
      %dma_start3A_350 = arith.constant 0 : i32
      %dma_start3A_351 = arith.constant 0 : i32
      %dma_start3A_352 = tpu.memref_slice %arg6[%dma_start3A_350, %dma_start3A_351] : memref<10000x128xf32, #tpu.memory_space<vmem_shared>> -> memref<10000x128xf32, #tpu.memory_space<vmem_shared>>
      tpu.enqueue_indirect_dma source(%arg4 : memref<80x128xf32, #tpu.memory_space<vmem>>) target(%dma_start3A_352 : memref<10000x128xf32, #tpu.memory_space<vmem_shared>>) offsets(%dma_start3A_349 : memref<80xi32, #tpu.memory_space<vmem>>) semaphore(%arg7 : memref<!tpu.dma_semaphore, #tpu.memory_space<semaphore_mem>>) {add = true}
      %dma_start3A_353 = arith.constant 42 : i32
      %dma_start3A_354 = arith.constant 0 : i32
      %dma_start3A_355 = tpu.memref_slice %arg5[%dma_start3A_353, %dma_start3A_354] : memref<50x80xi32, #tpu.memory_space<vmem>> -> memref<1x80xi32, #tpu.memory_space<vmem>>
      %dma_start3A_356 = tpu.memref_squeeze %dma_start3A_355 : memref<1x80xi32, #tpu.memory_space<vmem>> -> memref<80xi32, #tpu.memory_space<vmem>>
      %dma_start3A_357 = arith.constant 0 : i32
      %dma_start3A_358 = arith.constant 0 : i32
      %dma_start3A_359 = tpu.memref_slice %arg6[%dma_start3A_357, %dma_start3A_358] : memref<10000x128xf32, #tpu.memory_space<vmem_shared>> -> memref<10000x128xf32, #tpu.memory_space<vmem_shared>>
      tpu.enqueue_indirect_dma source(%arg4 : memref<80x128xf32, #tpu.memory_space<vmem>>) target(%dma_start3A_359 : memref<10000x128xf32, #tpu.memory_space<vmem_shared>>) offsets(%dma_start3A_356 : memref<80xi32, #tpu.memory_space<vmem>>) semaphore(%arg7 : memref<!tpu.dma_semaphore, #tpu.memory_space<semaphore_mem>>) {add = true}
      %dma_start3A_360 = arith.constant 43 : i32
      %dma_start3A_361 = arith.constant 0 : i32
      %dma_start3A_362 = tpu.memref_slice %arg5[%dma_start3A_360, %dma_start3A_361] : memref<50x80xi32, #tpu.memory_space<vmem>> -> memref<1x80xi32, #tpu.memory_space<vmem>>
      %dma_start3A_363 = tpu.memref_squeeze %dma_start3A_362 : memref<1x80xi32, #tpu.memory_space<vmem>> -> memref<80xi32, #tpu.memory_space<vmem>>
      %dma_start3A_364 = arith.constant 0 : i32
      %dma_start3A_365 = arith.constant 0 : i32
      %dma_start3A_366 = tpu.memref_slice %arg6[%dma_start3A_364, %dma_start3A_365] : memref<10000x128xf32, #tpu.memory_space<vmem_shared>> -> memref<10000x128xf32, #tpu.memory_space<vmem_shared>>
      tpu.enqueue_indirect_dma source(%arg4 : memref<80x128xf32, #tpu.memory_space<vmem>>) target(%dma_start3A_366 : memref<10000x128xf32, #tpu.memory_space<vmem_shared>>) offsets(%dma_start3A_363 : memref<80xi32, #tpu.memory_space<vmem>>) semaphore(%arg7 : memref<!tpu.dma_semaphore, #tpu.memory_space<semaphore_mem>>) {add = true}
      %dma_start3A_367 = arith.constant 44 : i32
      %dma_start3A_368 = arith.constant 0 : i32
      %dma_start3A_369 = tpu.memref_slice %arg5[%dma_start3A_367, %dma_start3A_368] : memref<50x80xi32, #tpu.memory_space<vmem>> -> memref<1x80xi32, #tpu.memory_space<vmem>>
      %dma_start3A_370 = tpu.memref_squeeze %dma_start3A_369 : memref<1x80xi32, #tpu.memory_space<vmem>> -> memref<80xi32, #tpu.memory_space<vmem>>
      %dma_start3A_371 = arith.constant 0 : i32
      %dma_start3A_372 = arith.constant 0 : i32
      %dma_start3A_373 = tpu.memref_slice %arg6[%dma_start3A_371, %dma_start3A_372] : memref<10000x128xf32, #tpu.memory_space<vmem_shared>> -> memref<10000x128xf32, #tpu.memory_space<vmem_shared>>
      tpu.enqueue_indirect_dma source(%arg4 : memref<80x128xf32, #tpu.memory_space<vmem>>) target(%dma_start3A_373 : memref<10000x128xf32, #tpu.memory_space<vmem_shared>>) offsets(%dma_start3A_370 : memref<80xi32, #tpu.memory_space<vmem>>) semaphore(%arg7 : memref<!tpu.dma_semaphore, #tpu.memory_space<semaphore_mem>>) {add = true}
      %dma_start3A_374 = arith.constant 45 : i32
      %dma_start3A_375 = arith.constant 0 : i32
      %dma_start3A_376 = tpu.memref_slice %arg5[%dma_start3A_374, %dma_start3A_375] : memref<50x80xi32, #tpu.memory_space<vmem>> -> memref<1x80xi32, #tpu.memory_space<vmem>>
      %dma_start3A_377 = tpu.memref_squeeze %dma_start3A_376 : memref<1x80xi32, #tpu.memory_space<vmem>> -> memref<80xi32, #tpu.memory_space<vmem>>
      %dma_start3A_378 = arith.constant 0 : i32
      %dma_start3A_379 = arith.constant 0 : i32
      %dma_start3A_380 = tpu.memref_slice %arg6[%dma_start3A_378, %dma_start3A_379] : memref<10000x128xf32, #tpu.memory_space<vmem_shared>> -> memref<10000x128xf32, #tpu.memory_space<vmem_shared>>
      tpu.enqueue_indirect_dma source(%arg4 : memref<80x128xf32, #tpu.memory_space<vmem>>) target(%dma_start3A_380 : memref<10000x128xf32, #tpu.memory_space<vmem_shared>>) offsets(%dma_start3A_377 : memref<80xi32, #tpu.memory_space<vmem>>) semaphore(%arg7 : memref<!tpu.dma_semaphore, #tpu.memory_space<semaphore_mem>>) {add = true}
      %dma_start3A_381 = arith.constant 46 : i32
      %dma_start3A_382 = arith.constant 0 : i32
      %dma_start3A_383 = tpu.memref_slice %arg5[%dma_start3A_381, %dma_start3A_382] : memref<50x80xi32, #tpu.memory_space<vmem>> -> memref<1x80xi32, #tpu.memory_space<vmem>>
      %dma_start3A_384 = tpu.memref_squeeze %dma_start3A_383 : memref<1x80xi32, #tpu.memory_space<vmem>> -> memref<80xi32, #tpu.memory_space<vmem>>
      %dma_start3A_385 = arith.constant 0 : i32
      %dma_start3A_386 = arith.constant 0 : i32
      %dma_start3A_387 = tpu.memref_slice %arg6[%dma_start3A_385, %dma_start3A_386] : memref<10000x128xf32, #tpu.memory_space<vmem_shared>> -> memref<10000x128xf32, #tpu.memory_space<vmem_shared>>
      tpu.enqueue_indirect_dma source(%arg4 : memref<80x128xf32, #tpu.memory_space<vmem>>) target(%dma_start3A_387 : memref<10000x128xf32, #tpu.memory_space<vmem_shared>>) offsets(%dma_start3A_384 : memref<80xi32, #tpu.memory_space<vmem>>) semaphore(%arg7 : memref<!tpu.dma_semaphore, #tpu.memory_space<semaphore_mem>>) {add = true}
      %dma_start3A_388 = arith.constant 47 : i32
      %dma_start3A_389 = arith.constant 0 : i32
      %dma_start3A_390 = tpu.memref_slice %arg5[%dma_start3A_388, %dma_start3A_389] : memref<50x80xi32, #tpu.memory_space<vmem>> -> memref<1x80xi32, #tpu.memory_space<vmem>>
      %dma_start3A_391 = tpu.memref_squeeze %dma_start3A_390 : memref<1x80xi32, #tpu.memory_space<vmem>> -> memref<80xi32, #tpu.memory_space<vmem>>
      %dma_start3A_392 = arith.constant 0 : i32
      %dma_start3A_393 = arith.constant 0 : i32
      %dma_start3A_394 = tpu.memref_slice %arg6[%dma_start3A_392, %dma_start3A_393] : memref<10000x128xf32, #tpu.memory_space<vmem_shared>> -> memref<10000x128xf32, #tpu.memory_space<vmem_shared>>
      tpu.enqueue_indirect_dma source(%arg4 : memref<80x128xf32, #tpu.memory_space<vmem>>) target(%dma_start3A_394 : memref<10000x128xf32, #tpu.memory_space<vmem_shared>>) offsets(%dma_start3A_391 : memref<80xi32, #tpu.memory_space<vmem>>) semaphore(%arg7 : memref<!tpu.dma_semaphore, #tpu.memory_space<semaphore_mem>>) {add = true}
      %dma_start3A_395 = arith.constant 48 : i32
      %dma_start3A_396 = arith.constant 0 : i32
      %dma_start3A_397 = tpu.memref_slice %arg5[%dma_start3A_395, %dma_start3A_396] : memref<50x80xi32, #tpu.memory_space<vmem>> -> memref<1x80xi32, #tpu.memory_space<vmem>>
      %dma_start3A_398 = tpu.memref_squeeze %dma_start3A_397 : memref<1x80xi32, #tpu.memory_space<vmem>> -> memref<80xi32, #tpu.memory_space<vmem>>
      %dma_start3A_399 = arith.constant 0 : i32
      %dma_start3A_400 = arith.constant 0 : i32
      %dma_start3A_401 = tpu.memref_slice %arg6[%dma_start3A_399, %dma_start3A_400] : memref<10000x128xf32, #tpu.memory_space<vmem_shared>> -> memref<10000x128xf32, #tpu.memory_space<vmem_shared>>
      tpu.enqueue_indirect_dma source(%arg4 : memref<80x128xf32, #tpu.memory_space<vmem>>) target(%dma_start3A_401 : memref<10000x128xf32, #tpu.memory_space<vmem_shared>>) offsets(%dma_start3A_398 : memref<80xi32, #tpu.memory_space<vmem>>) semaphore(%arg7 : memref<!tpu.dma_semaphore, #tpu.memory_space<semaphore_mem>>) {add = true}
      %dma_start3A_402 = arith.constant 49 : i32
      %dma_start3A_403 = arith.constant 0 : i32
      %dma_start3A_404 = tpu.memref_slice %arg5[%dma_start3A_402, %dma_start3A_403] : memref<50x80xi32, #tpu.memory_space<vmem>> -> memref<1x80xi32, #tpu.memory_space<vmem>>
      %dma_start3A_405 = tpu.memref_squeeze %dma_start3A_404 : memref<1x80xi32, #tpu.memory_space<vmem>> -> memref<80xi32, #tpu.memory_space<vmem>>
      %dma_start3A_406 = arith.constant 0 : i32
      %dma_start3A_407 = arith.constant 0 : i32
      %dma_start3A_408 = tpu.memref_slice %arg6[%dma_start3A_406, %dma_start3A_407] : memref<10000x128xf32, #tpu.memory_space<vmem_shared>> -> memref<10000x128xf32, #tpu.memory_space<vmem_shared>>
      tpu.enqueue_indirect_dma source(%arg4 : memref<80x128xf32, #tpu.memory_space<vmem>>) target(%dma_start3A_408 : memref<10000x128xf32, #tpu.memory_space<vmem_shared>>) offsets(%dma_start3A_405 : memref<80xi32, #tpu.memory_space<vmem>>) semaphore(%arg7 : memref<!tpu.dma_semaphore, #tpu.memory_space<semaphore_mem>>) {add = true}
      %dma_wait3A = arith.constant 0 : i32
      %dma_wait3A_409 = arith.constant 0 : i32
      %dma_wait3A_410 = tpu.memref_slice %arg5[%dma_wait3A, %dma_wait3A_409] : memref<50x80xi32, #tpu.memory_space<vmem>> -> memref<1x80xi32, #tpu.memory_space<vmem>>
      %dma_wait3A_411 = tpu.memref_squeeze %dma_wait3A_410 : memref<1x80xi32, #tpu.memory_space<vmem>> -> memref<80xi32, #tpu.memory_space<vmem>>
      %dma_wait3A_412 = arith.constant 0 : i32
      %dma_wait3A_413 = arith.constant 0 : i32
      %dma_wait3A_414 = tpu.memref_slice %arg6[%dma_wait3A_412, %dma_wait3A_413] : memref<10000x128xf32, #tpu.memory_space<vmem_shared>> -> memref<10000x128xf32, #tpu.memory_space<vmem_shared>>
      tpu.wait_indirect_dma semaphore(%arg7 : memref<!tpu.dma_semaphore, #tpu.memory_space<semaphore_mem>>) src(%arg4 : memref<80x128xf32, #tpu.memory_space<vmem>>) dst(%dma_wait3A_414 : memref<10000x128xf32, #tpu.memory_space<vmem_shared>>)
      %dma_wait3A_415 = arith.constant 1 : i32
      %dma_wait3A_416 = arith.constant 0 : i32
      %dma_wait3A_417 = tpu.memref_slice %arg5[%dma_wait3A_415, %dma_wait3A_416] : memref<50x80xi32, #tpu.memory_space<vmem>> -> memref<1x80xi32, #tpu.memory_space<vmem>>
      %dma_wait3A_418 = tpu.memref_squeeze %dma_wait3A_417 : memref<1x80xi32, #tpu.memory_space<vmem>> -> memref<80xi32, #tpu.memory_space<vmem>>
      %dma_wait3A_419 = arith.constant 0 : i32
      %dma_wait3A_420 = arith.constant 0 : i32
      %dma_wait3A_421 = tpu.memref_slice %arg6[%dma_wait3A_419, %dma_wait3A_420] : memref<10000x128xf32, #tpu.memory_space<vmem_shared>> -> memref<10000x128xf32, #tpu.memory_space<vmem_shared>>
      tpu.wait_indirect_dma semaphore(%arg7 : memref<!tpu.dma_semaphore, #tpu.memory_space<semaphore_mem>>) src(%arg4 : memref<80x128xf32, #tpu.memory_space<vmem>>) dst(%dma_wait3A_421 : memref<10000x128xf32, #tpu.memory_space<vmem_shared>>)
      %dma_wait3A_422 = arith.constant 2 : i32
      %dma_wait3A_423 = arith.constant 0 : i32
      %dma_wait3A_424 = tpu.memref_slice %arg5[%dma_wait3A_422, %dma_wait3A_423] : memref<50x80xi32, #tpu.memory_space<vmem>> -> memref<1x80xi32, #tpu.memory_space<vmem>>
      %dma_wait3A_425 = tpu.memref_squeeze %dma_wait3A_424 : memref<1x80xi32, #tpu.memory_space<vmem>> -> memref<80xi32, #tpu.memory_space<vmem>>
      %dma_wait3A_426 = arith.constant 0 : i32
      %dma_wait3A_427 = arith.constant 0 : i32
      %dma_wait3A_428 = tpu.memref_slice %arg6[%dma_wait3A_426, %dma_wait3A_427] : memref<10000x128xf32, #tpu.memory_space<vmem_shared>> -> memref<10000x128xf32, #tpu.memory_space<vmem_shared>>
      tpu.wait_indirect_dma semaphore(%arg7 : memref<!tpu.dma_semaphore, #tpu.memory_space<semaphore_mem>>) src(%arg4 : memref<80x128xf32, #tpu.memory_space<vmem>>) dst(%dma_wait3A_428 : memref<10000x128xf32, #tpu.memory_space<vmem_shared>>)
      %dma_wait3A_429 = arith.constant 3 : i32
      %dma_wait3A_430 = arith.constant 0 : i32
      %dma_wait3A_431 = tpu.memref_slice %arg5[%dma_wait3A_429, %dma_wait3A_430] : memref<50x80xi32, #tpu.memory_space<vmem>> -> memref<1x80xi32, #tpu.memory_space<vmem>>
      %dma_wait3A_432 = tpu.memref_squeeze %dma_wait3A_431 : memref<1x80xi32, #tpu.memory_space<vmem>> -> memref<80xi32, #tpu.memory_space<vmem>>
      %dma_wait3A_433 = arith.constant 0 : i32
      %dma_wait3A_434 = arith.constant 0 : i32
      %dma_wait3A_435 = tpu.memref_slice %arg6[%dma_wait3A_433, %dma_wait3A_434] : memref<10000x128xf32, #tpu.memory_space<vmem_shared>> -> memref<10000x128xf32, #tpu.memory_space<vmem_shared>>
      tpu.wait_indirect_dma semaphore(%arg7 : memref<!tpu.dma_semaphore, #tpu.memory_space<semaphore_mem>>) src(%arg4 : memref<80x128xf32, #tpu.memory_space<vmem>>) dst(%dma_wait3A_435 : memref<10000x128xf32, #tpu.memory_space<vmem_shared>>)
      %dma_wait3A_436 = arith.constant 4 : i32
      %dma_wait3A_437 = arith.constant 0 : i32
      %dma_wait3A_438 = tpu.memref_slice %arg5[%dma_wait3A_436, %dma_wait3A_437] : memref<50x80xi32, #tpu.memory_space<vmem>> -> memref<1x80xi32, #tpu.memory_space<vmem>>
      %dma_wait3A_439 = tpu.memref_squeeze %dma_wait3A_438 : memref<1x80xi32, #tpu.memory_space<vmem>> -> memref<80xi32, #tpu.memory_space<vmem>>
      %dma_wait3A_440 = arith.constant 0 : i32
      %dma_wait3A_441 = arith.constant 0 : i32
      %dma_wait3A_442 = tpu.memref_slice %arg6[%dma_wait3A_440, %dma_wait3A_441] : memref<10000x128xf32, #tpu.memory_space<vmem_shared>> -> memref<10000x128xf32, #tpu.memory_space<vmem_shared>>
      tpu.wait_indirect_dma semaphore(%arg7 : memref<!tpu.dma_semaphore, #tpu.memory_space<semaphore_mem>>) src(%arg4 : memref<80x128xf32, #tpu.memory_space<vmem>>) dst(%dma_wait3A_442 : memref<10000x128xf32, #tpu.memory_space<vmem_shared>>)
      %dma_wait3A_443 = arith.constant 5 : i32
      %dma_wait3A_444 = arith.constant 0 : i32
      %dma_wait3A_445 = tpu.memref_slice %arg5[%dma_wait3A_443, %dma_wait3A_444] : memref<50x80xi32, #tpu.memory_space<vmem>> -> memref<1x80xi32, #tpu.memory_space<vmem>>
      %dma_wait3A_446 = tpu.memref_squeeze %dma_wait3A_445 : memref<1x80xi32, #tpu.memory_space<vmem>> -> memref<80xi32, #tpu.memory_space<vmem>>
      %dma_wait3A_447 = arith.constant 0 : i32
      %dma_wait3A_448 = arith.constant 0 : i32
      %dma_wait3A_449 = tpu.memref_slice %arg6[%dma_wait3A_447, %dma_wait3A_448] : memref<10000x128xf32, #tpu.memory_space<vmem_shared>> -> memref<10000x128xf32, #tpu.memory_space<vmem_shared>>
      tpu.wait_indirect_dma semaphore(%arg7 : memref<!tpu.dma_semaphore, #tpu.memory_space<semaphore_mem>>) src(%arg4 : memref<80x128xf32, #tpu.memory_space<vmem>>) dst(%dma_wait3A_449 : memref<10000x128xf32, #tpu.memory_space<vmem_shared>>)
      %dma_wait3A_450 = arith.constant 6 : i32
      %dma_wait3A_451 = arith.constant 0 : i32
      %dma_wait3A_452 = tpu.memref_slice %arg5[%dma_wait3A_450, %dma_wait3A_451] : memref<50x80xi32, #tpu.memory_space<vmem>> -> memref<1x80xi32, #tpu.memory_space<vmem>>
      %dma_wait3A_453 = tpu.memref_squeeze %dma_wait3A_452 : memref<1x80xi32, #tpu.memory_space<vmem>> -> memref<80xi32, #tpu.memory_space<vmem>>
      %dma_wait3A_454 = arith.constant 0 : i32
      %dma_wait3A_455 = arith.constant 0 : i32
      %dma_wait3A_456 = tpu.memref_slice %arg6[%dma_wait3A_454, %dma_wait3A_455] : memref<10000x128xf32, #tpu.memory_space<vmem_shared>> -> memref<10000x128xf32, #tpu.memory_space<vmem_shared>>
      tpu.wait_indirect_dma semaphore(%arg7 : memref<!tpu.dma_semaphore, #tpu.memory_space<semaphore_mem>>) src(%arg4 : memref<80x128xf32, #tpu.memory_space<vmem>>) dst(%dma_wait3A_456 : memref<10000x128xf32, #tpu.memory_space<vmem_shared>>)
      %dma_wait3A_457 = arith.constant 7 : i32
      %dma_wait3A_458 = arith.constant 0 : i32
      %dma_wait3A_459 = tpu.memref_slice %arg5[%dma_wait3A_457, %dma_wait3A_458] : memref<50x80xi32, #tpu.memory_space<vmem>> -> memref<1x80xi32, #tpu.memory_space<vmem>>
      %dma_wait3A_460 = tpu.memref_squeeze %dma_wait3A_459 : memref<1x80xi32, #tpu.memory_space<vmem>> -> memref<80xi32, #tpu.memory_space<vmem>>
      %dma_wait3A_461 = arith.constant 0 : i32
      %dma_wait3A_462 = arith.constant 0 : i32
      %dma_wait3A_463 = tpu.memref_slice %arg6[%dma_wait3A_461, %dma_wait3A_462] : memref<10000x128xf32, #tpu.memory_space<vmem_shared>> -> memref<10000x128xf32, #tpu.memory_space<vmem_shared>>
      tpu.wait_indirect_dma semaphore(%arg7 : memref<!tpu.dma_semaphore, #tpu.memory_space<semaphore_mem>>) src(%arg4 : memref<80x128xf32, #tpu.memory_space<vmem>>) dst(%dma_wait3A_463 : memref<10000x128xf32, #tpu.memory_space<vmem_shared>>)
      %dma_wait3A_464 = arith.constant 8 : i32
      %dma_wait3A_465 = arith.constant 0 : i32
      %dma_wait3A_466 = tpu.memref_slice %arg5[%dma_wait3A_464, %dma_wait3A_465] : memref<50x80xi32, #tpu.memory_space<vmem>> -> memref<1x80xi32, #tpu.memory_space<vmem>>
      %dma_wait3A_467 = tpu.memref_squeeze %dma_wait3A_466 : memref<1x80xi32, #tpu.memory_space<vmem>> -> memref<80xi32, #tpu.memory_space<vmem>>
      %dma_wait3A_468 = arith.constant 0 : i32
      %dma_wait3A_469 = arith.constant 0 : i32
      %dma_wait3A_470 = tpu.memref_slice %arg6[%dma_wait3A_468, %dma_wait3A_469] : memref<10000x128xf32, #tpu.memory_space<vmem_shared>> -> memref<10000x128xf32, #tpu.memory_space<vmem_shared>>
      tpu.wait_indirect_dma semaphore(%arg7 : memref<!tpu.dma_semaphore, #tpu.memory_space<semaphore_mem>>) src(%arg4 : memref<80x128xf32, #tpu.memory_space<vmem>>) dst(%dma_wait3A_470 : memref<10000x128xf32, #tpu.memory_space<vmem_shared>>)
      %dma_wait3A_471 = arith.constant 9 : i32
      %dma_wait3A_472 = arith.constant 0 : i32
      %dma_wait3A_473 = tpu.memref_slice %arg5[%dma_wait3A_471, %dma_wait3A_472] : memref<50x80xi32, #tpu.memory_space<vmem>> -> memref<1x80xi32, #tpu.memory_space<vmem>>
      %dma_wait3A_474 = tpu.memref_squeeze %dma_wait3A_473 : memref<1x80xi32, #tpu.memory_space<vmem>> -> memref<80xi32, #tpu.memory_space<vmem>>
      %dma_wait3A_475 = arith.constant 0 : i32
      %dma_wait3A_476 = arith.constant 0 : i32
      %dma_wait3A_477 = tpu.memref_slice %arg6[%dma_wait3A_475, %dma_wait3A_476] : memref<10000x128xf32, #tpu.memory_space<vmem_shared>> -> memref<10000x128xf32, #tpu.memory_space<vmem_shared>>
      tpu.wait_indirect_dma semaphore(%arg7 : memref<!tpu.dma_semaphore, #tpu.memory_space<semaphore_mem>>) src(%arg4 : memref<80x128xf32, #tpu.memory_space<vmem>>) dst(%dma_wait3A_477 : memref<10000x128xf32, #tpu.memory_space<vmem_shared>>)
      %dma_wait3A_478 = arith.constant 10 : i32
      %dma_wait3A_479 = arith.constant 0 : i32
      %dma_wait3A_480 = tpu.memref_slice %arg5[%dma_wait3A_478, %dma_wait3A_479] : memref<50x80xi32, #tpu.memory_space<vmem>> -> memref<1x80xi32, #tpu.memory_space<vmem>>
      %dma_wait3A_481 = tpu.memref_squeeze %dma_wait3A_480 : memref<1x80xi32, #tpu.memory_space<vmem>> -> memref<80xi32, #tpu.memory_space<vmem>>
      %dma_wait3A_482 = arith.constant 0 : i32
      %dma_wait3A_483 = arith.constant 0 : i32
      %dma_wait3A_484 = tpu.memref_slice %arg6[%dma_wait3A_482, %dma_wait3A_483] : memref<10000x128xf32, #tpu.memory_space<vmem_shared>> -> memref<10000x128xf32, #tpu.memory_space<vmem_shared>>
      tpu.wait_indirect_dma semaphore(%arg7 : memref<!tpu.dma_semaphore, #tpu.memory_space<semaphore_mem>>) src(%arg4 : memref<80x128xf32, #tpu.memory_space<vmem>>) dst(%dma_wait3A_484 : memref<10000x128xf32, #tpu.memory_space<vmem_shared>>)
      %dma_wait3A_485 = arith.constant 11 : i32
      %dma_wait3A_486 = arith.constant 0 : i32
      %dma_wait3A_487 = tpu.memref_slice %arg5[%dma_wait3A_485, %dma_wait3A_486] : memref<50x80xi32, #tpu.memory_space<vmem>> -> memref<1x80xi32, #tpu.memory_space<vmem>>
      %dma_wait3A_488 = tpu.memref_squeeze %dma_wait3A_487 : memref<1x80xi32, #tpu.memory_space<vmem>> -> memref<80xi32, #tpu.memory_space<vmem>>
      %dma_wait3A_489 = arith.constant 0 : i32
      %dma_wait3A_490 = arith.constant 0 : i32
      %dma_wait3A_491 = tpu.memref_slice %arg6[%dma_wait3A_489, %dma_wait3A_490] : memref<10000x128xf32, #tpu.memory_space<vmem_shared>> -> memref<10000x128xf32, #tpu.memory_space<vmem_shared>>
      tpu.wait_indirect_dma semaphore(%arg7 : memref<!tpu.dma_semaphore, #tpu.memory_space<semaphore_mem>>) src(%arg4 : memref<80x128xf32, #tpu.memory_space<vmem>>) dst(%dma_wait3A_491 : memref<10000x128xf32, #tpu.memory_space<vmem_shared>>)
      %dma_wait3A_492 = arith.constant 12 : i32
      %dma_wait3A_493 = arith.constant 0 : i32
      %dma_wait3A_494 = tpu.memref_slice %arg5[%dma_wait3A_492, %dma_wait3A_493] : memref<50x80xi32, #tpu.memory_space<vmem>> -> memref<1x80xi32, #tpu.memory_space<vmem>>
      %dma_wait3A_495 = tpu.memref_squeeze %dma_wait3A_494 : memref<1x80xi32, #tpu.memory_space<vmem>> -> memref<80xi32, #tpu.memory_space<vmem>>
      %dma_wait3A_496 = arith.constant 0 : i32
      %dma_wait3A_497 = arith.constant 0 : i32
      %dma_wait3A_498 = tpu.memref_slice %arg6[%dma_wait3A_496, %dma_wait3A_497] : memref<10000x128xf32, #tpu.memory_space<vmem_shared>> -> memref<10000x128xf32, #tpu.memory_space<vmem_shared>>
      tpu.wait_indirect_dma semaphore(%arg7 : memref<!tpu.dma_semaphore, #tpu.memory_space<semaphore_mem>>) src(%arg4 : memref<80x128xf32, #tpu.memory_space<vmem>>) dst(%dma_wait3A_498 : memref<10000x128xf32, #tpu.memory_space<vmem_shared>>)
      %dma_wait3A_499 = arith.constant 13 : i32
      %dma_wait3A_500 = arith.constant 0 : i32
      %dma_wait3A_501 = tpu.memref_slice %arg5[%dma_wait3A_499, %dma_wait3A_500] : memref<50x80xi32, #tpu.memory_space<vmem>> -> memref<1x80xi32, #tpu.memory_space<vmem>>
      %dma_wait3A_502 = tpu.memref_squeeze %dma_wait3A_501 : memref<1x80xi32, #tpu.memory_space<vmem>> -> memref<80xi32, #tpu.memory_space<vmem>>
      %dma_wait3A_503 = arith.constant 0 : i32
      %dma_wait3A_504 = arith.constant 0 : i32
      %dma_wait3A_505 = tpu.memref_slice %arg6[%dma_wait3A_503, %dma_wait3A_504] : memref<10000x128xf32, #tpu.memory_space<vmem_shared>> -> memref<10000x128xf32, #tpu.memory_space<vmem_shared>>
      tpu.wait_indirect_dma semaphore(%arg7 : memref<!tpu.dma_semaphore, #tpu.memory_space<semaphore_mem>>) src(%arg4 : memref<80x128xf32, #tpu.memory_space<vmem>>) dst(%dma_wait3A_505 : memref<10000x128xf32, #tpu.memory_space<vmem_shared>>)
      %dma_wait3A_506 = arith.constant 14 : i32
      %dma_wait3A_507 = arith.constant 0 : i32
      %dma_wait3A_508 = tpu.memref_slice %arg5[%dma_wait3A_506, %dma_wait3A_507] : memref<50x80xi32, #tpu.memory_space<vmem>> -> memref<1x80xi32, #tpu.memory_space<vmem>>
      %dma_wait3A_509 = tpu.memref_squeeze %dma_wait3A_508 : memref<1x80xi32, #tpu.memory_space<vmem>> -> memref<80xi32, #tpu.memory_space<vmem>>
      %dma_wait3A_510 = arith.constant 0 : i32
      %dma_wait3A_511 = arith.constant 0 : i32
      %dma_wait3A_512 = tpu.memref_slice %arg6[%dma_wait3A_510, %dma_wait3A_511] : memref<10000x128xf32, #tpu.memory_space<vmem_shared>> -> memref<10000x128xf32, #tpu.memory_space<vmem_shared>>
      tpu.wait_indirect_dma semaphore(%arg7 : memref<!tpu.dma_semaphore, #tpu.memory_space<semaphore_mem>>) src(%arg4 : memref<80x128xf32, #tpu.memory_space<vmem>>) dst(%dma_wait3A_512 : memref<10000x128xf32, #tpu.memory_space<vmem_shared>>)
      %dma_wait3A_513 = arith.constant 15 : i32
      %dma_wait3A_514 = arith.constant 0 : i32
      %dma_wait3A_515 = tpu.memref_slice %arg5[%dma_wait3A_513, %dma_wait3A_514] : memref<50x80xi32, #tpu.memory_space<vmem>> -> memref<1x80xi32, #tpu.memory_space<vmem>>
      %dma_wait3A_516 = tpu.memref_squeeze %dma_wait3A_515 : memref<1x80xi32, #tpu.memory_space<vmem>> -> memref<80xi32, #tpu.memory_space<vmem>>
      %dma_wait3A_517 = arith.constant 0 : i32
      %dma_wait3A_518 = arith.constant 0 : i32
      %dma_wait3A_519 = tpu.memref_slice %arg6[%dma_wait3A_517, %dma_wait3A_518] : memref<10000x128xf32, #tpu.memory_space<vmem_shared>> -> memref<10000x128xf32, #tpu.memory_space<vmem_shared>>
      tpu.wait_indirect_dma semaphore(%arg7 : memref<!tpu.dma_semaphore, #tpu.memory_space<semaphore_mem>>) src(%arg4 : memref<80x128xf32, #tpu.memory_space<vmem>>) dst(%dma_wait3A_519 : memref<10000x128xf32, #tpu.memory_space<vmem_shared>>)
      %dma_wait3A_520 = arith.constant 16 : i32
      %dma_wait3A_521 = arith.constant 0 : i32
      %dma_wait3A_522 = tpu.memref_slice %arg5[%dma_wait3A_520, %dma_wait3A_521] : memref<50x80xi32, #tpu.memory_space<vmem>> -> memref<1x80xi32, #tpu.memory_space<vmem>>
      %dma_wait3A_523 = tpu.memref_squeeze %dma_wait3A_522 : memref<1x80xi32, #tpu.memory_space<vmem>> -> memref<80xi32, #tpu.memory_space<vmem>>
      %dma_wait3A_524 = arith.constant 0 : i32
      %dma_wait3A_525 = arith.constant 0 : i32
      %dma_wait3A_526 = tpu.memref_slice %arg6[%dma_wait3A_524, %dma_wait3A_525] : memref<10000x128xf32, #tpu.memory_space<vmem_shared>> -> memref<10000x128xf32, #tpu.memory_space<vmem_shared>>
      tpu.wait_indirect_dma semaphore(%arg7 : memref<!tpu.dma_semaphore, #tpu.memory_space<semaphore_mem>>) src(%arg4 : memref<80x128xf32, #tpu.memory_space<vmem>>) dst(%dma_wait3A_526 : memref<10000x128xf32, #tpu.memory_space<vmem_shared>>)
      %dma_wait3A_527 = arith.constant 17 : i32
      %dma_wait3A_528 = arith.constant 0 : i32
      %dma_wait3A_529 = tpu.memref_slice %arg5[%dma_wait3A_527, %dma_wait3A_528] : memref<50x80xi32, #tpu.memory_space<vmem>> -> memref<1x80xi32, #tpu.memory_space<vmem>>
      %dma_wait3A_530 = tpu.memref_squeeze %dma_wait3A_529 : memref<1x80xi32, #tpu.memory_space<vmem>> -> memref<80xi32, #tpu.memory_space<vmem>>
      %dma_wait3A_531 = arith.constant 0 : i32
      %dma_wait3A_532 = arith.constant 0 : i32
      %dma_wait3A_533 = tpu.memref_slice %arg6[%dma_wait3A_531, %dma_wait3A_532] : memref<10000x128xf32, #tpu.memory_space<vmem_shared>> -> memref<10000x128xf32, #tpu.memory_space<vmem_shared>>
      tpu.wait_indirect_dma semaphore(%arg7 : memref<!tpu.dma_semaphore, #tpu.memory_space<semaphore_mem>>) src(%arg4 : memref<80x128xf32, #tpu.memory_space<vmem>>) dst(%dma_wait3A_533 : memref<10000x128xf32, #tpu.memory_space<vmem_shared>>)
      %dma_wait3A_534 = arith.constant 18 : i32
      %dma_wait3A_535 = arith.constant 0 : i32
      %dma_wait3A_536 = tpu.memref_slice %arg5[%dma_wait3A_534, %dma_wait3A_535] : memref<50x80xi32, #tpu.memory_space<vmem>> -> memref<1x80xi32, #tpu.memory_space<vmem>>
      %dma_wait3A_537 = tpu.memref_squeeze %dma_wait3A_536 : memref<1x80xi32, #tpu.memory_space<vmem>> -> memref<80xi32, #tpu.memory_space<vmem>>
      %dma_wait3A_538 = arith.constant 0 : i32
      %dma_wait3A_539 = arith.constant 0 : i32
      %dma_wait3A_540 = tpu.memref_slice %arg6[%dma_wait3A_538, %dma_wait3A_539] : memref<10000x128xf32, #tpu.memory_space<vmem_shared>> -> memref<10000x128xf32, #tpu.memory_space<vmem_shared>>
      tpu.wait_indirect_dma semaphore(%arg7 : memref<!tpu.dma_semaphore, #tpu.memory_space<semaphore_mem>>) src(%arg4 : memref<80x128xf32, #tpu.memory_space<vmem>>) dst(%dma_wait3A_540 : memref<10000x128xf32, #tpu.memory_space<vmem_shared>>)
      %dma_wait3A_541 = arith.constant 19 : i32
      %dma_wait3A_542 = arith.constant 0 : i32
      %dma_wait3A_543 = tpu.memref_slice %arg5[%dma_wait3A_541, %dma_wait3A_542] : memref<50x80xi32, #tpu.memory_space<vmem>> -> memref<1x80xi32, #tpu.memory_space<vmem>>
      %dma_wait3A_544 = tpu.memref_squeeze %dma_wait3A_543 : memref<1x80xi32, #tpu.memory_space<vmem>> -> memref<80xi32, #tpu.memory_space<vmem>>
      %dma_wait3A_545 = arith.constant 0 : i32
      %dma_wait3A_546 = arith.constant 0 : i32
      %dma_wait3A_547 = tpu.memref_slice %arg6[%dma_wait3A_545, %dma_wait3A_546] : memref<10000x128xf32, #tpu.memory_space<vmem_shared>> -> memref<10000x128xf32, #tpu.memory_space<vmem_shared>>
      tpu.wait_indirect_dma semaphore(%arg7 : memref<!tpu.dma_semaphore, #tpu.memory_space<semaphore_mem>>) src(%arg4 : memref<80x128xf32, #tpu.memory_space<vmem>>) dst(%dma_wait3A_547 : memref<10000x128xf32, #tpu.memory_space<vmem_shared>>)
      %dma_wait3A_548 = arith.constant 20 : i32
      %dma_wait3A_549 = arith.constant 0 : i32
      %dma_wait3A_550 = tpu.memref_slice %arg5[%dma_wait3A_548, %dma_wait3A_549] : memref<50x80xi32, #tpu.memory_space<vmem>> -> memref<1x80xi32, #tpu.memory_space<vmem>>
      %dma_wait3A_551 = tpu.memref_squeeze %dma_wait3A_550 : memref<1x80xi32, #tpu.memory_space<vmem>> -> memref<80xi32, #tpu.memory_space<vmem>>
      %dma_wait3A_552 = arith.constant 0 : i32
      %dma_wait3A_553 = arith.constant 0 : i32
      %dma_wait3A_554 = tpu.memref_slice %arg6[%dma_wait3A_552, %dma_wait3A_553] : memref<10000x128xf32, #tpu.memory_space<vmem_shared>> -> memref<10000x128xf32, #tpu.memory_space<vmem_shared>>
      tpu.wait_indirect_dma semaphore(%arg7 : memref<!tpu.dma_semaphore, #tpu.memory_space<semaphore_mem>>) src(%arg4 : memref<80x128xf32, #tpu.memory_space<vmem>>) dst(%dma_wait3A_554 : memref<10000x128xf32, #tpu.memory_space<vmem_shared>>)
      %dma_wait3A_555 = arith.constant 21 : i32
      %dma_wait3A_556 = arith.constant 0 : i32
      %dma_wait3A_557 = tpu.memref_slice %arg5[%dma_wait3A_555, %dma_wait3A_556] : memref<50x80xi32, #tpu.memory_space<vmem>> -> memref<1x80xi32, #tpu.memory_space<vmem>>
      %dma_wait3A_558 = tpu.memref_squeeze %dma_wait3A_557 : memref<1x80xi32, #tpu.memory_space<vmem>> -> memref<80xi32, #tpu.memory_space<vmem>>
      %dma_wait3A_559 = arith.constant 0 : i32
      %dma_wait3A_560 = arith.constant 0 : i32
      %dma_wait3A_561 = tpu.memref_slice %arg6[%dma_wait3A_559, %dma_wait3A_560] : memref<10000x128xf32, #tpu.memory_space<vmem_shared>> -> memref<10000x128xf32, #tpu.memory_space<vmem_shared>>
      tpu.wait_indirect_dma semaphore(%arg7 : memref<!tpu.dma_semaphore, #tpu.memory_space<semaphore_mem>>) src(%arg4 : memref<80x128xf32, #tpu.memory_space<vmem>>) dst(%dma_wait3A_561 : memref<10000x128xf32, #tpu.memory_space<vmem_shared>>)
      %dma_wait3A_562 = arith.constant 22 : i32
      %dma_wait3A_563 = arith.constant 0 : i32
      %dma_wait3A_564 = tpu.memref_slice %arg5[%dma_wait3A_562, %dma_wait3A_563] : memref<50x80xi32, #tpu.memory_space<vmem>> -> memref<1x80xi32, #tpu.memory_space<vmem>>
      %dma_wait3A_565 = tpu.memref_squeeze %dma_wait3A_564 : memref<1x80xi32, #tpu.memory_space<vmem>> -> memref<80xi32, #tpu.memory_space<vmem>>
      %dma_wait3A_566 = arith.constant 0 : i32
      %dma_wait3A_567 = arith.constant 0 : i32
      %dma_wait3A_568 = tpu.memref_slice %arg6[%dma_wait3A_566, %dma_wait3A_567] : memref<10000x128xf32, #tpu.memory_space<vmem_shared>> -> memref<10000x128xf32, #tpu.memory_space<vmem_shared>>
      tpu.wait_indirect_dma semaphore(%arg7 : memref<!tpu.dma_semaphore, #tpu.memory_space<semaphore_mem>>) src(%arg4 : memref<80x128xf32, #tpu.memory_space<vmem>>) dst(%dma_wait3A_568 : memref<10000x128xf32, #tpu.memory_space<vmem_shared>>)
      %dma_wait3A_569 = arith.constant 23 : i32
      %dma_wait3A_570 = arith.constant 0 : i32
      %dma_wait3A_571 = tpu.memref_slice %arg5[%dma_wait3A_569, %dma_wait3A_570] : memref<50x80xi32, #tpu.memory_space<vmem>> -> memref<1x80xi32, #tpu.memory_space<vmem>>
      %dma_wait3A_572 = tpu.memref_squeeze %dma_wait3A_571 : memref<1x80xi32, #tpu.memory_space<vmem>> -> memref<80xi32, #tpu.memory_space<vmem>>
      %dma_wait3A_573 = arith.constant 0 : i32
      %dma_wait3A_574 = arith.constant 0 : i32
      %dma_wait3A_575 = tpu.memref_slice %arg6[%dma_wait3A_573, %dma_wait3A_574] : memref<10000x128xf32, #tpu.memory_space<vmem_shared>> -> memref<10000x128xf32, #tpu.memory_space<vmem_shared>>
      tpu.wait_indirect_dma semaphore(%arg7 : memref<!tpu.dma_semaphore, #tpu.memory_space<semaphore_mem>>) src(%arg4 : memref<80x128xf32, #tpu.memory_space<vmem>>) dst(%dma_wait3A_575 : memref<10000x128xf32, #tpu.memory_space<vmem_shared>>)
      %dma_wait3A_576 = arith.constant 24 : i32
      %dma_wait3A_577 = arith.constant 0 : i32
      %dma_wait3A_578 = tpu.memref_slice %arg5[%dma_wait3A_576, %dma_wait3A_577] : memref<50x80xi32, #tpu.memory_space<vmem>> -> memref<1x80xi32, #tpu.memory_space<vmem>>
      %dma_wait3A_579 = tpu.memref_squeeze %dma_wait3A_578 : memref<1x80xi32, #tpu.memory_space<vmem>> -> memref<80xi32, #tpu.memory_space<vmem>>
      %dma_wait3A_580 = arith.constant 0 : i32
      %dma_wait3A_581 = arith.constant 0 : i32
      %dma_wait3A_582 = tpu.memref_slice %arg6[%dma_wait3A_580, %dma_wait3A_581] : memref<10000x128xf32, #tpu.memory_space<vmem_shared>> -> memref<10000x128xf32, #tpu.memory_space<vmem_shared>>
      tpu.wait_indirect_dma semaphore(%arg7 : memref<!tpu.dma_semaphore, #tpu.memory_space<semaphore_mem>>) src(%arg4 : memref<80x128xf32, #tpu.memory_space<vmem>>) dst(%dma_wait3A_582 : memref<10000x128xf32, #tpu.memory_space<vmem_shared>>)
      %dma_wait3A_583 = arith.constant 25 : i32
      %dma_wait3A_584 = arith.constant 0 : i32
      %dma_wait3A_585 = tpu.memref_slice %arg5[%dma_wait3A_583, %dma_wait3A_584] : memref<50x80xi32, #tpu.memory_space<vmem>> -> memref<1x80xi32, #tpu.memory_space<vmem>>
      %dma_wait3A_586 = tpu.memref_squeeze %dma_wait3A_585 : memref<1x80xi32, #tpu.memory_space<vmem>> -> memref<80xi32, #tpu.memory_space<vmem>>
      %dma_wait3A_587 = arith.constant 0 : i32
      %dma_wait3A_588 = arith.constant 0 : i32
      %dma_wait3A_589 = tpu.memref_slice %arg6[%dma_wait3A_587, %dma_wait3A_588] : memref<10000x128xf32, #tpu.memory_space<vmem_shared>> -> memref<10000x128xf32, #tpu.memory_space<vmem_shared>>
      tpu.wait_indirect_dma semaphore(%arg7 : memref<!tpu.dma_semaphore, #tpu.memory_space<semaphore_mem>>) src(%arg4 : memref<80x128xf32, #tpu.memory_space<vmem>>) dst(%dma_wait3A_589 : memref<10000x128xf32, #tpu.memory_space<vmem_shared>>)
      %dma_wait3A_590 = arith.constant 26 : i32
      %dma_wait3A_591 = arith.constant 0 : i32
      %dma_wait3A_592 = tpu.memref_slice %arg5[%dma_wait3A_590, %dma_wait3A_591] : memref<50x80xi32, #tpu.memory_space<vmem>> -> memref<1x80xi32, #tpu.memory_space<vmem>>
      %dma_wait3A_593 = tpu.memref_squeeze %dma_wait3A_592 : memref<1x80xi32, #tpu.memory_space<vmem>> -> memref<80xi32, #tpu.memory_space<vmem>>
      %dma_wait3A_594 = arith.constant 0 : i32
      %dma_wait3A_595 = arith.constant 0 : i32
      %dma_wait3A_596 = tpu.memref_slice %arg6[%dma_wait3A_594, %dma_wait3A_595] : memref<10000x128xf32, #tpu.memory_space<vmem_shared>> -> memref<10000x128xf32, #tpu.memory_space<vmem_shared>>
      tpu.wait_indirect_dma semaphore(%arg7 : memref<!tpu.dma_semaphore, #tpu.memory_space<semaphore_mem>>) src(%arg4 : memref<80x128xf32, #tpu.memory_space<vmem>>) dst(%dma_wait3A_596 : memref<10000x128xf32, #tpu.memory_space<vmem_shared>>)
      %dma_wait3A_597 = arith.constant 27 : i32
      %dma_wait3A_598 = arith.constant 0 : i32
      %dma_wait3A_599 = tpu.memref_slice %arg5[%dma_wait3A_597, %dma_wait3A_598] : memref<50x80xi32, #tpu.memory_space<vmem>> -> memref<1x80xi32, #tpu.memory_space<vmem>>
      %dma_wait3A_600 = tpu.memref_squeeze %dma_wait3A_599 : memref<1x80xi32, #tpu.memory_space<vmem>> -> memref<80xi32, #tpu.memory_space<vmem>>
      %dma_wait3A_601 = arith.constant 0 : i32
      %dma_wait3A_602 = arith.constant 0 : i32
      %dma_wait3A_603 = tpu.memref_slice %arg6[%dma_wait3A_601, %dma_wait3A_602] : memref<10000x128xf32, #tpu.memory_space<vmem_shared>> -> memref<10000x128xf32, #tpu.memory_space<vmem_shared>>
      tpu.wait_indirect_dma semaphore(%arg7 : memref<!tpu.dma_semaphore, #tpu.memory_space<semaphore_mem>>) src(%arg4 : memref<80x128xf32, #tpu.memory_space<vmem>>) dst(%dma_wait3A_603 : memref<10000x128xf32, #tpu.memory_space<vmem_shared>>)
      %dma_wait3A_604 = arith.constant 28 : i32
      %dma_wait3A_605 = arith.constant 0 : i32
      %dma_wait3A_606 = tpu.memref_slice %arg5[%dma_wait3A_604, %dma_wait3A_605] : memref<50x80xi32, #tpu.memory_space<vmem>> -> memref<1x80xi32, #tpu.memory_space<vmem>>
      %dma_wait3A_607 = tpu.memref_squeeze %dma_wait3A_606 : memref<1x80xi32, #tpu.memory_space<vmem>> -> memref<80xi32, #tpu.memory_space<vmem>>
      %dma_wait3A_608 = arith.constant 0 : i32
      %dma_wait3A_609 = arith.constant 0 : i32
      %dma_wait3A_610 = tpu.memref_slice %arg6[%dma_wait3A_608, %dma_wait3A_609] : memref<10000x128xf32, #tpu.memory_space<vmem_shared>> -> memref<10000x128xf32, #tpu.memory_space<vmem_shared>>
      tpu.wait_indirect_dma semaphore(%arg7 : memref<!tpu.dma_semaphore, #tpu.memory_space<semaphore_mem>>) src(%arg4 : memref<80x128xf32, #tpu.memory_space<vmem>>) dst(%dma_wait3A_610 : memref<10000x128xf32, #tpu.memory_space<vmem_shared>>)
      %dma_wait3A_611 = arith.constant 29 : i32
      %dma_wait3A_612 = arith.constant 0 : i32
      %dma_wait3A_613 = tpu.memref_slice %arg5[%dma_wait3A_611, %dma_wait3A_612] : memref<50x80xi32, #tpu.memory_space<vmem>> -> memref<1x80xi32, #tpu.memory_space<vmem>>
      %dma_wait3A_614 = tpu.memref_squeeze %dma_wait3A_613 : memref<1x80xi32, #tpu.memory_space<vmem>> -> memref<80xi32, #tpu.memory_space<vmem>>
      %dma_wait3A_615 = arith.constant 0 : i32
      %dma_wait3A_616 = arith.constant 0 : i32
      %dma_wait3A_617 = tpu.memref_slice %arg6[%dma_wait3A_615, %dma_wait3A_616] : memref<10000x128xf32, #tpu.memory_space<vmem_shared>> -> memref<10000x128xf32, #tpu.memory_space<vmem_shared>>
      tpu.wait_indirect_dma semaphore(%arg7 : memref<!tpu.dma_semaphore, #tpu.memory_space<semaphore_mem>>) src(%arg4 : memref<80x128xf32, #tpu.memory_space<vmem>>) dst(%dma_wait3A_617 : memref<10000x128xf32, #tpu.memory_space<vmem_shared>>)
      %dma_wait3A_618 = arith.constant 30 : i32
      %dma_wait3A_619 = arith.constant 0 : i32
      %dma_wait3A_620 = tpu.memref_slice %arg5[%dma_wait3A_618, %dma_wait3A_619] : memref<50x80xi32, #tpu.memory_space<vmem>> -> memref<1x80xi32, #tpu.memory_space<vmem>>
      %dma_wait3A_621 = tpu.memref_squeeze %dma_wait3A_620 : memref<1x80xi32, #tpu.memory_space<vmem>> -> memref<80xi32, #tpu.memory_space<vmem>>
      %dma_wait3A_622 = arith.constant 0 : i32
      %dma_wait3A_623 = arith.constant 0 : i32
      %dma_wait3A_624 = tpu.memref_slice %arg6[%dma_wait3A_622, %dma_wait3A_623] : memref<10000x128xf32, #tpu.memory_space<vmem_shared>> -> memref<10000x128xf32, #tpu.memory_space<vmem_shared>>
      tpu.wait_indirect_dma semaphore(%arg7 : memref<!tpu.dma_semaphore, #tpu.memory_space<semaphore_mem>>) src(%arg4 : memref<80x128xf32, #tpu.memory_space<vmem>>) dst(%dma_wait3A_624 : memref<10000x128xf32, #tpu.memory_space<vmem_shared>>)
      %dma_wait3A_625 = arith.constant 31 : i32
      %dma_wait3A_626 = arith.constant 0 : i32
      %dma_wait3A_627 = tpu.memref_slice %arg5[%dma_wait3A_625, %dma_wait3A_626] : memref<50x80xi32, #tpu.memory_space<vmem>> -> memref<1x80xi32, #tpu.memory_space<vmem>>
      %dma_wait3A_628 = tpu.memref_squeeze %dma_wait3A_627 : memref<1x80xi32, #tpu.memory_space<vmem>> -> memref<80xi32, #tpu.memory_space<vmem>>
      %dma_wait3A_629 = arith.constant 0 : i32
      %dma_wait3A_630 = arith.constant 0 : i32
      %dma_wait3A_631 = tpu.memref_slice %arg6[%dma_wait3A_629, %dma_wait3A_630] : memref<10000x128xf32, #tpu.memory_space<vmem_shared>> -> memref<10000x128xf32, #tpu.memory_space<vmem_shared>>
      tpu.wait_indirect_dma semaphore(%arg7 : memref<!tpu.dma_semaphore, #tpu.memory_space<semaphore_mem>>) src(%arg4 : memref<80x128xf32, #tpu.memory_space<vmem>>) dst(%dma_wait3A_631 : memref<10000x128xf32, #tpu.memory_space<vmem_shared>>)
      %dma_wait3A_632 = arith.constant 32 : i32
      %dma_wait3A_633 = arith.constant 0 : i32
      %dma_wait3A_634 = tpu.memref_slice %arg5[%dma_wait3A_632, %dma_wait3A_633] : memref<50x80xi32, #tpu.memory_space<vmem>> -> memref<1x80xi32, #tpu.memory_space<vmem>>
      %dma_wait3A_635 = tpu.memref_squeeze %dma_wait3A_634 : memref<1x80xi32, #tpu.memory_space<vmem>> -> memref<80xi32, #tpu.memory_space<vmem>>
      %dma_wait3A_636 = arith.constant 0 : i32
      %dma_wait3A_637 = arith.constant 0 : i32
      %dma_wait3A_638 = tpu.memref_slice %arg6[%dma_wait3A_636, %dma_wait3A_637] : memref<10000x128xf32, #tpu.memory_space<vmem_shared>> -> memref<10000x128xf32, #tpu.memory_space<vmem_shared>>
      tpu.wait_indirect_dma semaphore(%arg7 : memref<!tpu.dma_semaphore, #tpu.memory_space<semaphore_mem>>) src(%arg4 : memref<80x128xf32, #tpu.memory_space<vmem>>) dst(%dma_wait3A_638 : memref<10000x128xf32, #tpu.memory_space<vmem_shared>>)
      %dma_wait3A_639 = arith.constant 33 : i32
      %dma_wait3A_640 = arith.constant 0 : i32
      %dma_wait3A_641 = tpu.memref_slice %arg5[%dma_wait3A_639, %dma_wait3A_640] : memref<50x80xi32, #tpu.memory_space<vmem>> -> memref<1x80xi32, #tpu.memory_space<vmem>>
      %dma_wait3A_642 = tpu.memref_squeeze %dma_wait3A_641 : memref<1x80xi32, #tpu.memory_space<vmem>> -> memref<80xi32, #tpu.memory_space<vmem>>
      %dma_wait3A_643 = arith.constant 0 : i32
      %dma_wait3A_644 = arith.constant 0 : i32
      %dma_wait3A_645 = tpu.memref_slice %arg6[%dma_wait3A_643, %dma_wait3A_644] : memref<10000x128xf32, #tpu.memory_space<vmem_shared>> -> memref<10000x128xf32, #tpu.memory_space<vmem_shared>>
      tpu.wait_indirect_dma semaphore(%arg7 : memref<!tpu.dma_semaphore, #tpu.memory_space<semaphore_mem>>) src(%arg4 : memref<80x128xf32, #tpu.memory_space<vmem>>) dst(%dma_wait3A_645 : memref<10000x128xf32, #tpu.memory_space<vmem_shared>>)
      %dma_wait3A_646 = arith.constant 34 : i32
      %dma_wait3A_647 = arith.constant 0 : i32
      %dma_wait3A_648 = tpu.memref_slice %arg5[%dma_wait3A_646, %dma_wait3A_647] : memref<50x80xi32, #tpu.memory_space<vmem>> -> memref<1x80xi32, #tpu.memory_space<vmem>>
      %dma_wait3A_649 = tpu.memref_squeeze %dma_wait3A_648 : memref<1x80xi32, #tpu.memory_space<vmem>> -> memref<80xi32, #tpu.memory_space<vmem>>
      %dma_wait3A_650 = arith.constant 0 : i32
      %dma_wait3A_651 = arith.constant 0 : i32
      %dma_wait3A_652 = tpu.memref_slice %arg6[%dma_wait3A_650, %dma_wait3A_651] : memref<10000x128xf32, #tpu.memory_space<vmem_shared>> -> memref<10000x128xf32, #tpu.memory_space<vmem_shared>>
      tpu.wait_indirect_dma semaphore(%arg7 : memref<!tpu.dma_semaphore, #tpu.memory_space<semaphore_mem>>) src(%arg4 : memref<80x128xf32, #tpu.memory_space<vmem>>) dst(%dma_wait3A_652 : memref<10000x128xf32, #tpu.memory_space<vmem_shared>>)
      %dma_wait3A_653 = arith.constant 35 : i32
      %dma_wait3A_654 = arith.constant 0 : i32
      %dma_wait3A_655 = tpu.memref_slice %arg5[%dma_wait3A_653, %dma_wait3A_654] : memref<50x80xi32, #tpu.memory_space<vmem>> -> memref<1x80xi32, #tpu.memory_space<vmem>>
      %dma_wait3A_656 = tpu.memref_squeeze %dma_wait3A_655 : memref<1x80xi32, #tpu.memory_space<vmem>> -> memref<80xi32, #tpu.memory_space<vmem>>
      %dma_wait3A_657 = arith.constant 0 : i32
      %dma_wait3A_658 = arith.constant 0 : i32
      %dma_wait3A_659 = tpu.memref_slice %arg6[%dma_wait3A_657, %dma_wait3A_658] : memref<10000x128xf32, #tpu.memory_space<vmem_shared>> -> memref<10000x128xf32, #tpu.memory_space<vmem_shared>>
      tpu.wait_indirect_dma semaphore(%arg7 : memref<!tpu.dma_semaphore, #tpu.memory_space<semaphore_mem>>) src(%arg4 : memref<80x128xf32, #tpu.memory_space<vmem>>) dst(%dma_wait3A_659 : memref<10000x128xf32, #tpu.memory_space<vmem_shared>>)
      %dma_wait3A_660 = arith.constant 36 : i32
      %dma_wait3A_661 = arith.constant 0 : i32
      %dma_wait3A_662 = tpu.memref_slice %arg5[%dma_wait3A_660, %dma_wait3A_661] : memref<50x80xi32, #tpu.memory_space<vmem>> -> memref<1x80xi32, #tpu.memory_space<vmem>>
      %dma_wait3A_663 = tpu.memref_squeeze %dma_wait3A_662 : memref<1x80xi32, #tpu.memory_space<vmem>> -> memref<80xi32, #tpu.memory_space<vmem>>
      %dma_wait3A_664 = arith.constant 0 : i32
      %dma_wait3A_665 = arith.constant 0 : i32
      %dma_wait3A_666 = tpu.memref_slice %arg6[%dma_wait3A_664, %dma_wait3A_665] : memref<10000x128xf32, #tpu.memory_space<vmem_shared>> -> memref<10000x128xf32, #tpu.memory_space<vmem_shared>>
      tpu.wait_indirect_dma semaphore(%arg7 : memref<!tpu.dma_semaphore, #tpu.memory_space<semaphore_mem>>) src(%arg4 : memref<80x128xf32, #tpu.memory_space<vmem>>) dst(%dma_wait3A_666 : memref<10000x128xf32, #tpu.memory_space<vmem_shared>>)
      %dma_wait3A_667 = arith.constant 37 : i32
      %dma_wait3A_668 = arith.constant 0 : i32
      %dma_wait3A_669 = tpu.memref_slice %arg5[%dma_wait3A_667, %dma_wait3A_668] : memref<50x80xi32, #tpu.memory_space<vmem>> -> memref<1x80xi32, #tpu.memory_space<vmem>>
      %dma_wait3A_670 = tpu.memref_squeeze %dma_wait3A_669 : memref<1x80xi32, #tpu.memory_space<vmem>> -> memref<80xi32, #tpu.memory_space<vmem>>
      %dma_wait3A_671 = arith.constant 0 : i32
      %dma_wait3A_672 = arith.constant 0 : i32
      %dma_wait3A_673 = tpu.memref_slice %arg6[%dma_wait3A_671, %dma_wait3A_672] : memref<10000x128xf32, #tpu.memory_space<vmem_shared>> -> memref<10000x128xf32, #tpu.memory_space<vmem_shared>>
      tpu.wait_indirect_dma semaphore(%arg7 : memref<!tpu.dma_semaphore, #tpu.memory_space<semaphore_mem>>) src(%arg4 : memref<80x128xf32, #tpu.memory_space<vmem>>) dst(%dma_wait3A_673 : memref<10000x128xf32, #tpu.memory_space<vmem_shared>>)
      %dma_wait3A_674 = arith.constant 38 : i32
      %dma_wait3A_675 = arith.constant 0 : i32
      %dma_wait3A_676 = tpu.memref_slice %arg5[%dma_wait3A_674, %dma_wait3A_675] : memref<50x80xi32, #tpu.memory_space<vmem>> -> memref<1x80xi32, #tpu.memory_space<vmem>>
      %dma_wait3A_677 = tpu.memref_squeeze %dma_wait3A_676 : memref<1x80xi32, #tpu.memory_space<vmem>> -> memref<80xi32, #tpu.memory_space<vmem>>
      %dma_wait3A_678 = arith.constant 0 : i32
      %dma_wait3A_679 = arith.constant 0 : i32
      %dma_wait3A_680 = tpu.memref_slice %arg6[%dma_wait3A_678, %dma_wait3A_679] : memref<10000x128xf32, #tpu.memory_space<vmem_shared>> -> memref<10000x128xf32, #tpu.memory_space<vmem_shared>>
      tpu.wait_indirect_dma semaphore(%arg7 : memref<!tpu.dma_semaphore, #tpu.memory_space<semaphore_mem>>) src(%arg4 : memref<80x128xf32, #tpu.memory_space<vmem>>) dst(%dma_wait3A_680 : memref<10000x128xf32, #tpu.memory_space<vmem_shared>>)
      %dma_wait3A_681 = arith.constant 39 : i32
      %dma_wait3A_682 = arith.constant 0 : i32
      %dma_wait3A_683 = tpu.memref_slice %arg5[%dma_wait3A_681, %dma_wait3A_682] : memref<50x80xi32, #tpu.memory_space<vmem>> -> memref<1x80xi32, #tpu.memory_space<vmem>>
      %dma_wait3A_684 = tpu.memref_squeeze %dma_wait3A_683 : memref<1x80xi32, #tpu.memory_space<vmem>> -> memref<80xi32, #tpu.memory_space<vmem>>
      %dma_wait3A_685 = arith.constant 0 : i32
      %dma_wait3A_686 = arith.constant 0 : i32
      %dma_wait3A_687 = tpu.memref_slice %arg6[%dma_wait3A_685, %dma_wait3A_686] : memref<10000x128xf32, #tpu.memory_space<vmem_shared>> -> memref<10000x128xf32, #tpu.memory_space<vmem_shared>>
      tpu.wait_indirect_dma semaphore(%arg7 : memref<!tpu.dma_semaphore, #tpu.memory_space<semaphore_mem>>) src(%arg4 : memref<80x128xf32, #tpu.memory_space<vmem>>) dst(%dma_wait3A_687 : memref<10000x128xf32, #tpu.memory_space<vmem_shared>>)
      %dma_wait3A_688 = arith.constant 40 : i32
      %dma_wait3A_689 = arith.constant 0 : i32
      %dma_wait3A_690 = tpu.memref_slice %arg5[%dma_wait3A_688, %dma_wait3A_689] : memref<50x80xi32, #tpu.memory_space<vmem>> -> memref<1x80xi32, #tpu.memory_space<vmem>>
      %dma_wait3A_691 = tpu.memref_squeeze %dma_wait3A_690 : memref<1x80xi32, #tpu.memory_space<vmem>> -> memref<80xi32, #tpu.memory_space<vmem>>
      %dma_wait3A_692 = arith.constant 0 : i32
      %dma_wait3A_693 = arith.constant 0 : i32
      %dma_wait3A_694 = tpu.memref_slice %arg6[%dma_wait3A_692, %dma_wait3A_693] : memref<10000x128xf32, #tpu.memory_space<vmem_shared>> -> memref<10000x128xf32, #tpu.memory_space<vmem_shared>>
      tpu.wait_indirect_dma semaphore(%arg7 : memref<!tpu.dma_semaphore, #tpu.memory_space<semaphore_mem>>) src(%arg4 : memref<80x128xf32, #tpu.memory_space<vmem>>) dst(%dma_wait3A_694 : memref<10000x128xf32, #tpu.memory_space<vmem_shared>>)
      %dma_wait3A_695 = arith.constant 41 : i32
      %dma_wait3A_696 = arith.constant 0 : i32
      %dma_wait3A_697 = tpu.memref_slice %arg5[%dma_wait3A_695, %dma_wait3A_696] : memref<50x80xi32, #tpu.memory_space<vmem>> -> memref<1x80xi32, #tpu.memory_space<vmem>>
      %dma_wait3A_698 = tpu.memref_squeeze %dma_wait3A_697 : memref<1x80xi32, #tpu.memory_space<vmem>> -> memref<80xi32, #tpu.memory_space<vmem>>
      %dma_wait3A_699 = arith.constant 0 : i32
      %dma_wait3A_700 = arith.constant 0 : i32
      %dma_wait3A_701 = tpu.memref_slice %arg6[%dma_wait3A_699, %dma_wait3A_700] : memref<10000x128xf32, #tpu.memory_space<vmem_shared>> -> memref<10000x128xf32, #tpu.memory_space<vmem_shared>>
      tpu.wait_indirect_dma semaphore(%arg7 : memref<!tpu.dma_semaphore, #tpu.memory_space<semaphore_mem>>) src(%arg4 : memref<80x128xf32, #tpu.memory_space<vmem>>) dst(%dma_wait3A_701 : memref<10000x128xf32, #tpu.memory_space<vmem_shared>>)
      %dma_wait3A_702 = arith.constant 42 : i32
      %dma_wait3A_703 = arith.constant 0 : i32
      %dma_wait3A_704 = tpu.memref_slice %arg5[%dma_wait3A_702, %dma_wait3A_703] : memref<50x80xi32, #tpu.memory_space<vmem>> -> memref<1x80xi32, #tpu.memory_space<vmem>>
      %dma_wait3A_705 = tpu.memref_squeeze %dma_wait3A_704 : memref<1x80xi32, #tpu.memory_space<vmem>> -> memref<80xi32, #tpu.memory_space<vmem>>
      %dma_wait3A_706 = arith.constant 0 : i32
      %dma_wait3A_707 = arith.constant 0 : i32
      %dma_wait3A_708 = tpu.memref_slice %arg6[%dma_wait3A_706, %dma_wait3A_707] : memref<10000x128xf32, #tpu.memory_space<vmem_shared>> -> memref<10000x128xf32, #tpu.memory_space<vmem_shared>>
      tpu.wait_indirect_dma semaphore(%arg7 : memref<!tpu.dma_semaphore, #tpu.memory_space<semaphore_mem>>) src(%arg4 : memref<80x128xf32, #tpu.memory_space<vmem>>) dst(%dma_wait3A_708 : memref<10000x128xf32, #tpu.memory_space<vmem_shared>>)
      %dma_wait3A_709 = arith.constant 43 : i32
      %dma_wait3A_710 = arith.constant 0 : i32
      %dma_wait3A_711 = tpu.memref_slice %arg5[%dma_wait3A_709, %dma_wait3A_710] : memref<50x80xi32, #tpu.memory_space<vmem>> -> memref<1x80xi32, #tpu.memory_space<vmem>>
      %dma_wait3A_712 = tpu.memref_squeeze %dma_wait3A_711 : memref<1x80xi32, #tpu.memory_space<vmem>> -> memref<80xi32, #tpu.memory_space<vmem>>
      %dma_wait3A_713 = arith.constant 0 : i32
      %dma_wait3A_714 = arith.constant 0 : i32
      %dma_wait3A_715 = tpu.memref_slice %arg6[%dma_wait3A_713, %dma_wait3A_714] : memref<10000x128xf32, #tpu.memory_space<vmem_shared>> -> memref<10000x128xf32, #tpu.memory_space<vmem_shared>>
      tpu.wait_indirect_dma semaphore(%arg7 : memref<!tpu.dma_semaphore, #tpu.memory_space<semaphore_mem>>) src(%arg4 : memref<80x128xf32, #tpu.memory_space<vmem>>) dst(%dma_wait3A_715 : memref<10000x128xf32, #tpu.memory_space<vmem_shared>>)
      %dma_wait3A_716 = arith.constant 44 : i32
      %dma_wait3A_717 = arith.constant 0 : i32
      %dma_wait3A_718 = tpu.memref_slice %arg5[%dma_wait3A_716, %dma_wait3A_717] : memref<50x80xi32, #tpu.memory_space<vmem>> -> memref<1x80xi32, #tpu.memory_space<vmem>>
      %dma_wait3A_719 = tpu.memref_squeeze %dma_wait3A_718 : memref<1x80xi32, #tpu.memory_space<vmem>> -> memref<80xi32, #tpu.memory_space<vmem>>
      %dma_wait3A_720 = arith.constant 0 : i32
      %dma_wait3A_721 = arith.constant 0 : i32
      %dma_wait3A_722 = tpu.memref_slice %arg6[%dma_wait3A_720, %dma_wait3A_721] : memref<10000x128xf32, #tpu.memory_space<vmem_shared>> -> memref<10000x128xf32, #tpu.memory_space<vmem_shared>>
      tpu.wait_indirect_dma semaphore(%arg7 : memref<!tpu.dma_semaphore, #tpu.memory_space<semaphore_mem>>) src(%arg4 : memref<80x128xf32, #tpu.memory_space<vmem>>) dst(%dma_wait3A_722 : memref<10000x128xf32, #tpu.memory_space<vmem_shared>>)
      %dma_wait3A_723 = arith.constant 45 : i32
      %dma_wait3A_724 = arith.constant 0 : i32
      %dma_wait3A_725 = tpu.memref_slice %arg5[%dma_wait3A_723, %dma_wait3A_724] : memref<50x80xi32, #tpu.memory_space<vmem>> -> memref<1x80xi32, #tpu.memory_space<vmem>>
      %dma_wait3A_726 = tpu.memref_squeeze %dma_wait3A_725 : memref<1x80xi32, #tpu.memory_space<vmem>> -> memref<80xi32, #tpu.memory_space<vmem>>
      %dma_wait3A_727 = arith.constant 0 : i32
      %dma_wait3A_728 = arith.constant 0 : i32
      %dma_wait3A_729 = tpu.memref_slice %arg6[%dma_wait3A_727, %dma_wait3A_728] : memref<10000x128xf32, #tpu.memory_space<vmem_shared>> -> memref<10000x128xf32, #tpu.memory_space<vmem_shared>>
      tpu.wait_indirect_dma semaphore(%arg7 : memref<!tpu.dma_semaphore, #tpu.memory_space<semaphore_mem>>) src(%arg4 : memref<80x128xf32, #tpu.memory_space<vmem>>) dst(%dma_wait3A_729 : memref<10000x128xf32, #tpu.memory_space<vmem_shared>>)
      %dma_wait3A_730 = arith.constant 46 : i32
      %dma_wait3A_731 = arith.constant 0 : i32
      %dma_wait3A_732 = tpu.memref_slice %arg5[%dma_wait3A_730, %dma_wait3A_731] : memref<50x80xi32, #tpu.memory_space<vmem>> -> memref<1x80xi32, #tpu.memory_space<vmem>>
      %dma_wait3A_733 = tpu.memref_squeeze %dma_wait3A_732 : memref<1x80xi32, #tpu.memory_space<vmem>> -> memref<80xi32, #tpu.memory_space<vmem>>
      %dma_wait3A_734 = arith.constant 0 : i32
      %dma_wait3A_735 = arith.constant 0 : i32
      %dma_wait3A_736 = tpu.memref_slice %arg6[%dma_wait3A_734, %dma_wait3A_735] : memref<10000x128xf32, #tpu.memory_space<vmem_shared>> -> memref<10000x128xf32, #tpu.memory_space<vmem_shared>>
      tpu.wait_indirect_dma semaphore(%arg7 : memref<!tpu.dma_semaphore, #tpu.memory_space<semaphore_mem>>) src(%arg4 : memref<80x128xf32, #tpu.memory_space<vmem>>) dst(%dma_wait3A_736 : memref<10000x128xf32, #tpu.memory_space<vmem_shared>>)
      %dma_wait3A_737 = arith.constant 47 : i32
      %dma_wait3A_738 = arith.constant 0 : i32
      %dma_wait3A_739 = tpu.memref_slice %arg5[%dma_wait3A_737, %dma_wait3A_738] : memref<50x80xi32, #tpu.memory_space<vmem>> -> memref<1x80xi32, #tpu.memory_space<vmem>>
      %dma_wait3A_740 = tpu.memref_squeeze %dma_wait3A_739 : memref<1x80xi32, #tpu.memory_space<vmem>> -> memref<80xi32, #tpu.memory_space<vmem>>
      %dma_wait3A_741 = arith.constant 0 : i32
      %dma_wait3A_742 = arith.constant 0 : i32
      %dma_wait3A_743 = tpu.memref_slice %arg6[%dma_wait3A_741, %dma_wait3A_742] : memref<10000x128xf32, #tpu.memory_space<vmem_shared>> -> memref<10000x128xf32, #tpu.memory_space<vmem_shared>>
      tpu.wait_indirect_dma semaphore(%arg7 : memref<!tpu.dma_semaphore, #tpu.memory_space<semaphore_mem>>) src(%arg4 : memref<80x128xf32, #tpu.memory_space<vmem>>) dst(%dma_wait3A_743 : memref<10000x128xf32, #tpu.memory_space<vmem_shared>>)
      %dma_wait3A_744 = arith.constant 48 : i32
      %dma_wait3A_745 = arith.constant 0 : i32
      %dma_wait3A_746 = tpu.memref_slice %arg5[%dma_wait3A_744, %dma_wait3A_745] : memref<50x80xi32, #tpu.memory_space<vmem>> -> memref<1x80xi32, #tpu.memory_space<vmem>>
      %dma_wait3A_747 = tpu.memref_squeeze %dma_wait3A_746 : memref<1x80xi32, #tpu.memory_space<vmem>> -> memref<80xi32, #tpu.memory_space<vmem>>
      %dma_wait3A_748 = arith.constant 0 : i32
      %dma_wait3A_749 = arith.constant 0 : i32
      %dma_wait3A_750 = tpu.memref_slice %arg6[%dma_wait3A_748, %dma_wait3A_749] : memref<10000x128xf32, #tpu.memory_space<vmem_shared>> -> memref<10000x128xf32, #tpu.memory_space<vmem_shared>>
      tpu.wait_indirect_dma semaphore(%arg7 : memref<!tpu.dma_semaphore, #tpu.memory_space<semaphore_mem>>) src(%arg4 : memref<80x128xf32, #tpu.memory_space<vmem>>) dst(%dma_wait3A_750 : memref<10000x128xf32, #tpu.memory_space<vmem_shared>>)
      %dma_wait3A_751 = arith.constant 49 : i32
      %dma_wait3A_752 = arith.constant 0 : i32
      %dma_wait3A_753 = tpu.memref_slice %arg5[%dma_wait3A_751, %dma_wait3A_752] : memref<50x80xi32, #tpu.memory_space<vmem>> -> memref<1x80xi32, #tpu.memory_space<vmem>>
      %dma_wait3A_754 = tpu.memref_squeeze %dma_wait3A_753 : memref<1x80xi32, #tpu.memory_space<vmem>> -> memref<80xi32, #tpu.memory_space<vmem>>
      %dma_wait3A_755 = arith.constant 0 : i32
      %dma_wait3A_756 = arith.constant 0 : i32
      %dma_wait3A_757 = tpu.memref_slice %arg6[%dma_wait3A_755, %dma_wait3A_756] : memref<10000x128xf32, #tpu.memory_space<vmem_shared>> -> memref<10000x128xf32, #tpu.memory_space<vmem_shared>>
      tpu.wait_indirect_dma semaphore(%arg7 : memref<!tpu.dma_semaphore, #tpu.memory_space<semaphore_mem>>) src(%arg4 : memref<80x128xf32, #tpu.memory_space<vmem>>) dst(%dma_wait3A_757 : memref<10000x128xf32, #tpu.memory_space<vmem_shared>>)
      %scan3A_758 = arith.constant 0 : i32
      scf.yield %scan3A_758 : i32
    }
    %scan3A_44 = arith.constant 5 : i32
    %barrier3A_45 = arith.constant 0 : index
    tpu.barrier barrier_id(%barrier3A_45)
    %mul3A_46 = arith.constant 624 : i32
    %mul3A_47 = arith.muli %arg1, %mul3A_46 : i32
    %mul3A_48 = arith.constant 624 : i32
    %mul3A_49 = arith.muli %arg1, %mul3A_48 : i32
    "tpu.region"() ({
      %run_scoped3A = tpu.sem_alloc : memref<!tpu.dma_semaphore, #tpu.memory_space<semaphore_mem>>
      %dma_start3A = arith.constant 0 : i32
      %dma_start3A_55 = tpu.memref_slice %arg3[%arg0, %mul3A_49, %dma_start3A] : memref<2x10000x128xf32, #tpu.memory_space<hbm>> -> memref<1x624x128xf32, #tpu.memory_space<hbm>>
      %dma_start3A_56 = tpu.memref_squeeze %dma_start3A_55 : memref<1x624x128xf32, #tpu.memory_space<hbm>> -> memref<624x128xf32, #tpu.memory_space<hbm>>
      %dma_start3A_57 = arith.constant 0 : i32
      %dma_start3A_58 = tpu.memref_slice %arg6[%mul3A_47, %dma_start3A_57] : memref<10000x128xf32, #tpu.memory_space<vmem_shared>> -> memref<624x128xf32, #tpu.memory_space<vmem_shared>>
      tpu.enqueue_dma source(%dma_start3A_58 : memref<624x128xf32, #tpu.memory_space<vmem_shared>>) target(%dma_start3A_56 : memref<624x128xf32, #tpu.memory_space<hbm>>) target_semaphore(%run_scoped3A : memref<!tpu.dma_semaphore, #tpu.memory_space<semaphore_mem>>)
      %dma_wait3A = arith.constant 0 : i32
      %dma_wait3A_59 = tpu.memref_slice %arg3[%arg0, %mul3A_49, %dma_wait3A] : memref<2x10000x128xf32, #tpu.memory_space<hbm>> -> memref<1x624x128xf32, #tpu.memory_space<hbm>>
      %dma_wait3A_60 = tpu.memref_squeeze %dma_wait3A_59 : memref<1x624x128xf32, #tpu.memory_space<hbm>> -> memref<624x128xf32, #tpu.memory_space<hbm>>
      %dma_wait3A_61 = arith.constant 0 : i32
      %dma_wait3A_62 = tpu.memref_slice %arg6[%mul3A_47, %dma_wait3A_61] : memref<10000x128xf32, #tpu.memory_space<vmem_shared>> -> memref<624x128xf32, #tpu.memory_space<vmem_shared>>
      tpu.wait_dma2 semaphore(%run_scoped3A : memref<!tpu.dma_semaphore, #tpu.memory_space<semaphore_mem>>) src(%dma_wait3A_62 : memref<624x128xf32, #tpu.memory_space<vmem_shared>>) dst(%dma_wait3A_60 : memref<624x128xf32, #tpu.memory_space<hbm>>)
      tpu.yield
    }) : () -> ()
    %eq3A_50 = arith.constant 15 : i32
    %eq3A_51 = arith.cmpi eq, %arg1, %eq3A_50 : i32
    %convert_element_type3A_52 = arith.extui %eq3A_51 : i1 to i32
    %cond3A_53 = arith.constant 0 : i32
    %cond3A_54 = arith.cmpi ne, %convert_element_type3A_52, %cond3A_53 : i32
    scf.if %cond3A_54 {
      "tpu.region"() ({
        %run_scoped3A = tpu.sem_alloc : memref<!tpu.dma_semaphore, #tpu.memory_space<semaphore_mem>>
        %dma_start3A = arith.constant 9984 : i32
        %dma_start3A_55 = arith.constant 0 : i32
        %dma_start3A_56 = tpu.memref_slice %arg3[%arg0, %dma_start3A, %dma_start3A_55] : memref<2x10000x128xf32, #tpu.memory_space<hbm>> -> memref<1x16x128xf32, #tpu.memory_space<hbm>>
        %dma_start3A_57 = tpu.memref_squeeze %dma_start3A_56 : memref<1x16x128xf32, #tpu.memory_space<hbm>> -> memref<16x128xf32, #tpu.memory_space<hbm>>
        %dma_start3A_58 = arith.constant 9984 : i32
        %dma_start3A_59 = arith.constant 0 : i32
        %dma_start3A_60 = tpu.memref_slice %arg6[%dma_start3A_58, %dma_start3A_59] : memref<10000x128xf32, #tpu.memory_space<vmem_shared>> -> memref<16x128xf32, #tpu.memory_space<vmem_shared>>
        tpu.enqueue_dma source(%dma_start3A_60 : memref<16x128xf32, #tpu.memory_space<vmem_shared>>) target(%dma_start3A_57 : memref<16x128xf32, #tpu.memory_space<hbm>>) target_semaphore(%run_scoped3A : memref<!tpu.dma_semaphore, #tpu.memory_space<semaphore_mem>>)
        %dma_wait3A = arith.constant 9984 : i32
        %dma_wait3A_61 = arith.constant 0 : i32
        %dma_wait3A_62 = tpu.memref_slice %arg3[%arg0, %dma_wait3A, %dma_wait3A_61] : memref<2x10000x128xf32, #tpu.memory_space<hbm>> -> memref<1x16x128xf32, #tpu.memory_space<hbm>>
        %dma_wait3A_63 = tpu.memref_squeeze %dma_wait3A_62 : memref<1x16x128xf32, #tpu.memory_space<hbm>> -> memref<16x128xf32, #tpu.memory_space<hbm>>
        %dma_wait3A_64 = arith.constant 9984 : i32
        %dma_wait3A_65 = arith.constant 0 : i32
        %dma_wait3A_66 = tpu.memref_slice %arg6[%dma_wait3A_64, %dma_wait3A_65] : memref<10000x128xf32, #tpu.memory_space<vmem_shared>> -> memref<16x128xf32, #tpu.memory_space<vmem_shared>>
        tpu.wait_dma2 semaphore(%run_scoped3A : memref<!tpu.dma_semaphore, #tpu.memory_space<semaphore_mem>>) src(%dma_wait3A_66 : memref<16x128xf32, #tpu.memory_space<vmem_shared>>) dst(%dma_wait3A_63 : memref<16x128xf32, #tpu.memory_space<hbm>>)
        tpu.yield
      }) : () -> ()
    } else {
    }
    return
  }
}

</mosaic_0001>

<sc_bundles>
// kernel: _sc_degree.3.cloned.1.call-start
scs
__scs_entry_jumppad:
0x0: {  	(pc) =	sbr.rel $0x88, $3  }
0x1: {  	(tag) =	ssettag $0x0;
	lr =	simm.s32 $0x1  }
0x2: {  	[smem:$0x3FA0] =	sst lr;
	_ =	strace $0xD0000000  }
0x3: {  	_ = 	snop  }
0x4: {  	_ = 	snop  }
0x5: {  	_ = 	snop  }
0x6: {  	_ = 	snop  }
0x7: {  	_ = 	snop  }
__scs_overlays_trampoline_lowered:
0x8: {  	[smem:$0x3FAF] =	sst s0  }
0x9: {  	[smem:$0x3FB0] =	sst s1  }
0xa: {  	[smem:$0x3FB1] =	sst s2  }
0xb: {  	[smem:$0x3FB2] =	sst s3  }
0xc: {  	[smem:$0x3FB3] =	sst s4  }
0xd: {  	[smem:$0x3FB4] =	sst s5  }
0xe: {  	[smem:$0x3FB5] =	sst s6  }
0xf: {  	[smem:$0x3FB6] =	sst s7  }
0x10: {  	[smem:$0x3FB7] =	sst s8  }
0x11: {  	[smem:$0x3FB8] =	sst s9;
	s0 =	simm.s32 @!p0 $0x0  }
0x12: {  	s1 =	sld [smem:$0x3F9E];
	s0 =	simm.s32 @p0 $0x1  }
0x13: {  	[smem:$0x3FB9] =	sst s0;
	s0 =	simm.s32 @!p1 $0x0  }
0x14: {  	s2 =	sld [smem:$0x3F9D];
	s0 =	simm.s32 @p1 $0x1  }
0x15: {  	[smem:$0x3FBA] =	sst s0;
	s0 =	simm.s32 @!p2 $0x0  }
0x16: {  	s3 =	sld [smem:$0x3FDB];
	s0 =	simm.s32 @p2 $0x1  }
0x17: {  	s4 =	simm.s32 $0x1BF5;
	[smem:$0x3FBC] =	sst s0  }
0x18: {  	s0 =	sld [smem:$0x3F9F];
	_ =	swait.ge [sflag:s4], $0x0  }
0x19: {  	s7 =	sld [smem:$0x3FA0]  }
0x1a: {  	s8 =	sadd.s32 $0xFFFFE003, lr  }
0x1b: {  	s9 =	sadd.s32 $0xFFFFFEF7, lr;
	s5 =	simm.s32 $0xFFFFFFFF;
	p2 =	slt.u32 s8, $0xFFFFF086  }
0x1c: {  	p1 =	slt.u32 s9, $0xF7A;
	s5 =	simm.s32 @!p2 $0x0  }
0x1d: {  	s5 =	simm.s32 @p1 $0x1;
	p0 =	seq.s32 s7, s2  }
0x1e: {  	s7 =	smul.u32 @!p0 $0xF7A, s2;
	p2 =	seq.s32 @!p0 s5, $0x0  }
0x1f: {  	s9 =	smul.u32 $0xF7A, s1;
	s8 =	simm.s32 @!p0 $0x1BF5;
	p2 =	por !p2, p0  }
0x20: {  	[sflag:s8] =	ssyncset.s32 @!p0 $0xFFFFF086;
	s6 =	sadd.s32 @!p0 s3, s7;
	s7 =	simm.s32 @!p0 $0x108  }
0x21: {  	s3 =	sadd.s32 s3, s9;
	s6 =	sadd.s32 @!p0 $0x88, s6;
	s7 =	simm.s32 @p2 $0x1082  }
0x22: {  	[simem:s7], [sflag:s8] =	dma.local @!p0 [hbm:s6], $0xF7A  }
0x23: {  	s9 =	sor.u32 $0xD0000000, s2;
	s6 =	simm.s32 $0x108;
	_ =	swait.ge @!p0 [sflag:s8], $0x0  }
0x24: {  	s3 =	sadd.s32 $0x88, s3;
	s6 =	simm.s32 @!p1 $0x1082;
	[sflag:s4] =	ssyncset.s32 $0xFFFFF086  }
0x25: {  	[simem:s6], [sflag:s4] =	dma.local [hbm:s3], $0xF7A  }
0x26: {  	[smem:$0x3FA0] =	sst s1;
	(tag) =	ssettag s2;
	_ =	strace s9  }
0x27: {  	s1 =	sld [smem:$0x3FB0]  }
0x28: {  	s2 =	sld [smem:$0x3FB1]  }
0x29: {  	s4 =	sld [smem:$0x3FB3]  }
0x2a: {  	p0 =	seq.s32 s5, $0x0;
	s5 =	sld [smem:$0x3FB4]  }
0x2b: {  	s6 =	sld [smem:$0x3FB5]  }
0x2c: {  	s7 =	sld [smem:$0x3FB6]  }
0x2d: {  	s3 =	simm.s32 $0x108;
	s8 =	sld [smem:$0x3FB7]  }
0x2e: {  	s3 =	simm.s32 @!p0 $0x1082;
	s9 =	sld [smem:$0x3FB8]  }
0x2f: {  	lr =	sadd.s32 s0, s3;
	s0 =	sld [smem:$0x3FAF]  }
0x30: {  	s3 =	sld [smem:$0x3FB2]  }
0x31: {  	[smem:$0x3FBB] =	sst s10  }
0x32: {  	s10 =	sld [smem:$0x3FB9];
	_ =	sdelay $0x3  }
0x33: {  	p0 =	seq.s32 s10, $0x1;
	s10 =	sld [smem:$0x3FBB];
	_ =	sdelay $0x3  }
0x34: {  	[smem:$0x3FBB] =	sst s10  }
0x35: {  	s10 =	sld [smem:$0x3FBA];
	_ =	sdelay $0x3  }
0x36: {  	p1 =	seq.s32 s10, $0x1;
	s10 =	sld [smem:$0x3FBB];
	_ =	sdelay $0x3  }
0x37: {  	[smem:$0x3FBB] =	sst s10  }
0x38: {  	s10 =	sld [smem:$0x3FBC]  }
0x39: {  	_ = 	snop;
	(pc) =	sbr.ind lr, $3  }
0x3a: {  	_ = 	snop  }
0x3b: {  	_ = 	snop  }
0x3c: {  	p2 =	seq.s32 s10, $0x1;
	s10 =	sld [smem:$0x3FBB]  }
0x3d: {  	_ =	shalt  }
0x3e: {  	_ =	shalt  }
0x3f: {  	_ =	shalt  }
0x40: {  	_ =	shalt  }
0x41: {  	_ =	shalt  }
0x42: {  	_ =	shalt  }
0x43: {  	_ =	shalt  }
0x44: {  	_ =	shalt  }
0x45: {  	_ =	shalt  }
0x46: {  	_ =	shalt  }
0x47: {  	_ =	shalt  }
0x48: {  	_ =	shalt  }
0x49: {  	_ =	shalt  }
0x4a: {  	_ =	shalt  }
0x4b: {  	_ =	shalt  }
0x4c: {  	_ =	shalt  }
0x4d: {  	_ =	shalt  }
0x4e: {  	_ =	shalt  }
0x4f: {  	_ =	shalt  }
0x50: {  	_ =	shalt  }
0x51: {  	_ =	shalt  }
0x52: {  	_ =	shalt  }
0x53: {  	_ =	shalt  }
0x54: {  	_ =	shalt  }
0x55: {  	_ =	shalt  }
0x56: {  	_ =	shalt  }
0x57: {  	_ =	shalt  }
0x58: {  	_ =	shalt  }
0x59: {  	_ =	shalt  }
0x5a: {  	_ =	shalt  }
0x5b: {  	_ =	shalt  }
0x5c: {  	_ =	shalt  }
0x5d: {  	_ =	shalt  }
0x5e: {  	_ =	shalt  }
0x5f: {  	_ =	shalt  }
0x60: {  	_ =	shalt  }
0x61: {  	_ =	shalt  }
0x62: {  	_ =	shalt  }
0x63: {  	_ =	shalt  }
0x64: {  	_ =	shalt  }
0x65: {  	_ =	shalt  }
0x66: {  	_ =	shalt  }
0x67: {  	_ =	shalt  }
0x68: {  	_ =	shalt  }
0x69: {  	_ =	shalt  }
0x6a: {  	_ =	shalt  }
0x6b: {  	_ =	shalt  }
0x6c: {  	_ =	shalt  }
0x6d: {  	_ =	shalt  }
0x6e: {  	_ =	shalt  }
0x6f: {  	_ =	shalt  }
0x70: {  	_ =	shalt  }
0x71: {  	_ =	shalt  }
0x72: {  	_ =	shalt  }
0x73: {  	_ =	shalt  }
0x74: {  	_ =	shalt  }
0x75: {  	_ =	shalt  }
0x76: {  	_ =	shalt  }
0x77: {  	_ =	shalt  }
0x78: {  	_ =	shalt  }
0x79: {  	_ =	shalt  }
0x7a: {  	_ =	shalt  }
0x7b: {  	_ =	shalt  }
0x7c: {  	_ =	shalt  }
0x7d: {  	_ =	shalt  }
0x7e: {  	_ =	shalt  }
0x7f: {  	_ =	shalt  }
0x80: {  	_ =	shalt  }
0x81: {  	_ =	shalt  }
0x82: {  	_ =	shalt  }
0x83: {  	_ =	shalt  }
0x84: {  	_ =	shalt  }
0x85: {  	_ =	shalt  }
0x86: {  	_ =	shalt  }
0x87: {  	_ =	shalt  }
.Lfunc_end0:
.L_simem_size_0:
called_computation_lowered:
.L_overlay_start_0:
0x88: {  	s2 =	sld [smem:$0x3FD9]  }
0x89: {  	s3 =	sld [smem:$0x3FFE];
	_ =	sdelay $0x1  }
0x8a: {  	s1 =	srdreg.scid  }
0x8b: {  	s0 =	sand.u32 $0x1, s1  }
0x8c: {  	s17 =	sshll.u32 s0, $0xA;
	s2 =	sadd.s32 s3, s2  }
0x8d: {  	s2 =	sadd.s32 s2, s17  }
0x8e: {  	[smem:$0x3FC7] =	sst s2  }
0x8f: {  	_ = 	snop  }
0x90: {  	s2 =	sld [smem:$0x3FD0];
	(tm) =	ssettm $0x1  }
0x91: {  	s18 =	sld [smem:$0x3FFB];
	_ =	sdelay $0x3  }
0x92: {  	_ =	strace s18  }
0x93: {  	s3 =	sld [smem:$0x3FFC];
	_ =	sdelay $0x3  }
0x94: {  	_ =	strace s3  }
0x95: {  	s3 =	sld [smem:$0x3FFD];
	_ =	sdelay $0x3  }
0x96: {  	_ =	strace s3  }
0x97: {  	_ =	strace $0x8FFFFFFF  }
0x98: {  	s19 =	sld [smem:$0x3FDB];
	_ =	sdelay $0x1  }
0x99: {  	s4 =	simm.s32 $_scs_section_size  }
0x9a: {  	s5 =	simm.s32 $_size__tile_overlayer_lowered;
	s6 =	simm.s32 $_tile_overlayer_lowered  }
0x9b: {  	s22 =	simm.s32 $0x1BFF;
	s21 =	sshll.u32 s6, $0x1;
	s3 =	sadd.s32 s4, s19  }
0x9c: {  	s7 =	simm.s32 $0x0;
	s20 =	sshll.u32 s5, $0x1;
	s5 =	sadd.s32 s21, s3  }
0x9d: {  	[timem:s7], [sflag:s22] =	dma.local [hbm:s5], s20  }
0x9e: {  	_ =	swait.ge [sflag:s22], s20  }
0x9f: {  	s4 =	ssub.s32 $0x0, s20;
	[sflag:s22] =	ssyncset.done $0x0  }
0xa0: {  	[sflag:s22] =	ssyncadd.s32 s4;
	_ =	sdelay $0x1  }
0xa1: {  	s23 =	simm.s32 $0x1B8B  }
0xa2: {  	_ =	swait.ge [sflag:s23], $0x1  }
0xa3: {  	[sflag:s23] =	ssyncset.done $0x0  }
0xa4: {  	s25 =	simm.s32 $0x1B8E;
	s24 =	sld [smem:$0x3FFE];
	[sflag:s23] =	ssyncadd.s32 $0xFFFFFFFF  }
0xa5: {  	s26 =	simm.s32 $execute0_lowered;
	[smem:$0x3FD2] =	sst s25  }
0xa6: {  	s5 =	sshll.u32 s26, $0x1;
	_ =	strace $0x80000046;
	[dreg:$0x1] =	wrdreg $0xFFFFFFFF  }
0xa7: {  	s28 =	simm.s32 $_size_execute0_lowered;
	s3 =	sadd.s32 s3, s5;
	[dreg:$0x0] =	wrdreg $0x0  }
0xa8: {  	s5 =	sshll.u32 s28, $0x1;
	[dreg:$0x2] =	wrdreg s3  }
0xa9: {  	[dreg:$0x3] =	wrdreg s5  }
0xaa: {  	[dreg:$0x4] =	wrdreg $0xC0  }
0xab: {  	_ =	task [dreg:s7], $0x5FFFF  }
0xac: {  	[dreg:$0x1] =	wrdreg $0xFFFFFFFF  }
0xad: {  	[dreg:$0x0] =	wrdreg $0x60  }
0xae: {  	[dreg:$0x2] =	wrdreg s24  }
0xaf: {  	[dreg:$0x3] =	wrdreg s2  }
0xb0: {  	[dreg:$0x4] =	wrdreg $0x44000  }
0xb1: {  	[dreg:$0x5] =	wrdreg $0x9  }
0xb2: {  	_ =	task.clear_ibuf [dreg:s7], $0x6FFFF;
	_ =	strace $0x90000046  }
0xb3: {  	s29 =	simm.s32 $0x9;
	_ =	strace $0x80000048  }
0xb4: {  	_ =	swait.ge [sflag:s29], $0x1  }
0xb5: {  	[sflag:s29] =	ssyncadd.s32 $0xFFFFFFFF  }
0xb6: {  	_ =	strace $0x90000048  }
0xb7: {  	_ =	sfence  }
0xb8: {  	s30 =	sld [smem:$0x0];
	_ =	sdelay $0x2  }
0xb9: {  	s31 =	sshll.u32 s1, $0xD;
	s1 =	sshrl.u32 s1, $0x2  }
0xba: {  	s3 =	sand.u32 $0x4000, s31;
	s1 =	sadd.s32 s1, s30  }
0xbb: {  	s0 =	sor.u32 s3, s0;
	s1 =	sshll.u32 s1, $0x11  }
0xbc: {  	s0 =	sor.u32 s1, s0  }
0xbd: {  	s0 =	sadd.s32 $0x8F2B, s0  }
0xbe: {  	[sflag:s0] =	ssyncadd.remote.s32 $0x1  }
0xbf: {  	_ =	sfence.sel $0xFFFF  }
0xc0: {  	[dreg:$0x0] =	wrdreg $0xFFFFFFFF;
	(pc) =	sbr.abs _section_cstart, $3  }
0xc1: {  	[dreg:$0x1] =	wrdreg $0xFFFFFFFF  }
0xc2: {  	_ =	task.clear_ibuf [dreg:s7], $0x2FFFF;
	_ =	strace $0x9FFFFFFF  }
0xc3: {  	(tm) =	ssettm $0x7FFFFFFF  }
tec
execute0_lowered:
.L_overlay_start_1:
0x0: {  	(tag) =	ssettag $0x1  }
0x1: {  	s0 =	srdreg.scid;
	s8 =	stileid.u32  }
0x2: {  	s1 =	sand.u32 $0x1, s0;
	s5 =	smul.u32 $0x8C00, s8  }
0x3: {  	s4 =	rddreg [dreg:$0x0];
	s3 =	smul.u32 $0x8C000, s1  }
0x4: {  	s2 =	rddreg [dreg:$0x2]  }
0x5: {  	s0 =	rddreg [dreg:$0x1];
	s5 =	sadd.s32 s5, s3;
	s3 =	simm.s32 $0x0  }
0x6: {  	s24 =	simm.s32 $0x2880;
	[smem:$0x7FF] =	sst s3  }
0x7: {  	s25 =	simm.s32 $0x2900;
	_ =	strace $0x80000047;
	[dreg:$0x5] =	wrdreg s24  }
0x8: {  	s9 =	simm.s32 $0x2980;
	[dreg:$0x6] =	wrdreg s25  }
0x9: {  	s10 =	simm.s32 $0x2A00;
	[dreg:$0x7] =	wrdreg s9  }
0xa: {  	s11 =	simm.s32 $0x2A80;
	s7 =	smul.u32 $0x4E000, s8;
	[dreg:$0x8] =	wrdreg s10  }
0xb: {  	s12 =	simm.s32 $0x2B00;
	[dreg:$0x9] =	wrdreg s11  }
0xc: {  	s14 =	simm.s32 $0x2B80;
	s13 =	sshrl.u32 s7, $0x2;
	[dreg:$0xa] =	wrdreg s12  }
0xd: {  	s16 =	simm.s32 $0x2C00;
	s15 =	sadd.s32 s13, s2;
	[dreg:$0xb] =	wrdreg s14  }
0xe: {  	s18 =	sadd.s32 $0x5000, s15;
	[dreg:$0xc] =	wrdreg s16  }
0xf: {  	s17 =	simm.s32 $0x2C80;
	[smem:$0x7F3] =	sst s18  }
0x10: {  	s20 =	sadd.s32 $0x7800, s15;
	[dreg:$0xd] =	wrdreg s17  }
0x11: {  	s19 =	simm.s32 $0x2D00;
	[smem:$0x7F4] =	sst s20  }
0x12: {  	s22 =	sadd.s32 $0xA000, s15;
	[dreg:$0xe] =	wrdreg s19  }
0x13: {  	s21 =	simm.s32 $0x2D80;
	[smem:$0x7F5] =	sst s22  }
0x14: {  	s23 =	simm.s32 $0x2E00;
	[dreg:$0xf] =	wrdreg s21  }
0x15: {  	s26 =	ssub.s32 $0x2, s1;
	s7 =	simm.s32 $0x2F00;
	[dreg:$0x10] =	wrdreg s23  }
0x16: {  	s13 =	simm.s32 $0x3080;
	s5 =	sshrl.u32 s5, $0x3;
	[dreg:$0x12] =	wrdreg s7  }
0x17: {  	s6 =	sshrl.u32 s26, $0x1;
	s4 =	sadd.s32 s5, s4;
	[dreg:$0x15] =	wrdreg s13  }
0x18: {  	s5 =	ssub.s32 s26, s6;
	s6 =	sadd.s32 $0x2800, s15;
	[smem:$0x7FD] =	sst s15  }
0x19: {  	s24 =	sadd.s32 $0xC800, s15;
	[smem:$0x7F2] =	sst s6  }
0x1a: {  	s26 =	sadd.s32 $0xF000, s15;
	[smem:$0x7F6] =	sst s24  }
0x1b: {  	s28 =	simm.s32 $0x3A00;
	s25 =	simm.s32 $0x2E80;
	[smem:$0x7F7] =	sst s26  }
0x1c: {  	s29 =	simm.s32 $0x3A80;
	s9 =	sadd.s32 $0x11800, s15;
	[dreg:$0x11] =	wrdreg s25  }
0x1d: {  	s30 =	simm.s32 $0x3B00;
	s10 =	simm.s32 $0x2F80;
	[smem:$0x7F8] =	sst s9  }
0x1e: {  	s31 =	simm.s32 $0x3B80;
	s11 =	simm.s32 $0x3000;
	[dreg:$0x13] =	wrdreg s10  }
0x1f: {  	p0 =	sne.s32 s8, $0xF;
	s14 =	sadd.s32 $0x138000, s2;
	[dreg:$0x14] =	wrdreg s11  }
0x20: {  	s1 =	smul.u32 $0x138800, s1;
	s16 =	simm.s32 $0x3100;
	[smem:$0x7F9] =	sst s14  }
0x21: {  	s12 =	smul.u32 $0x13800, s8;
	s17 =	simm.s32 $0x3180;
	[dreg:$0x16] =	wrdreg s16  }
0x22: {  	s18 =	simm.s32 $0x3200;
	s19 =	simm.s32 $0x3280;
	[dreg:$0x17] =	wrdreg s17  }
0x23: {  	s20 =	simm.s32 $0x3300;
	s21 =	simm.s32 $0x3380;
	[dreg:$0x18] =	wrdreg s18  }
0x24: {  	s22 =	simm.s32 $0x3400;
	s7 =	simm.s32 $0x3E00;
	[dreg:$0x19] =	wrdreg s19  }
0x25: {  	s8 =	simm.s32 $0x3E80;
	s13 =	simm.s32 $0x4080;
	[dreg:$0x1a] =	wrdreg s20  }
0x26: {  	s4 =	sadd.s32 $0x400, s4;
	[dreg:$0x1b] =	wrdreg s21;
	s23 =	smax.u32 s5, $0x1  }
0x27: {  	[dreg:$0x1c] =	wrdreg s22;
	s24 =	simm.s32 $0x3480;
	s25 =	simm.s32 $0x3500  }
0x28: {  	s16 =	simm.s32 $0x2;
	s26 =	simm.s32 $0x3580;
	s17 =	simm.s32 $0x2800  }
0x29: {  	s18 =	simm.s32 $0x50;
	s20 =	simm.s32 $0x3680;
	s21 =	simm.s32 $0x3700  }
0x2a: {  	s22 =	simm.s32 $0x3780;
	s5 =	simm.s32 $0x3D00;
	[dreg:$0x4] =	wrdreg s4  }
0x2b: {  	s9 =	simm.s32 $0x3F00;
	s10 =	simm.s32 $0x3F80;
	[smem:$0x7FC] =	sst s23  }
0x2c: {  	s11 =	simm.s32 $0x4000;
	s14 =	simm.s32 $0x1;
	[dreg:$0x1d] =	wrdreg s24  }
0x2d: {  	s19 =	simm.s32 $0x0;
	s6 =	sadd.s32 s12, s1;
	[dreg:$0x1e] =	wrdreg s25  }
0x2e: {  	s1 =	sshrl.u32 s1, $0x3;
	[dreg:$0x1f] =	wrdreg s26;
	s23 =	simm.s32 $0x3800  }
0x2f: {  	s24 =	simm.s32 $0x3880;
	s25 =	simm.s32 $0x3900;
	s6 =	sshrl.u32 s6, $0x3  }
0x30: {  	s26 =	simm.s32 $0x3980;
	s6 =	sadd.s32 s0, s6;
	s0 =	sadd.s32 s0, s1  }
0x31: {  	s1 =	simm.s32 $0x3C00;
	[smem:$0x7FA] =	sst s6;
	s0 =	sadd.s32 $0x27000, s0  }
0x32: {  	v0 =	vimm.f32 $1.000000000e+00;
	s6 =	simm.s32 $0x3D80;
	[smem:$0x7FB] =	sst s0;
	s0 =	simm.s32 $0x3C80  }
.LBB2_1:
0x33: {  	[smem:$0x7F1] =	sst s19;
	s4 =	simm.s32 $0x0;
	s12 =	simm.s32 $0x200  }
.LBB2_2:
0x34: {  	p1 =	sne.s32 s12, $0x9E00;
	[tilespmem:s4+$0x70] =	vst v0  }
0x35: {  	[tilespmem:s4+$0x0] =	vst v0  }
0x36: {  	[tilespmem:s4+$0x10] =	vst v0  }
.Ltmp0:
0x37: {  	[tilespmem:s4+$0x20] =	vst v0;
	(pc) =	sbr.rel @p1 .LBB2_2-.Ltmp0, $4  }
0x38: {  	[tilespmem:s4+$0x30] =	vst v0  }
0x39: {  	[tilespmem:s4+$0x40] =	vst v0  }
0x3a: {  	[tilespmem:s4+$0x50] =	vst v0  }
0x3b: {  	[tilespmem:s4+$0x60] =	vst v0;
	s4 =	sshra.s32 s12, $0x2;
	s12 =	sadd.s32 $0x200, s12  }
0x3c: {  	[tilespmem:s4+$0x70] =	vst v0  }
0x3d: {  	[tilespmem:s4+$0x0] =	vst v0  }
0x3e: {  	[tilespmem:s4+$0x10] =	vst v0  }
0x3f: {  	[tilespmem:s4+$0x20] =	vst v0  }
0x40: {  	[tilespmem:s4+$0x30] =	vst v0  }
0x41: {  	[tilespmem:s4+$0x40] =	vst v0  }
0x42: {  	[tilespmem:s4+$0x50] =	vst v0  }
0x43: {  	[tilespmem:s4+$0x60] =	vst v0  }
0x44: {  	[spmem:s15] =	stream.linear.scatter [tilespmem:s3], [sflag:$0x2], $0x2800, $0x38;
	[tilespmem:$0x17C80] =	vst v63  }
0x45: {  	_ =	swait.ge [sflag:s16], $0x2800  }
0x46: {  	s19 =	sld [smem:$0x7F2]  }
0x47: {  	[sflag:s16] =	ssyncset.done $0x0  }
0x48: {  	[sflag:s16] =	ssyncadd.s32 $0xFFFFD800  }
0x49: {  	[spmem:s19] =	stream.linear.scatter [tilespmem:s3], [sflag:$0x2], $0x2800, $0x38;
	[tilespmem:$0x17C80] =	vst v63  }
0x4a: {  	_ =	swait.ge [sflag:s16], $0x2800  }
0x4b: {  	s12 =	sld [smem:$0x7F3]  }
0x4c: {  	[sflag:s16] =	ssyncset.done $0x0  }
0x4d: {  	[sflag:s16] =	ssyncadd.s32 $0xFFFFD800  }
0x4e: {  	[spmem:s12] =	stream.linear.scatter [tilespmem:s3], [sflag:$0x2], $0x2800, $0x38;
	[tilespmem:$0x17C80] =	vst v63  }
0x4f: {  	_ =	swait.ge [sflag:s16], $0x2800  }
0x50: {  	s15 =	sld [smem:$0x7F4]  }
0x51: {  	[sflag:s16] =	ssyncset.done $0x0  }
0x52: {  	[sflag:s16] =	ssyncadd.s32 $0xFFFFD800  }
0x53: {  	[spmem:s15] =	stream.linear.scatter [tilespmem:s3], [sflag:$0x2], $0x2800, $0x38;
	[tilespmem:$0x17C80] =	vst v63  }
0x54: {  	_ =	swait.ge [sflag:s16], $0x2800  }
0x55: {  	s19 =	sld [smem:$0x7F5]  }
0x56: {  	[sflag:s16] =	ssyncset.done $0x0  }
0x57: {  	[sflag:s16] =	ssyncadd.s32 $0xFFFFD800  }
0x58: {  	[spmem:s19] =	stream.linear.scatter [tilespmem:s3], [sflag:$0x2], $0x2800, $0x38;
	[tilespmem:$0x17C80] =	vst v63  }
0x59: {  	_ =	swait.ge [sflag:s16], $0x2800  }
0x5a: {  	s12 =	sld [smem:$0x7F6]  }
0x5b: {  	[sflag:s16] =	ssyncset.done $0x0  }
0x5c: {  	[sflag:s16] =	ssyncadd.s32 $0xFFFFD800  }
0x5d: {  	[spmem:s12] =	stream.linear.scatter [tilespmem:s3], [sflag:$0x2], $0x2800, $0x38;
	[tilespmem:$0x17C80] =	vst v63  }
0x5e: {  	_ =	swait.ge [sflag:s16], $0x2800  }
0x5f: {  	s15 =	sld [smem:$0x7F7]  }
0x60: {  	[sflag:s16] =	ssyncset.done $0x0  }
0x61: {  	[sflag:s16] =	ssyncadd.s32 $0xFFFFD800  }
0x62: {  	[spmem:s15] =	stream.linear.scatter [tilespmem:s3], [sflag:$0x2], $0x2800, $0x38;
	[tilespmem:$0x17C80] =	vst v63  }
0x63: {  	_ =	swait.ge [sflag:s16], $0x2800  }
0x64: {  	s19 =	sld [smem:$0x7F8]  }
0x65: {  	[sflag:s16] =	ssyncset.done $0x0  }
0x66: {  	[sflag:s16] =	ssyncadd.s32 $0xFFFFD800  }
0x67: {  	[spmem:s19] =	stream.linear.scatter [tilespmem:s3], [sflag:$0x2], $0x2000, $0x38;
	[tilespmem:$0x17C80] =	vst v63  }
0x68: {  	_ =	swait.ge [sflag:s16], $0x2000  }
0x69: {  	s12 =	sld [smem:$0x7F9]  }
0x6a: {  	[sflag:s16] =	ssyncset.done $0x0  }
0x6b: {  	s4 =	simm.s32 @!p0 $0x0;
	[sflag:s16] =	ssyncadd.s32 $0xFFFFE000  }
0x6c: {  	[spmem:s12] =	stream.linear.scatter @!p0 [tilespmem:s4], [sflag:$0x2], $0x800, $0x38;
	[tilespmem:$0x17C80] =	vst v63  }
0x6d: {  	s4 =	simm.s32 @!p0 $0x2  }
0x6e: {  	_ =	swait.ge @!p0 [sflag:s4], $0x800  }
0x6f: {  	[sflag:s4] =	ssyncset.done @!p0 $0x0  }
0x70: {  	[sflag:s4] =	ssyncadd.s32 @!p0 $0xFFFFF800  }
0x71: {  	[bflag:$0x0] =	sbarrier.arrive $0xFFFF  }
0x72: {  	s12 =	rddreg [dreg:$0x4]  }
0x73: {  	s4 =	sadd.s32 $0x0, s12  }
0x74: {  	[tilespmem:s17], [sflag:$0x2] =	stream.linear.gather [hbm4b:s4+s3], $0x1900, $0x38;
	[tilespmem:$0x17C80] =	vst v63  }
0x75: {  	_ =	swait.ge [sflag:s16], $0x1900  }
0x76: {  	[sflag:s16] =	ssyncset.done $0x0  }
0x77: {  	[sflag:s16] =	ssyncadd.s32 $0xFFFFE700  }
0x78: {  	[spmem:s2] =	stream.indirect.scatter.add.f32 [tilespmem:s3], [sflag:$0x1], $0x80, s17, s18, $0xb8;
	[tilespmem:$0x17C80] =	vst v63  }
0x79: {  	s15 =	rddreg [dreg:$0x5]  }
0x7a: {  	[spmem:s2] =	stream.indirect.scatter.add.f32 [tilespmem:s3], [sflag:$0x1], $0x80, s15, s18, $0xb8;
	[tilespmem:$0x17C80] =	vst v63  }
0x7b: {  	s19 =	rddreg [dreg:$0x6]  }
0x7c: {  	[spmem:s2] =	stream.indirect.scatter.add.f32 [tilespmem:s3], [sflag:$0x1], $0x80, s19, s18, $0xb8;
	[tilespmem:$0x17C80] =	vst v63  }
0x7d: {  	s15 =	rddreg [dreg:$0x7]  }
0x7e: {  	[spmem:s2] =	stream.indirect.scatter.add.f32 [tilespmem:s3], [sflag:$0x1], $0x80, s15, s18, $0xb8;
	[tilespmem:$0x17C80] =	vst v63  }
0x7f: {  	s19 =	rddreg [dreg:$0x8]  }
0x80: {  	[spmem:s2] =	stream.indirect.scatter.add.f32 [tilespmem:s3], [sflag:$0x1], $0x80, s19, s18, $0xb8;
	[tilespmem:$0x17C80] =	vst v63  }
0x81: {  	s15 =	rddreg [dreg:$0x9]  }
0x82: {  	[spmem:s2] =	stream.indirect.scatter.add.f32 [tilespmem:s3], [sflag:$0x1], $0x80, s15, s18, $0xb8;
	[tilespmem:$0x17C80] =	vst v63  }
0x83: {  	s19 =	rddreg [dreg:$0xa]  }
0x84: {  	[spmem:s2] =	stream.indirect.scatter.add.f32 [tilespmem:s3], [sflag:$0x1], $0x80, s19, s18, $0xb8;
	[tilespmem:$0x17C80] =	vst v63  }
0x85: {  	s15 =	rddreg [dreg:$0xb]  }
0x86: {  	[spmem:s2] =	stream.indirect.scatter.add.f32 [tilespmem:s3], [sflag:$0x1], $0x80, s15, s18, $0xb8;
	[tilespmem:$0x17C80] =	vst v63  }
0x87: {  	s19 =	rddreg [dreg:$0xc]  }
0x88: {  	[spmem:s2] =	stream.indirect.scatter.add.f32 [tilespmem:s3], [sflag:$0x1], $0x80, s19, s18, $0xb8;
	[tilespmem:$0x17C80] =	vst v63  }
0x89: {  	s15 =	rddreg [dreg:$0xd]  }
0x8a: {  	[spmem:s2] =	stream.indirect.scatter.add.f32 [tilespmem:s3], [sflag:$0x1], $0x80, s15, s18, $0xb8;
	[tilespmem:$0x17C80] =	vst v63  }
0x8b: {  	s19 =	rddreg [dreg:$0xe]  }
0x8c: {  	[spmem:s2] =	stream.indirect.scatter.add.f32 [tilespmem:s3], [sflag:$0x1], $0x80, s19, s18, $0xb8;
	[tilespmem:$0x17C80] =	vst v63  }
0x8d: {  	s15 =	rddreg [dreg:$0xf]  }
0x8e: {  	[spmem:s2] =	stream.indirect.scatter.add.f32 [tilespmem:s3], [sflag:$0x1], $0x80, s15, s18, $0xb8;
	[tilespmem:$0x17C80] =	vst v63  }
0x8f: {  	s19 =	rddreg [dreg:$0x10]  }
0x90: {  	[spmem:s2] =	stream.indirect.scatter.add.f32 [tilespmem:s3], [sflag:$0x1], $0x80, s19, s18, $0xb8;
	[tilespmem:$0x17C80] =	vst v63  }
0x91: {  	s15 =	rddreg [dreg:$0x11]  }
0x92: {  	[spmem:s2] =	stream.indirect.scatter.add.f32 [tilespmem:s3], [sflag:$0x1], $0x80, s15, s18, $0xb8;
	[tilespmem:$0x17C80] =	vst v63  }
0x93: {  	s19 =	rddreg [dreg:$0x12]  }
0x94: {  	[spmem:s2] =	stream.indirect.scatter.add.f32 [tilespmem:s3], [sflag:$0x1], $0x80, s19, s18, $0xb8;
	[tilespmem:$0x17C80] =	vst v63  }
0x95: {  	s15 =	rddreg [dreg:$0x13]  }
0x96: {  	[spmem:s2] =	stream.indirect.scatter.add.f32 [tilespmem:s3], [sflag:$0x1], $0x80, s15, s18, $0xb8;
	[tilespmem:$0x17C80] =	vst v63  }
0x97: {  	s19 =	rddreg [dreg:$0x14]  }
0x98: {  	[spmem:s2] =	stream.indirect.scatter.add.f32 [tilespmem:s3], [sflag:$0x1], $0x80, s19, s18, $0xb8;
	[tilespmem:$0x17C80] =	vst v63  }
0x99: {  	s15 =	rddreg [dreg:$0x15]  }
0x9a: {  	[spmem:s2] =	stream.indirect.scatter.add.f32 [tilespmem:s3], [sflag:$0x1], $0x80, s15, s18, $0xb8;
	[tilespmem:$0x17C80] =	vst v63  }
0x9b: {  	s19 =	rddreg [dreg:$0x16]  }
0x9c: {  	[spmem:s2] =	stream.indirect.scatter.add.f32 [tilespmem:s3], [sflag:$0x1], $0x80, s19, s18, $0xb8;
	[tilespmem:$0x17C80] =	vst v63  }
0x9d: {  	s15 =	rddreg [dreg:$0x17]  }
0x9e: {  	[spmem:s2] =	stream.indirect.scatter.add.f32 [tilespmem:s3], [sflag:$0x1], $0x80, s15, s18, $0xb8;
	[tilespmem:$0x17C80] =	vst v63  }
0x9f: {  	s19 =	rddreg [dreg:$0x18]  }
0xa0: {  	[spmem:s2] =	stream.indirect.scatter.add.f32 [tilespmem:s3], [sflag:$0x1], $0x80, s19, s18, $0xb8;
	[tilespmem:$0x17C80] =	vst v63  }
0xa1: {  	s15 =	rddreg [dreg:$0x19]  }
0xa2: {  	[spmem:s2] =	stream.indirect.scatter.add.f32 [tilespmem:s3], [sflag:$0x1], $0x80, s15, s18, $0xb8;
	[tilespmem:$0x17C80] =	vst v63  }
0xa3: {  	s19 =	rddreg [dreg:$0x1a]  }
0xa4: {  	[spmem:s2] =	stream.indirect.scatter.add.f32 [tilespmem:s3], [sflag:$0x1], $0x80, s19, s18, $0xb8;
	[tilespmem:$0x17C80] =	vst v63  }
0xa5: {  	s15 =	rddreg [dreg:$0x1b]  }
0xa6: {  	[spmem:s2] =	stream.indirect.scatter.add.f32 [tilespmem:s3], [sflag:$0x1], $0x80, s15, s18, $0xb8;
	[tilespmem:$0x17C80] =	vst v63  }
0xa7: {  	s19 =	rddreg [dreg:$0x1c]  }
0xa8: {  	[spmem:s2] =	stream.indirect.scatter.add.f32 [tilespmem:s3], [sflag:$0x1], $0x80, s19, s18, $0xb8;
	[tilespmem:$0x17C80] =	vst v63  }
0xa9: {  	s15 =	rddreg [dreg:$0x1d]  }
0xaa: {  	[spmem:s2] =	stream.indirect.scatter.add.f32 [tilespmem:s3], [sflag:$0x1], $0x80, s15, s18, $0xb8;
	[tilespmem:$0x17C80] =	vst v63  }
0xab: {  	s19 =	rddreg [dreg:$0x1e]  }
0xac: {  	[spmem:s2] =	stream.indirect.scatter.add.f32 [tilespmem:s3], [sflag:$0x1], $0x80, s19, s18, $0xb8;
	[tilespmem:$0x17C80] =	vst v63  }
0xad: {  	s15 =	rddreg [dreg:$0x1f]  }
0xae: {  	[spmem:s2] =	stream.indirect.scatter.add.f32 [tilespmem:s3], [sflag:$0x1], $0x80, s15, s18, $0xb8;
	[tilespmem:$0x17C80] =	vst v63  }
0xaf: {  	s19 =	simm.s32 $0x3600  }
0xb0: {  	[spmem:s2] =	stream.indirect.scatter.add.f32 [tilespmem:s3], [sflag:$0x1], $0x80, s19, s18, $0xb8;
	[tilespmem:$0x17C80] =	vst v63  }
0xb1: {  	_ = 	snop  }
0xb2: {  	[spmem:s2] =	stream.indirect.scatter.add.f32 [tilespmem:s3], [sflag:$0x1], $0x80, s20, s18, $0xb8;
	[tilespmem:$0x17C80] =	vst v63  }
0xb3: {  	_ = 	snop  }
0xb4: {  	[spmem:s2] =	stream.indirect.scatter.add.f32 [tilespmem:s3], [sflag:$0x1], $0x80, s21, s18, $0xb8;
	[tilespmem:$0x17C80] =	vst v63  }
0xb5: {  	_ = 	snop  }
0xb6: {  	[spmem:s2] =	stream.indirect.scatter.add.f32 [tilespmem:s3], [sflag:$0x1], $0x80, s22, s18, $0xb8;
	[tilespmem:$0x17C80] =	vst v63  }
0xb7: {  	_ = 	snop  }
0xb8: {  	[spmem:s2] =	stream.indirect.scatter.add.f32 [tilespmem:s3], [sflag:$0x1], $0x80, s23, s18, $0xb8;
	[tilespmem:$0x17C80] =	vst v63  }
0xb9: {  	_ = 	snop  }
0xba: {  	[spmem:s2] =	stream.indirect.scatter.add.f32 [tilespmem:s3], [sflag:$0x1], $0x80, s24, s18, $0xb8;
	[tilespmem:$0x17C80] =	vst v63  }
0xbb: {  	_ = 	snop  }
0xbc: {  	[spmem:s2] =	stream.indirect.scatter.add.f32 [tilespmem:s3], [sflag:$0x1], $0x80, s25, s18, $0xb8;
	[tilespmem:$0x17C80] =	vst v63  }
0xbd: {  	_ = 	snop  }
0xbe: {  	[spmem:s2] =	stream.indirect.scatter.add.f32 [tilespmem:s3], [sflag:$0x1], $0x80, s26, s18, $0xb8;
	[tilespmem:$0x17C80] =	vst v63  }
0xbf: {  	_ = 	snop  }
0xc0: {  	[spmem:s2] =	stream.indirect.scatter.add.f32 [tilespmem:s3], [sflag:$0x1], $0x80, s28, s18, $0xb8;
	[tilespmem:$0x17C80] =	vst v63  }
0xc1: {  	_ = 	snop  }
0xc2: {  	[spmem:s2] =	stream.indirect.scatter.add.f32 [tilespmem:s3], [sflag:$0x1], $0x80, s29, s18, $0xb8;
	[tilespmem:$0x17C80] =	vst v63  }
0xc3: {  	_ = 	snop  }
0xc4: {  	[spmem:s2] =	stream.indirect.scatter.add.f32 [tilespmem:s3], [sflag:$0x1], $0x80, s30, s18, $0xb8;
	[tilespmem:$0x17C80] =	vst v63  }
0xc5: {  	_ = 	snop  }
0xc6: {  	[spmem:s2] =	stream.indirect.scatter.add.f32 [tilespmem:s3], [sflag:$0x1], $0x80, s31, s18, $0xb8;
	[tilespmem:$0x17C80] =	vst v63  }
0xc7: {  	_ = 	snop  }
0xc8: {  	[spmem:s2] =	stream.indirect.scatter.add.f32 [tilespmem:s3], [sflag:$0x1], $0x80, s1, s18, $0xb8;
	[tilespmem:$0x17C80] =	vst v63  }
0xc9: {  	_ = 	snop  }
0xca: {  	[spmem:s2] =	stream.indirect.scatter.add.f32 [tilespmem:s3], [sflag:$0x1], $0x80, s0, s18, $0xb8;
	[tilespmem:$0x17C80] =	vst v63  }
0xcb: {  	_ = 	snop  }
0xcc: {  	[spmem:s2] =	stream.indirect.scatter.add.f32 [tilespmem:s3], [sflag:$0x1], $0x80, s5, s18, $0xb8;
	[tilespmem:$0x17C80] =	vst v63  }
0xcd: {  	_ = 	snop  }
0xce: {  	[spmem:s2] =	stream.indirect.scatter.add.f32 [tilespmem:s3], [sflag:$0x1], $0x80, s6, s18, $0xb8;
	[tilespmem:$0x17C80] =	vst v63  }
0xcf: {  	_ = 	snop  }
0xd0: {  	[spmem:s2] =	stream.indirect.scatter.add.f32 [tilespmem:s3], [sflag:$0x1], $0x80, s7, s18, $0xb8;
	[tilespmem:$0x17C80] =	vst v63  }
0xd1: {  	_ = 	snop  }
0xd2: {  	[spmem:s2] =	stream.indirect.scatter.add.f32 [tilespmem:s3], [sflag:$0x1], $0x80, s8, s18, $0xb8;
	[tilespmem:$0x17C80] =	vst v63  }
0xd3: {  	_ = 	snop  }
0xd4: {  	[spmem:s2] =	stream.indirect.scatter.add.f32 [tilespmem:s3], [sflag:$0x1], $0x80, s9, s18, $0xb8;
	[tilespmem:$0x17C80] =	vst v63  }
0xd5: {  	_ = 	snop  }
0xd6: {  	[spmem:s2] =	stream.indirect.scatter.add.f32 [tilespmem:s3], [sflag:$0x1], $0x80, s10, s18, $0xb8;
	[tilespmem:$0x17C80] =	vst v63  }
0xd7: {  	_ = 	snop  }
0xd8: {  	[spmem:s2] =	stream.indirect.scatter.add.f32 [tilespmem:s3], [sflag:$0x1], $0x80, s11, s18, $0xb8;
	[tilespmem:$0x17C80] =	vst v63  }
0xd9: {  	_ = 	snop  }
0xda: {  	[spmem:s2] =	stream.indirect.scatter.add.f32 [tilespmem:s3], [sflag:$0x1], $0x80, s13, s18, $0xb8;
	[tilespmem:$0x17C80] =	vst v63  }
0xdb: {  	_ =	swait.ge [sflag:s14], $0x2800  }
0xdc: {  	[sflag:s14] =	ssyncset.done $0x0  }
0xdd: {  	[sflag:s14] =	ssyncadd.s32 $0xFFFFD800  }
0xde: {  	_ =	swait.ge [sflag:s14], $0x2800  }
0xdf: {  	[sflag:s14] =	ssyncset.done $0x0  }
0xe0: {  	[sflag:s14] =	ssyncadd.s32 $0xFFFFD800  }
0xe1: {  	_ =	swait.ge [sflag:s14], $0x2800  }
0xe2: {  	[sflag:s14] =	ssyncset.done $0x0  }
0xe3: {  	[sflag:s14] =	ssyncadd.s32 $0xFFFFD800  }
0xe4: {  	_ =	swait.ge [sflag:s14], $0x2800  }
0xe5: {  	[sflag:s14] =	ssyncset.done $0x0  }
0xe6: {  	[sflag:s14] =	ssyncadd.s32 $0xFFFFD800  }
0xe7: {  	_ =	swait.ge [sflag:s14], $0x2800  }
0xe8: {  	[sflag:s14] =	ssyncset.done $0x0  }
0xe9: {  	[sflag:s14] =	ssyncadd.s32 $0xFFFFD800  }
0xea: {  	_ =	swait.ge [sflag:s14], $0x2800  }
0xeb: {  	[sflag:s14] =	ssyncset.done $0x0  }
0xec: {  	[sflag:s14] =	ssyncadd.s32 $0xFFFFD800  }
0xed: {  	_ =	swait.ge [sflag:s14], $0x2800  }
0xee: {  	[sflag:s14] =	ssyncset.done $0x0  }
0xef: {  	[sflag:s14] =	ssyncadd.s32 $0xFFFFD800  }
0xf0: {  	_ =	swait.ge [sflag:s14], $0x2800  }
0xf1: {  	[sflag:s14] =	ssyncset.done $0x0  }
0xf2: {  	[sflag:s14] =	ssyncadd.s32 $0xFFFFD800  }
0xf3: {  	_ =	swait.ge [sflag:s14], $0x2800  }
0xf4: {  	[sflag:s14] =	ssyncset.done $0x0  }
0xf5: {  	[sflag:s14] =	ssyncadd.s32 $0xFFFFD800  }
0xf6: {  	_ =	swait.ge [sflag:s14], $0x2800  }
0xf7: {  	[sflag:s14] =	ssyncset.done $0x0  }
0xf8: {  	[sflag:s14] =	ssyncadd.s32 $0xFFFFD800  }
0xf9: {  	_ =	swait.ge [sflag:s14], $0x2800  }
0xfa: {  	[sflag:s14] =	ssyncset.done $0x0  }
0xfb: {  	[sflag:s14] =	ssyncadd.s32 $0xFFFFD800  }
0xfc: {  	_ =	swait.ge [sflag:s14], $0x2800  }
0xfd: {  	[sflag:s14] =	ssyncset.done $0x0  }
0xfe: {  	[sflag:s14] =	ssyncadd.s32 $0xFFFFD800  }
0xff: {  	_ =	swait.ge [sflag:s14], $0x2800  }
0x100: {  	[sflag:s14] =	ssyncset.done $0x0  }
0x101: {  	[sflag:s14] =	ssyncadd.s32 $0xFFFFD800  }
0x102: {  	_ =	swait.ge [sflag:s14], $0x2800  }
0x103: {  	[sflag:s14] =	ssyncset.done $0x0  }
0x104: {  	[sflag:s14] =	ssyncadd.s32 $0xFFFFD800  }
0x105: {  	_ =	swait.ge [sflag:s14], $0x2800  }
0x106: {  	[sflag:s14] =	ssyncset.done $0x0  }
0x107: {  	[sflag:s14] =	ssyncadd.s32 $0xFFFFD800  }
0x108: {  	_ =	swait.ge [sflag:s14], $0x2800  }
0x109: {  	[sflag:s14] =	ssyncset.done $0x0  }
0x10a: {  	[sflag:s14] =	ssyncadd.s32 $0xFFFFD800  }
0x10b: {  	_ =	swait.ge [sflag:s14], $0x2800  }
0x10c: {  	[sflag:s14] =	ssyncset.done $0x0  }
0x10d: {  	[sflag:s14] =	ssyncadd.s32 $0xFFFFD800  }
0x10e: {  	_ =	swait.ge [sflag:s14], $0x2800  }
0x10f: {  	[sflag:s14] =	ssyncset.done $0x0  }
0x110: {  	[sflag:s14] =	ssyncadd.s32 $0xFFFFD800  }
0x111: {  	_ =	swait.ge [sflag:s14], $0x2800  }
0x112: {  	[sflag:s14] =	ssyncset.done $0x0  }
0x113: {  	[sflag:s14] =	ssyncadd.s32 $0xFFFFD800  }
0x114: {  	_ =	swait.ge [sflag:s14], $0x2800  }
0x115: {  	[sflag:s14] =	ssyncset.done $0x0  }
0x116: {  	[sflag:s14] =	ssyncadd.s32 $0xFFFFD800  }
0x117: {  	_ =	swait.ge [sflag:s14], $0x2800  }
0x118: {  	[sflag:s14] =	ssyncset.done $0x0  }
0x119: {  	[sflag:s14] =	ssyncadd.s32 $0xFFFFD800  }
0x11a: {  	_ =	swait.ge [sflag:s14], $0x2800  }
0x11b: {  	[sflag:s14] =	ssyncset.done $0x0  }
0x11c: {  	[sflag:s14] =	ssyncadd.s32 $0xFFFFD800  }
0x11d: {  	_ =	swait.ge [sflag:s14], $0x2800  }
0x11e: {  	[sflag:s14] =	ssyncset.done $0x0  }
0x11f: {  	[sflag:s14] =	ssyncadd.s32 $0xFFFFD800  }
0x120: {  	_ =	swait.ge [sflag:s14], $0x2800  }
0x121: {  	[sflag:s14] =	ssyncset.done $0x0  }
0x122: {  	[sflag:s14] =	ssyncadd.s32 $0xFFFFD800  }
0x123: {  	_ =	swait.ge [sflag:s14], $0x2800  }
0x124: {  	[sflag:s14] =	ssyncset.done $0x0  }
0x125: {  	[sflag:s14] =	ssyncadd.s32 $0xFFFFD800  }
0x126: {  	_ =	swait.ge [sflag:s14], $0x2800  }
0x127: {  	[sflag:s14] =	ssyncset.done $0x0  }
0x128: {  	[sflag:s14] =	ssyncadd.s32 $0xFFFFD800  }
0x129: {  	_ =	swait.ge [sflag:s14], $0x2800  }
0x12a: {  	[sflag:s14] =	ssyncset.done $0x0  }
0x12b: {  	[sflag:s14] =	ssyncadd.s32 $0xFFFFD800  }
0x12c: {  	_ =	swait.ge [sflag:s14], $0x2800  }
0x12d: {  	[sflag:s14] =	ssyncset.done $0x0  }
0x12e: {  	[sflag:s14] =	ssyncadd.s32 $0xFFFFD800  }
0x12f: {  	_ =	swait.ge [sflag:s14], $0x2800  }
0x130: {  	[sflag:s14] =	ssyncset.done $0x0  }
0x131: {  	[sflag:s14] =	ssyncadd.s32 $0xFFFFD800  }
0x132: {  	_ =	swait.ge [sflag:s14], $0x2800  }
0x133: {  	[sflag:s14] =	ssyncset.done $0x0  }
0x134: {  	[sflag:s14] =	ssyncadd.s32 $0xFFFFD800  }
0x135: {  	_ =	swait.ge [sflag:s14], $0x2800  }
0x136: {  	[sflag:s14] =	ssyncset.done $0x0  }
0x137: {  	[sflag:s14] =	ssyncadd.s32 $0xFFFFD800  }
0x138: {  	_ =	swait.ge [sflag:s14], $0x2800  }
0x139: {  	[sflag:s14] =	ssyncset.done $0x0  }
0x13a: {  	[sflag:s14] =	ssyncadd.s32 $0xFFFFD800  }
0x13b: {  	_ =	swait.ge [sflag:s14], $0x2800  }
0x13c: {  	[sflag:s14] =	ssyncset.done $0x0  }
0x13d: {  	[sflag:s14] =	ssyncadd.s32 $0xFFFFD800  }
0x13e: {  	_ =	swait.ge [sflag:s14], $0x2800  }
0x13f: {  	[sflag:s14] =	ssyncset.done $0x0  }
0x140: {  	[sflag:s14] =	ssyncadd.s32 $0xFFFFD800  }
0x141: {  	_ =	swait.ge [sflag:s14], $0x2800  }
0x142: {  	[sflag:s14] =	ssyncset.done $0x0  }
0x143: {  	[sflag:s14] =	ssyncadd.s32 $0xFFFFD800  }
0x144: {  	_ =	swait.ge [sflag:s14], $0x2800  }
0x145: {  	[sflag:s14] =	ssyncset.done $0x0  }
0x146: {  	[sflag:s14] =	ssyncadd.s32 $0xFFFFD800  }
0x147: {  	_ =	swait.ge [sflag:s14], $0x2800  }
0x148: {  	[sflag:s14] =	ssyncset.done $0x0  }
0x149: {  	[sflag:s14] =	ssyncadd.s32 $0xFFFFD800  }
0x14a: {  	_ =	swait.ge [sflag:s14], $0x2800  }
0x14b: {  	[sflag:s14] =	ssyncset.done $0x0  }
0x14c: {  	[sflag:s14] =	ssyncadd.s32 $0xFFFFD800  }
0x14d: {  	_ =	swait.ge [sflag:s14], $0x2800  }
0x14e: {  	[sflag:s14] =	ssyncset.done $0x0  }
0x14f: {  	[sflag:s14] =	ssyncadd.s32 $0xFFFFD800  }
0x150: {  	_ =	swait.ge [sflag:s14], $0x2800  }
0x151: {  	[sflag:s14] =	ssyncset.done $0x0  }
0x152: {  	[sflag:s14] =	ssyncadd.s32 $0xFFFFD800  }
0x153: {  	_ =	swait.ge [sflag:s14], $0x2800  }
0x154: {  	[sflag:s14] =	ssyncset.done $0x0  }
0x155: {  	[sflag:s14] =	ssyncadd.s32 $0xFFFFD800  }
0x156: {  	_ =	swait.ge [sflag:s14], $0x2800  }
0x157: {  	[sflag:s14] =	ssyncset.done $0x0  }
0x158: {  	[sflag:s14] =	ssyncadd.s32 $0xFFFFD800  }
0x159: {  	_ =	swait.ge [sflag:s14], $0x2800  }
0x15a: {  	[sflag:s14] =	ssyncset.done $0x0  }
0x15b: {  	[sflag:s14] =	ssyncadd.s32 $0xFFFFD800  }
0x15c: {  	_ =	swait.ge [sflag:s14], $0x2800  }
0x15d: {  	[sflag:s14] =	ssyncset.done $0x0  }
0x15e: {  	[sflag:s14] =	ssyncadd.s32 $0xFFFFD800  }
0x15f: {  	_ =	swait.ge [sflag:s14], $0x2800  }
0x160: {  	[sflag:s14] =	ssyncset.done $0x0  }
0x161: {  	[sflag:s14] =	ssyncadd.s32 $0xFFFFD800  }
0x162: {  	_ =	swait.ge [sflag:s14], $0x2800  }
0x163: {  	[sflag:s14] =	ssyncset.done $0x0  }
0x164: {  	[sflag:s14] =	ssyncadd.s32 $0xFFFFD800  }
0x165: {  	_ =	swait.ge [sflag:s14], $0x2800  }
0x166: {  	[sflag:s14] =	ssyncset.done $0x0  }
0x167: {  	[sflag:s14] =	ssyncadd.s32 $0xFFFFD800  }
0x168: {  	_ =	swait.ge [sflag:s14], $0x2800  }
0x169: {  	[sflag:s14] =	ssyncset.done $0x0  }
0x16a: {  	[sflag:s14] =	ssyncadd.s32 $0xFFFFD800  }
0x16b: {  	_ =	swait.ge [sflag:s14], $0x2800  }
0x16c: {  	[sflag:s14] =	ssyncset.done $0x0  }
0x16d: {  	[sflag:s14] =	ssyncadd.s32 $0xFFFFD800  }
0x16e: {  	s12 =	simm.s32 $0x380;
	_ =	swait.ge [sflag:s14], $0x2800  }
0x16f: {  	s4 =	simm.s32 $0x700;
	s15 =	rddreg [dreg:$0x4];
	[sflag:s14] =	ssyncset.done $0x0  }
.LBB2_4:
0x170: {  	[sflag:s14] =	ssyncadd.s32 $0xFFFFD800;
	s15 =	sadd.s32 s12, s15  }
0x171: {  	[tilespmem:s17], [sflag:$0x2] =	stream.linear.gather [hbm4b:s15+s3], $0x1900, $0x38;
	[tilespmem:$0x17C80] =	vst v63  }
0x172: {  	_ =	swait.ge [sflag:s16], $0x1900  }
0x173: {  	[sflag:s16] =	ssyncset.done $0x0  }
0x174: {  	[sflag:s16] =	ssyncadd.s32 $0xFFFFE700  }
0x175: {  	[spmem:s2] =	stream.indirect.scatter.add.f32 [tilespmem:s3], [sflag:$0x1], $0x80, s17, s18, $0xb8;
	[tilespmem:$0x17C80] =	vst v63  }
0x176: {  	s19 =	smov.u32 s4;
	s15 =	rddreg [dreg:$0x5]  }
0x177: {  	[spmem:s2] =	stream.indirect.scatter.add.f32 [tilespmem:s3], [sflag:$0x1], $0x80, s15, s18, $0xb8;
	[tilespmem:$0x17C80] =	vst v63  }
0x178: {  	s12 =	smov.u32 s19;
	s19 =	rddreg [dreg:$0x6]  }
0x179: {  	[spmem:s2] =	stream.indirect.scatter.add.f32 [tilespmem:s3], [sflag:$0x1], $0x80, s19, s18, $0xb8;
	[tilespmem:$0x17C80] =	vst v63  }
0x17a: {  	s15 =	rddreg [dreg:$0x7]  }
0x17b: {  	[spmem:s2] =	stream.indirect.scatter.add.f32 [tilespmem:s3], [sflag:$0x1], $0x80, s15, s18, $0xb8;
	[tilespmem:$0x17C80] =	vst v63  }
0x17c: {  	s19 =	rddreg [dreg:$0x8]  }
0x17d: {  	[spmem:s2] =	stream.indirect.scatter.add.f32 [tilespmem:s3], [sflag:$0x1], $0x80, s19, s18, $0xb8;
	[tilespmem:$0x17C80] =	vst v63  }
0x17e: {  	s15 =	rddreg [dreg:$0x9]  }
0x17f: {  	[spmem:s2] =	stream.indirect.scatter.add.f32 [tilespmem:s3], [sflag:$0x1], $0x80, s15, s18, $0xb8;
	[tilespmem:$0x17C80] =	vst v63  }
0x180: {  	s19 =	rddreg [dreg:$0xa]  }
0x181: {  	[spmem:s2] =	stream.indirect.scatter.add.f32 [tilespmem:s3], [sflag:$0x1], $0x80, s19, s18, $0xb8;
	[tilespmem:$0x17C80] =	vst v63  }
0x182: {  	s15 =	rddreg [dreg:$0xb]  }
0x183: {  	[spmem:s2] =	stream.indirect.scatter.add.f32 [tilespmem:s3], [sflag:$0x1], $0x80, s15, s18, $0xb8;
	[tilespmem:$0x17C80] =	vst v63  }
0x184: {  	s19 =	rddreg [dreg:$0xc]  }
0x185: {  	[spmem:s2] =	stream.indirect.scatter.add.f32 [tilespmem:s3], [sflag:$0x1], $0x80, s19, s18, $0xb8;
	[tilespmem:$0x17C80] =	vst v63  }
0x186: {  	s15 =	rddreg [dreg:$0xd]  }
0x187: {  	[spmem:s2] =	stream.indirect.scatter.add.f32 [tilespmem:s3], [sflag:$0x1], $0x80, s15, s18, $0xb8;
	[tilespmem:$0x17C80] =	vst v63  }
0x188: {  	s19 =	rddreg [dreg:$0xe]  }
0x189: {  	[spmem:s2] =	stream.indirect.scatter.add.f32 [tilespmem:s3], [sflag:$0x1], $0x80, s19, s18, $0xb8;
	[tilespmem:$0x17C80] =	vst v63  }
0x18a: {  	s15 =	rddreg [dreg:$0xf]  }
0x18b: {  	[spmem:s2] =	stream.indirect.scatter.add.f32 [tilespmem:s3], [sflag:$0x1], $0x80, s15, s18, $0xb8;
	[tilespmem:$0x17C80] =	vst v63  }
0x18c: {  	s19 =	rddreg [dreg:$0x10]  }
0x18d: {  	[spmem:s2] =	stream.indirect.scatter.add.f32 [tilespmem:s3], [sflag:$0x1], $0x80, s19, s18, $0xb8;
	[tilespmem:$0x17C80] =	vst v63  }
0x18e: {  	s15 =	rddreg [dreg:$0x11]  }
0x18f: {  	[spmem:s2] =	stream.indirect.scatter.add.f32 [tilespmem:s3], [sflag:$0x1], $0x80, s15, s18, $0xb8;
	[tilespmem:$0x17C80] =	vst v63  }
0x190: {  	s19 =	rddreg [dreg:$0x12]  }
0x191: {  	[spmem:s2] =	stream.indirect.scatter.add.f32 [tilespmem:s3], [sflag:$0x1], $0x80, s19, s18, $0xb8;
	[tilespmem:$0x17C80] =	vst v63  }
0x192: {  	s15 =	rddreg [dreg:$0x13]  }
0x193: {  	[spmem:s2] =	stream.indirect.scatter.add.f32 [tilespmem:s3], [sflag:$0x1], $0x80, s15, s18, $0xb8;
	[tilespmem:$0x17C80] =	vst v63  }
0x194: {  	s19 =	rddreg [dreg:$0x14]  }
0x195: {  	[spmem:s2] =	stream.indirect.scatter.add.f32 [tilespmem:s3], [sflag:$0x1], $0x80, s19, s18, $0xb8;
	[tilespmem:$0x17C80] =	vst v63  }
0x196: {  	s15 =	rddreg [dreg:$0x15]  }
0x197: {  	[spmem:s2] =	stream.indirect.scatter.add.f32 [tilespmem:s3], [sflag:$0x1], $0x80, s15, s18, $0xb8;
	[tilespmem:$0x17C80] =	vst v63  }
0x198: {  	s19 =	rddreg [dreg:$0x16]  }
0x199: {  	[spmem:s2] =	stream.indirect.scatter.add.f32 [tilespmem:s3], [sflag:$0x1], $0x80, s19, s18, $0xb8;
	[tilespmem:$0x17C80] =	vst v63  }
0x19a: {  	s15 =	rddreg [dreg:$0x17]  }
0x19b: {  	[spmem:s2] =	stream.indirect.scatter.add.f32 [tilespmem:s3], [sflag:$0x1], $0x80, s15, s18, $0xb8;
	[tilespmem:$0x17C80] =	vst v63  }
0x19c: {  	s19 =	rddreg [dreg:$0x18]  }
0x19d: {  	[spmem:s2] =	stream.indirect.scatter.add.f32 [tilespmem:s3], [sflag:$0x1], $0x80, s19, s18, $0xb8;
	[tilespmem:$0x17C80] =	vst v63  }
0x19e: {  	s15 =	rddreg [dreg:$0x19]  }
0x19f: {  	[spmem:s2] =	stream.indirect.scatter.add.f32 [tilespmem:s3], [sflag:$0x1], $0x80, s15, s18, $0xb8;
	[tilespmem:$0x17C80] =	vst v63  }
0x1a0: {  	s19 =	rddreg [dreg:$0x1a]  }
0x1a1: {  	[spmem:s2] =	stream.indirect.scatter.add.f32 [tilespmem:s3], [sflag:$0x1], $0x80, s19, s18, $0xb8;
	[tilespmem:$0x17C80] =	vst v63  }
0x1a2: {  	s15 =	rddreg [dreg:$0x1b]  }
0x1a3: {  	[spmem:s2] =	stream.indirect.scatter.add.f32 [tilespmem:s3], [sflag:$0x1], $0x80, s15, s18, $0xb8;
	[tilespmem:$0x17C80] =	vst v63  }
0x1a4: {  	s19 =	rddreg [dreg:$0x1c]  }
0x1a5: {  	[spmem:s2] =	stream.indirect.scatter.add.f32 [tilespmem:s3], [sflag:$0x1], $0x80, s19, s18, $0xb8;
	[tilespmem:$0x17C80] =	vst v63  }
0x1a6: {  	s15 =	rddreg [dreg:$0x1d]  }
0x1a7: {  	[spmem:s2] =	stream.indirect.scatter.add.f32 [tilespmem:s3], [sflag:$0x1], $0x80, s15, s18, $0xb8;
	[tilespmem:$0x17C80] =	vst v63  }
0x1a8: {  	s19 =	rddreg [dreg:$0x1e]  }
0x1a9: {  	[spmem:s2] =	stream.indirect.scatter.add.f32 [tilespmem:s3], [sflag:$0x1], $0x80, s19, s18, $0xb8;
	[tilespmem:$0x17C80] =	vst v63  }
0x1aa: {  	s15 =	rddreg [dreg:$0x1f]  }
0x1ab: {  	[spmem:s2] =	stream.indirect.scatter.add.f32 [tilespmem:s3], [sflag:$0x1], $0x80, s15, s18, $0xb8;
	[tilespmem:$0x17C80] =	vst v63  }
0x1ac: {  	s19 =	simm.s32 $0x3600  }
0x1ad: {  	[spmem:s2] =	stream.indirect.scatter.add.f32 [tilespmem:s3], [sflag:$0x1], $0x80, s19, s18, $0xb8;
	[tilespmem:$0x17C80] =	vst v63  }
0x1ae: {  	_ = 	snop  }
0x1af: {  	[spmem:s2] =	stream.indirect.scatter.add.f32 [tilespmem:s3], [sflag:$0x1], $0x80, s20, s18, $0xb8;
	[tilespmem:$0x17C80] =	vst v63  }
0x1b0: {  	_ = 	snop  }
0x1b1: {  	[spmem:s2] =	stream.indirect.scatter.add.f32 [tilespmem:s3], [sflag:$0x1], $0x80, s21, s18, $0xb8;
	[tilespmem:$0x17C80] =	vst v63  }
0x1b2: {  	_ = 	snop  }
0x1b3: {  	[spmem:s2] =	stream.indirect.scatter.add.f32 [tilespmem:s3], [sflag:$0x1], $0x80, s22, s18, $0xb8;
	[tilespmem:$0x17C80] =	vst v63  }
0x1b4: {  	_ = 	snop  }
0x1b5: {  	[spmem:s2] =	stream.indirect.scatter.add.f32 [tilespmem:s3], [sflag:$0x1], $0x80, s23, s18, $0xb8;
	[tilespmem:$0x17C80] =	vst v63  }
0x1b6: {  	_ = 	snop  }
0x1b7: {  	[spmem:s2] =	stream.indirect.scatter.add.f32 [tilespmem:s3], [sflag:$0x1], $0x80, s24, s18, $0xb8;
	[tilespmem:$0x17C80] =	vst v63  }
0x1b8: {  	_ = 	snop  }
0x1b9: {  	[spmem:s2] =	stream.indirect.scatter.add.f32 [tilespmem:s3], [sflag:$0x1], $0x80, s25, s18, $0xb8;
	[tilespmem:$0x17C80] =	vst v63  }
0x1ba: {  	_ = 	snop  }
0x1bb: {  	[spmem:s2] =	stream.indirect.scatter.add.f32 [tilespmem:s3], [sflag:$0x1], $0x80, s26, s18, $0xb8;
	[tilespmem:$0x17C80] =	vst v63  }
0x1bc: {  	_ = 	snop  }
0x1bd: {  	[spmem:s2] =	stream.indirect.scatter.add.f32 [tilespmem:s3], [sflag:$0x1], $0x80, s28, s18, $0xb8;
	[tilespmem:$0x17C80] =	vst v63  }
0x1be: {  	_ = 	snop  }
0x1bf: {  	[spmem:s2] =	stream.indirect.scatter.add.f32 [tilespmem:s3], [sflag:$0x1], $0x80, s29, s18, $0xb8;
	[tilespmem:$0x17C80] =	vst v63  }
0x1c0: {  	_ = 	snop  }
0x1c1: {  	[spmem:s2] =	stream.indirect.scatter.add.f32 [tilespmem:s3], [sflag:$0x1], $0x80, s30, s18, $0xb8;
	[tilespmem:$0x17C80] =	vst v63  }
0x1c2: {  	_ = 	snop  }
0x1c3: {  	[spmem:s2] =	stream.indirect.scatter.add.f32 [tilespmem:s3], [sflag:$0x1], $0x80, s31, s18, $0xb8;
	[tilespmem:$0x17C80] =	vst v63  }
0x1c4: {  	_ = 	snop  }
0x1c5: {  	[spmem:s2] =	stream.indirect.scatter.add.f32 [tilespmem:s3], [sflag:$0x1], $0x80, s1, s18, $0xb8;
	[tilespmem:$0x17C80] =	vst v63  }
0x1c6: {  	_ = 	snop  }
0x1c7: {  	[spmem:s2] =	stream.indirect.scatter.add.f32 [tilespmem:s3], [sflag:$0x1], $0x80, s0, s18, $0xb8;
	[tilespmem:$0x17C80] =	vst v63  }
0x1c8: {  	_ = 	snop  }
0x1c9: {  	[spmem:s2] =	stream.indirect.scatter.add.f32 [tilespmem:s3], [sflag:$0x1], $0x80, s5, s18, $0xb8;
	[tilespmem:$0x17C80] =	vst v63  }
0x1ca: {  	_ = 	snop  }
0x1cb: {  	[spmem:s2] =	stream.indirect.scatter.add.f32 [tilespmem:s3], [sflag:$0x1], $0x80, s6, s18, $0xb8;
	[tilespmem:$0x17C80] =	vst v63  }
0x1cc: {  	_ = 	snop  }
0x1cd: {  	[spmem:s2] =	stream.indirect.scatter.add.f32 [tilespmem:s3], [sflag:$0x1], $0x80, s7, s18, $0xb8;
	[tilespmem:$0x17C80] =	vst v63  }
0x1ce: {  	_ = 	snop  }
0x1cf: {  	[spmem:s2] =	stream.indirect.scatter.add.f32 [tilespmem:s3], [sflag:$0x1], $0x80, s8, s18, $0xb8;
	[tilespmem:$0x17C80] =	vst v63  }
0x1d0: {  	_ = 	snop  }
0x1d1: {  	[spmem:s2] =	stream.indirect.scatter.add.f32 [tilespmem:s3], [sflag:$0x1], $0x80, s9, s18, $0xb8;
	[tilespmem:$0x17C80] =	vst v63  }
0x1d2: {  	_ = 	snop  }
0x1d3: {  	[spmem:s2] =	stream.indirect.scatter.add.f32 [tilespmem:s3], [sflag:$0x1], $0x80, s10, s18, $0xb8;
	[tilespmem:$0x17C80] =	vst v63  }
0x1d4: {  	_ = 	snop  }
0x1d5: {  	[spmem:s2] =	stream.indirect.scatter.add.f32 [tilespmem:s3], [sflag:$0x1], $0x80, s11, s18, $0xb8;
	[tilespmem:$0x17C80] =	vst v63  }
0x1d6: {  	_ = 	snop  }
0x1d7: {  	[spmem:s2] =	stream.indirect.scatter.add.f32 [tilespmem:s3], [sflag:$0x1], $0x80, s13, s18, $0xb8;
	[tilespmem:$0x17C80] =	vst v63  }
0x1d8: {  	_ =	swait.ge [sflag:s14], $0x2800  }
0x1d9: {  	[sflag:s14] =	ssyncset.done $0x0  }
0x1da: {  	[sflag:s14] =	ssyncadd.s32 $0xFFFFD800  }
0x1db: {  	_ =	swait.ge [sflag:s14], $0x2800  }
0x1dc: {  	[sflag:s14] =	ssyncset.done $0x0  }
0x1dd: {  	[sflag:s14] =	ssyncadd.s32 $0xFFFFD800  }
0x1de: {  	_ =	swait.ge [sflag:s14], $0x2800  }
0x1df: {  	[sflag:s14] =	ssyncset.done $0x0  }
0x1e0: {  	[sflag:s14] =	ssyncadd.s32 $0xFFFFD800  }
0x1e1: {  	_ =	swait.ge [sflag:s14], $0x2800  }
0x1e2: {  	[sflag:s14] =	ssyncset.done $0x0  }
0x1e3: {  	[sflag:s14] =	ssyncadd.s32 $0xFFFFD800  }
0x1e4: {  	_ =	swait.ge [sflag:s14], $0x2800  }
0x1e5: {  	[sflag:s14] =	ssyncset.done $0x0  }
0x1e6: {  	[sflag:s14] =	ssyncadd.s32 $0xFFFFD800  }
0x1e7: {  	_ =	swait.ge [sflag:s14], $0x2800  }
0x1e8: {  	[sflag:s14] =	ssyncset.done $0x0  }
0x1e9: {  	[sflag:s14] =	ssyncadd.s32 $0xFFFFD800  }
0x1ea: {  	_ =	swait.ge [sflag:s14], $0x2800  }
0x1eb: {  	[sflag:s14] =	ssyncset.done $0x0  }
0x1ec: {  	[sflag:s14] =	ssyncadd.s32 $0xFFFFD800  }
0x1ed: {  	_ =	swait.ge [sflag:s14], $0x2800  }
0x1ee: {  	[sflag:s14] =	ssyncset.done $0x0  }
0x1ef: {  	[sflag:s14] =	ssyncadd.s32 $0xFFFFD800  }
0x1f0: {  	_ =	swait.ge [sflag:s14], $0x2800  }
0x1f1: {  	[sflag:s14] =	ssyncset.done $0x0  }
0x1f2: {  	[sflag:s14] =	ssyncadd.s32 $0xFFFFD800  }
0x1f3: {  	_ =	swait.ge [sflag:s14], $0x2800  }
0x1f4: {  	[sflag:s14] =	ssyncset.done $0x0  }
0x1f5: {  	[sflag:s14] =	ssyncadd.s32 $0xFFFFD800  }
0x1f6: {  	_ =	swait.ge [sflag:s14], $0x2800  }
0x1f7: {  	[sflag:s14] =	ssyncset.done $0x0  }
0x1f8: {  	[sflag:s14] =	ssyncadd.s32 $0xFFFFD800  }
0x1f9: {  	_ =	swait.ge [sflag:s14], $0x2800  }
0x1fa: {  	[sflag:s14] =	ssyncset.done $0x0  }
0x1fb: {  	[sflag:s14] =	ssyncadd.s32 $0xFFFFD800  }
0x1fc: {  	_ =	swait.ge [sflag:s14], $0x2800  }
0x1fd: {  	[sflag:s14] =	ssyncset.done $0x0  }
0x1fe: {  	[sflag:s14] =	ssyncadd.s32 $0xFFFFD800  }
0x1ff: {  	_ =	swait.ge [sflag:s14], $0x2800  }
0x200: {  	[sflag:s14] =	ssyncset.done $0x0  }
0x201: {  	[sflag:s14] =	ssyncadd.s32 $0xFFFFD800  }
0x202: {  	_ =	swait.ge [sflag:s14], $0x2800  }
0x203: {  	[sflag:s14] =	ssyncset.done $0x0  }
0x204: {  	[sflag:s14] =	ssyncadd.s32 $0xFFFFD800  }
0x205: {  	_ =	swait.ge [sflag:s14], $0x2800  }
0x206: {  	[sflag:s14] =	ssyncset.done $0x0  }
0x207: {  	[sflag:s14] =	ssyncadd.s32 $0xFFFFD800  }
0x208: {  	_ =	swait.ge [sflag:s14], $0x2800  }
0x209: {  	[sflag:s14] =	ssyncset.done $0x0  }
0x20a: {  	[sflag:s14] =	ssyncadd.s32 $0xFFFFD800  }
0x20b: {  	_ =	swait.ge [sflag:s14], $0x2800  }
0x20c: {  	[sflag:s14] =	ssyncset.done $0x0  }
0x20d: {  	[sflag:s14] =	ssyncadd.s32 $0xFFFFD800  }
0x20e: {  	_ =	swait.ge [sflag:s14], $0x2800  }
0x20f: {  	[sflag:s14] =	ssyncset.done $0x0  }
0x210: {  	[sflag:s14] =	ssyncadd.s32 $0xFFFFD800  }
0x211: {  	_ =	swait.ge [sflag:s14], $0x2800  }
0x212: {  	[sflag:s14] =	ssyncset.done $0x0  }
0x213: {  	[sflag:s14] =	ssyncadd.s32 $0xFFFFD800  }
0x214: {  	_ =	swait.ge [sflag:s14], $0x2800  }
0x215: {  	[sflag:s14] =	ssyncset.done $0x0  }
0x216: {  	[sflag:s14] =	ssyncadd.s32 $0xFFFFD800  }
0x217: {  	_ =	swait.ge [sflag:s14], $0x2800  }
0x218: {  	[sflag:s14] =	ssyncset.done $0x0  }
0x219: {  	[sflag:s14] =	ssyncadd.s32 $0xFFFFD800  }
0x21a: {  	_ =	swait.ge [sflag:s14], $0x2800  }
0x21b: {  	[sflag:s14] =	ssyncset.done $0x0  }
0x21c: {  	[sflag:s14] =	ssyncadd.s32 $0xFFFFD800  }
0x21d: {  	_ =	swait.ge [sflag:s14], $0x2800  }
0x21e: {  	[sflag:s14] =	ssyncset.done $0x0  }
0x21f: {  	[sflag:s14] =	ssyncadd.s32 $0xFFFFD800  }
0x220: {  	_ =	swait.ge [sflag:s14], $0x2800  }
0x221: {  	[sflag:s14] =	ssyncset.done $0x0  }
0x222: {  	[sflag:s14] =	ssyncadd.s32 $0xFFFFD800  }
0x223: {  	_ =	swait.ge [sflag:s14], $0x2800  }
0x224: {  	[sflag:s14] =	ssyncset.done $0x0  }
0x225: {  	[sflag:s14] =	ssyncadd.s32 $0xFFFFD800  }
0x226: {  	_ =	swait.ge [sflag:s14], $0x2800  }
0x227: {  	[sflag:s14] =	ssyncset.done $0x0  }
0x228: {  	[sflag:s14] =	ssyncadd.s32 $0xFFFFD800  }
0x229: {  	_ =	swait.ge [sflag:s14], $0x2800  }
0x22a: {  	[sflag:s14] =	ssyncset.done $0x0  }
0x22b: {  	[sflag:s14] =	ssyncadd.s32 $0xFFFFD800  }
0x22c: {  	_ =	swait.ge [sflag:s14], $0x2800  }
0x22d: {  	[sflag:s14] =	ssyncset.done $0x0  }
0x22e: {  	[sflag:s14] =	ssyncadd.s32 $0xFFFFD800  }
0x22f: {  	_ =	swait.ge [sflag:s14], $0x2800  }
0x230: {  	[sflag:s14] =	ssyncset.done $0x0  }
0x231: {  	[sflag:s14] =	ssyncadd.s32 $0xFFFFD800  }
0x232: {  	_ =	swait.ge [sflag:s14], $0x2800  }
0x233: {  	[sflag:s14] =	ssyncset.done $0x0  }
0x234: {  	[sflag:s14] =	ssyncadd.s32 $0xFFFFD800  }
0x235: {  	_ =	swait.ge [sflag:s14], $0x2800  }
0x236: {  	[sflag:s14] =	ssyncset.done $0x0  }
0x237: {  	[sflag:s14] =	ssyncadd.s32 $0xFFFFD800  }
0x238: {  	_ =	swait.ge [sflag:s14], $0x2800  }
0x239: {  	[sflag:s14] =	ssyncset.done $0x0  }
0x23a: {  	[sflag:s14] =	ssyncadd.s32 $0xFFFFD800  }
0x23b: {  	_ =	swait.ge [sflag:s14], $0x2800  }
0x23c: {  	[sflag:s14] =	ssyncset.done $0x0  }
0x23d: {  	[sflag:s14] =	ssyncadd.s32 $0xFFFFD800  }
0x23e: {  	_ =	swait.ge [sflag:s14], $0x2800  }
0x23f: {  	[sflag:s14] =	ssyncset.done $0x0  }
0x240: {  	[sflag:s14] =	ssyncadd.s32 $0xFFFFD800  }
0x241: {  	_ =	swait.ge [sflag:s14], $0x2800  }
0x242: {  	[sflag:s14] =	ssyncset.done $0x0  }
0x243: {  	[sflag:s14] =	ssyncadd.s32 $0xFFFFD800  }
0x244: {  	_ =	swait.ge [sflag:s14], $0x2800  }
0x245: {  	[sflag:s14] =	ssyncset.done $0x0  }
0x246: {  	[sflag:s14] =	ssyncadd.s32 $0xFFFFD800  }
0x247: {  	_ =	swait.ge [sflag:s14], $0x2800  }
0x248: {  	[sflag:s14] =	ssyncset.done $0x0  }
0x249: {  	[sflag:s14] =	ssyncadd.s32 $0xFFFFD800  }
0x24a: {  	_ =	swait.ge [sflag:s14], $0x2800  }
0x24b: {  	[sflag:s14] =	ssyncset.done $0x0  }
0x24c: {  	[sflag:s14] =	ssyncadd.s32 $0xFFFFD800  }
0x24d: {  	_ =	swait.ge [sflag:s14], $0x2800  }
0x24e: {  	[sflag:s14] =	ssyncset.done $0x0  }
0x24f: {  	[sflag:s14] =	ssyncadd.s32 $0xFFFFD800  }
0x250: {  	_ =	swait.ge [sflag:s14], $0x2800  }
0x251: {  	[sflag:s14] =	ssyncset.done $0x0  }
0x252: {  	[sflag:s14] =	ssyncadd.s32 $0xFFFFD800  }
0x253: {  	_ =	swait.ge [sflag:s14], $0x2800  }
0x254: {  	[sflag:s14] =	ssyncset.done $0x0  }
0x255: {  	[sflag:s14] =	ssyncadd.s32 $0xFFFFD800  }
0x256: {  	_ =	swait.ge [sflag:s14], $0x2800  }
0x257: {  	[sflag:s14] =	ssyncset.done $0x0  }
0x258: {  	[sflag:s14] =	ssyncadd.s32 $0xFFFFD800  }
0x259: {  	_ =	swait.ge [sflag:s14], $0x2800  }
0x25a: {  	[sflag:s14] =	ssyncset.done $0x0  }
0x25b: {  	[sflag:s14] =	ssyncadd.s32 $0xFFFFD800  }
0x25c: {  	_ =	swait.ge [sflag:s14], $0x2800  }
0x25d: {  	[sflag:s14] =	ssyncset.done $0x0  }
0x25e: {  	[sflag:s14] =	ssyncadd.s32 $0xFFFFD800  }
0x25f: {  	_ =	swait.ge [sflag:s14], $0x2800  }
0x260: {  	[sflag:s14] =	ssyncset.done $0x0  }
0x261: {  	[sflag:s14] =	ssyncadd.s32 $0xFFFFD800  }
0x262: {  	_ =	swait.ge [sflag:s14], $0x2800  }
0x263: {  	[sflag:s14] =	ssyncset.done $0x0  }
0x264: {  	[sflag:s14] =	ssyncadd.s32 $0xFFFFD800  }
0x265: {  	_ =	swait.ge [sflag:s14], $0x2800  }
0x266: {  	[sflag:s14] =	ssyncset.done $0x0  }
0x267: {  	p1 =	sne.s32 s4, $0xE00;
	[sflag:s14] =	ssyncadd.s32 $0xFFFFD800  }
.Ltmp1:
0x268: {  	_ =	swait.ge [sflag:s14], $0x2800;
	(pc) =	sbr.rel @p1 .LBB2_4-.Ltmp1, $4  }
0x269: {  	[sflag:s14] =	ssyncset.done $0x0  }
0x26a: {  	[sflag:s14] =	ssyncadd.s32 $0xFFFFD800  }
0x26b: {  	_ =	swait.ge [sflag:s14], $0x2800  }
0x26c: {  	s4 =	sadd.s32 $0x380, s4;
	s15 =	rddreg [dreg:$0x4];
	[sflag:s14] =	ssyncset.done $0x0  }
0x26d: {  	[sflag:s14] =	ssyncadd.s32 $0xFFFFD800;
	s4 =	sadd.s32 s12, s15  }
0x26e: {  	[tilespmem:s17], [sflag:$0x2] =	stream.linear.gather [hbm4b:s4+s3], $0x1900, $0x38;
	[tilespmem:$0x17C80] =	vst v63  }
0x26f: {  	_ =	swait.ge [sflag:s16], $0x1900  }
0x270: {  	[sflag:s16] =	ssyncset.done $0x0  }
0x271: {  	[sflag:s16] =	ssyncadd.s32 $0xFFFFE700  }
0x272: {  	[spmem:s2] =	stream.indirect.scatter.add.f32 [tilespmem:s3], [sflag:$0x1], $0x80, s17, s18, $0xb8;
	[tilespmem:$0x17C80] =	vst v63  }
0x273: {  	s15 =	rddreg [dreg:$0x5]  }
0x274: {  	[spmem:s2] =	stream.indirect.scatter.add.f32 [tilespmem:s3], [sflag:$0x1], $0x80, s15, s18, $0xb8;
	[tilespmem:$0x17C80] =	vst v63  }
0x275: {  	s12 =	rddreg [dreg:$0x6]  }
0x276: {  	[spmem:s2] =	stream.indirect.scatter.add.f32 [tilespmem:s3], [sflag:$0x1], $0x80, s12, s18, $0xb8;
	[tilespmem:$0x17C80] =	vst v63  }
0x277: {  	s15 =	rddreg [dreg:$0x7]  }
0x278: {  	[spmem:s2] =	stream.indirect.scatter.add.f32 [tilespmem:s3], [sflag:$0x1], $0x80, s15, s18, $0xb8;
	[tilespmem:$0x17C80] =	vst v63  }
0x279: {  	s12 =	rddreg [dreg:$0x8]  }
0x27a: {  	[spmem:s2] =	stream.indirect.scatter.add.f32 [tilespmem:s3], [sflag:$0x1], $0x80, s12, s18, $0xb8;
	[tilespmem:$0x17C80] =	vst v63  }
0x27b: {  	s15 =	rddreg [dreg:$0x9]  }
0x27c: {  	[spmem:s2] =	stream.indirect.scatter.add.f32 [tilespmem:s3], [sflag:$0x1], $0x80, s15, s18, $0xb8;
	[tilespmem:$0x17C80] =	vst v63  }
0x27d: {  	s12 =	rddreg [dreg:$0xa]  }
0x27e: {  	[spmem:s2] =	stream.indirect.scatter.add.f32 [tilespmem:s3], [sflag:$0x1], $0x80, s12, s18, $0xb8;
	[tilespmem:$0x17C80] =	vst v63  }
0x27f: {  	s15 =	rddreg [dreg:$0xb]  }
0x280: {  	[spmem:s2] =	stream.indirect.scatter.add.f32 [tilespmem:s3], [sflag:$0x1], $0x80, s15, s18, $0xb8;
	[tilespmem:$0x17C80] =	vst v63  }
0x281: {  	s12 =	rddreg [dreg:$0xc]  }
0x282: {  	[spmem:s2] =	stream.indirect.scatter.add.f32 [tilespmem:s3], [sflag:$0x1], $0x80, s12, s18, $0xb8;
	[tilespmem:$0x17C80] =	vst v63  }
0x283: {  	s15 =	rddreg [dreg:$0xd]  }
0x284: {  	[spmem:s2] =	stream.indirect.scatter.add.f32 [tilespmem:s3], [sflag:$0x1], $0x80, s15, s18, $0xb8;
	[tilespmem:$0x17C80] =	vst v63  }
0x285: {  	s12 =	rddreg [dreg:$0xe]  }
0x286: {  	[spmem:s2] =	stream.indirect.scatter.add.f32 [tilespmem:s3], [sflag:$0x1], $0x80, s12, s18, $0xb8;
	[tilespmem:$0x17C80] =	vst v63  }
0x287: {  	s15 =	rddreg [dreg:$0xf]  }
0x288: {  	[spmem:s2] =	stream.indirect.scatter.add.f32 [tilespmem:s3], [sflag:$0x1], $0x80, s15, s18, $0xb8;
	[tilespmem:$0x17C80] =	vst v63  }
0x289: {  	s12 =	rddreg [dreg:$0x10]  }
0x28a: {  	[spmem:s2] =	stream.indirect.scatter.add.f32 [tilespmem:s3], [sflag:$0x1], $0x80, s12, s18, $0xb8;
	[tilespmem:$0x17C80] =	vst v63  }
0x28b: {  	s15 =	rddreg [dreg:$0x11]  }
0x28c: {  	[spmem:s2] =	stream.indirect.scatter.add.f32 [tilespmem:s3], [sflag:$0x1], $0x80, s15, s18, $0xb8;
	[tilespmem:$0x17C80] =	vst v63  }
0x28d: {  	s12 =	rddreg [dreg:$0x12]  }
0x28e: {  	[spmem:s2] =	stream.indirect.scatter.add.f32 [tilespmem:s3], [sflag:$0x1], $0x80, s12, s18, $0xb8;
	[tilespmem:$0x17C80] =	vst v63  }
0x28f: {  	s15 =	rddreg [dreg:$0x13]  }
0x290: {  	[spmem:s2] =	stream.indirect.scatter.add.f32 [tilespmem:s3], [sflag:$0x1], $0x80, s15, s18, $0xb8;
	[tilespmem:$0x17C80] =	vst v63  }
0x291: {  	s12 =	rddreg [dreg:$0x14]  }
0x292: {  	[spmem:s2] =	stream.indirect.scatter.add.f32 [tilespmem:s3], [sflag:$0x1], $0x80, s12, s18, $0xb8;
	[tilespmem:$0x17C80] =	vst v63  }
0x293: {  	s15 =	rddreg [dreg:$0x15]  }
0x294: {  	[spmem:s2] =	stream.indirect.scatter.add.f32 [tilespmem:s3], [sflag:$0x1], $0x80, s15, s18, $0xb8;
	[tilespmem:$0x17C80] =	vst v63  }
0x295: {  	s12 =	rddreg [dreg:$0x16]  }
0x296: {  	[spmem:s2] =	stream.indirect.scatter.add.f32 [tilespmem:s3], [sflag:$0x1], $0x80, s12, s18, $0xb8;
	[tilespmem:$0x17C80] =	vst v63  }
0x297: {  	s15 =	rddreg [dreg:$0x17]  }
0x298: {  	[spmem:s2] =	stream.indirect.scatter.add.f32 [tilespmem:s3], [sflag:$0x1], $0x80, s15, s18, $0xb8;
	[tilespmem:$0x17C80] =	vst v63  }
0x299: {  	s12 =	rddreg [dreg:$0x18]  }
0x29a: {  	[spmem:s2] =	stream.indirect.scatter.add.f32 [tilespmem:s3], [sflag:$0x1], $0x80, s12, s18, $0xb8;
	[tilespmem:$0x17C80] =	vst v63  }
0x29b: {  	s15 =	rddreg [dreg:$0x19]  }
0x29c: {  	[spmem:s2] =	stream.indirect.scatter.add.f32 [tilespmem:s3], [sflag:$0x1], $0x80, s15, s18, $0xb8;
	[tilespmem:$0x17C80] =	vst v63  }
0x29d: {  	s12 =	rddreg [dreg:$0x1a]  }
0x29e: {  	[spmem:s2] =	stream.indirect.scatter.add.f32 [tilespmem:s3], [sflag:$0x1], $0x80, s12, s18, $0xb8;
	[tilespmem:$0x17C80] =	vst v63  }
0x29f: {  	s15 =	rddreg [dreg:$0x1b]  }
0x2a0: {  	[spmem:s2] =	stream.indirect.scatter.add.f32 [tilespmem:s3], [sflag:$0x1], $0x80, s15, s18, $0xb8;
	[tilespmem:$0x17C80] =	vst v63  }
0x2a1: {  	s12 =	rddreg [dreg:$0x1c]  }
0x2a2: {  	[spmem:s2] =	stream.indirect.scatter.add.f32 [tilespmem:s3], [sflag:$0x1], $0x80, s12, s18, $0xb8;
	[tilespmem:$0x17C80] =	vst v63  }
0x2a3: {  	s15 =	rddreg [dreg:$0x1d]  }
0x2a4: {  	[spmem:s2] =	stream.indirect.scatter.add.f32 [tilespmem:s3], [sflag:$0x1], $0x80, s15, s18, $0xb8;
	[tilespmem:$0x17C80] =	vst v63  }
0x2a5: {  	s12 =	rddreg [dreg:$0x1e]  }
0x2a6: {  	[spmem:s2] =	stream.indirect.scatter.add.f32 [tilespmem:s3], [sflag:$0x1], $0x80, s12, s18, $0xb8;
	[tilespmem:$0x17C80] =	vst v63  }
0x2a7: {  	s15 =	rddreg [dreg:$0x1f]  }
0x2a8: {  	[spmem:s2] =	stream.indirect.scatter.add.f32 [tilespmem:s3], [sflag:$0x1], $0x80, s15, s18, $0xb8;
	[tilespmem:$0x17C80] =	vst v63  }
0x2a9: {  	_ = 	snop  }
0x2aa: {  	[spmem:s2] =	stream.indirect.scatter.add.f32 [tilespmem:s3], [sflag:$0x1], $0x80, s19, s18, $0xb8;
	[tilespmem:$0x17C80] =	vst v63  }
0x2ab: {  	_ = 	snop  }
0x2ac: {  	[spmem:s2] =	stream.indirect.scatter.add.f32 [tilespmem:s3], [sflag:$0x1], $0x80, s20, s18, $0xb8;
	[tilespmem:$0x17C80] =	vst v63  }
0x2ad: {  	_ = 	snop  }
0x2ae: {  	[spmem:s2] =	stream.indirect.scatter.add.f32 [tilespmem:s3], [sflag:$0x1], $0x80, s21, s18, $0xb8;
	[tilespmem:$0x17C80] =	vst v63  }
0x2af: {  	_ = 	snop  }
0x2b0: {  	[spmem:s2] =	stream.indirect.scatter.add.f32 [tilespmem:s3], [sflag:$0x1], $0x80, s22, s18, $0xb8;
	[tilespmem:$0x17C80] =	vst v63  }
0x2b1: {  	_ = 	snop  }
0x2b2: {  	[spmem:s2] =	stream.indirect.scatter.add.f32 [tilespmem:s3], [sflag:$0x1], $0x80, s23, s18, $0xb8;
	[tilespmem:$0x17C80] =	vst v63  }
0x2b3: {  	_ = 	snop  }
0x2b4: {  	[spmem:s2] =	stream.indirect.scatter.add.f32 [tilespmem:s3], [sflag:$0x1], $0x80, s24, s18, $0xb8;
	[tilespmem:$0x17C80] =	vst v63  }
0x2b5: {  	_ = 	snop  }
0x2b6: {  	[spmem:s2] =	stream.indirect.scatter.add.f32 [tilespmem:s3], [sflag:$0x1], $0x80, s25, s18, $0xb8;
	[tilespmem:$0x17C80] =	vst v63  }
0x2b7: {  	_ = 	snop  }
0x2b8: {  	[spmem:s2] =	stream.indirect.scatter.add.f32 [tilespmem:s3], [sflag:$0x1], $0x80, s26, s18, $0xb8;
	[tilespmem:$0x17C80] =	vst v63  }
0x2b9: {  	_ = 	snop  }
0x2ba: {  	[spmem:s2] =	stream.indirect.scatter.add.f32 [tilespmem:s3], [sflag:$0x1], $0x80, s28, s18, $0xb8;
	[tilespmem:$0x17C80] =	vst v63  }
0x2bb: {  	_ = 	snop  }
0x2bc: {  	[spmem:s2] =	stream.indirect.scatter.add.f32 [tilespmem:s3], [sflag:$0x1], $0x80, s29, s18, $0xb8;
	[tilespmem:$0x17C80] =	vst v63  }
0x2bd: {  	_ = 	snop  }
0x2be: {  	[spmem:s2] =	stream.indirect.scatter.add.f32 [tilespmem:s3], [sflag:$0x1], $0x80, s30, s18, $0xb8;
	[tilespmem:$0x17C80] =	vst v63  }
0x2bf: {  	_ = 	snop  }
0x2c0: {  	[spmem:s2] =	stream.indirect.scatter.add.f32 [tilespmem:s3], [sflag:$0x1], $0x80, s31, s18, $0xb8;
	[tilespmem:$0x17C80] =	vst v63  }
0x2c1: {  	_ = 	snop  }
0x2c2: {  	[spmem:s2] =	stream.indirect.scatter.add.f32 [tilespmem:s3], [sflag:$0x1], $0x80, s1, s18, $0xb8;
	[tilespmem:$0x17C80] =	vst v63  }
0x2c3: {  	_ = 	snop  }
0x2c4: {  	[spmem:s2] =	stream.indirect.scatter.add.f32 [tilespmem:s3], [sflag:$0x1], $0x80, s0, s18, $0xb8;
	[tilespmem:$0x17C80] =	vst v63  }
0x2c5: {  	_ = 	snop  }
0x2c6: {  	[spmem:s2] =	stream.indirect.scatter.add.f32 [tilespmem:s3], [sflag:$0x1], $0x80, s5, s18, $0xb8;
	[tilespmem:$0x17C80] =	vst v63  }
0x2c7: {  	_ = 	snop  }
0x2c8: {  	[spmem:s2] =	stream.indirect.scatter.add.f32 [tilespmem:s3], [sflag:$0x1], $0x80, s6, s18, $0xb8;
	[tilespmem:$0x17C80] =	vst v63  }
0x2c9: {  	_ = 	snop  }
0x2ca: {  	[spmem:s2] =	stream.indirect.scatter.add.f32 [tilespmem:s3], [sflag:$0x1], $0x80, s7, s18, $0xb8;
	[tilespmem:$0x17C80] =	vst v63  }
0x2cb: {  	_ = 	snop  }
0x2cc: {  	[spmem:s2] =	stream.indirect.scatter.add.f32 [tilespmem:s3], [sflag:$0x1], $0x80, s8, s18, $0xb8;
	[tilespmem:$0x17C80] =	vst v63  }
0x2cd: {  	_ = 	snop  }
0x2ce: {  	[spmem:s2] =	stream.indirect.scatter.add.f32 [tilespmem:s3], [sflag:$0x1], $0x80, s9, s18, $0xb8;
	[tilespmem:$0x17C80] =	vst v63  }
0x2cf: {  	_ = 	snop  }
0x2d0: {  	[spmem:s2] =	stream.indirect.scatter.add.f32 [tilespmem:s3], [sflag:$0x1], $0x80, s10, s18, $0xb8;
	[tilespmem:$0x17C80] =	vst v63  }
0x2d1: {  	_ = 	snop  }
0x2d2: {  	[spmem:s2] =	stream.indirect.scatter.add.f32 [tilespmem:s3], [sflag:$0x1], $0x80, s11, s18, $0xb8;
	[tilespmem:$0x17C80] =	vst v63  }
0x2d3: {  	_ = 	snop  }
0x2d4: {  	[spmem:s2] =	stream.indirect.scatter.add.f32 [tilespmem:s3], [sflag:$0x1], $0x80, s13, s18, $0xb8;
	[tilespmem:$0x17C80] =	vst v63  }
0x2d5: {  	_ =	swait.ge [sflag:s14], $0x2800  }
0x2d6: {  	[sflag:s14] =	ssyncset.done $0x0  }
0x2d7: {  	[sflag:s14] =	ssyncadd.s32 $0xFFFFD800  }
0x2d8: {  	_ =	swait.ge [sflag:s14], $0x2800  }
0x2d9: {  	[sflag:s14] =	ssyncset.done $0x0  }
0x2da: {  	[sflag:s14] =	ssyncadd.s32 $0xFFFFD800  }
0x2db: {  	_ =	swait.ge [sflag:s14], $0x2800  }
0x2dc: {  	[sflag:s14] =	ssyncset.done $0x0  }
0x2dd: {  	[sflag:s14] =	ssyncadd.s32 $0xFFFFD800  }
0x2de: {  	_ =	swait.ge [sflag:s14], $0x2800  }
0x2df: {  	[sflag:s14] =	ssyncset.done $0x0  }
0x2e0: {  	[sflag:s14] =	ssyncadd.s32 $0xFFFFD800  }
0x2e1: {  	_ =	swait.ge [sflag:s14], $0x2800  }
0x2e2: {  	[sflag:s14] =	ssyncset.done $0x0  }
0x2e3: {  	[sflag:s14] =	ssyncadd.s32 $0xFFFFD800  }
0x2e4: {  	_ =	swait.ge [sflag:s14], $0x2800  }
0x2e5: {  	[sflag:s14] =	ssyncset.done $0x0  }
0x2e6: {  	[sflag:s14] =	ssyncadd.s32 $0xFFFFD800  }
0x2e7: {  	_ =	swait.ge [sflag:s14], $0x2800  }
0x2e8: {  	[sflag:s14] =	ssyncset.done $0x0  }
0x2e9: {  	[sflag:s14] =	ssyncadd.s32 $0xFFFFD800  }
0x2ea: {  	_ =	swait.ge [sflag:s14], $0x2800  }
0x2eb: {  	[sflag:s14] =	ssyncset.done $0x0  }
0x2ec: {  	[sflag:s14] =	ssyncadd.s32 $0xFFFFD800  }
0x2ed: {  	_ =	swait.ge [sflag:s14], $0x2800  }
0x2ee: {  	[sflag:s14] =	ssyncset.done $0x0  }
0x2ef: {  	[sflag:s14] =	ssyncadd.s32 $0xFFFFD800  }
0x2f0: {  	_ =	swait.ge [sflag:s14], $0x2800  }
0x2f1: {  	[sflag:s14] =	ssyncset.done $0x0  }
0x2f2: {  	[sflag:s14] =	ssyncadd.s32 $0xFFFFD800  }
0x2f3: {  	_ =	swait.ge [sflag:s14], $0x2800  }
0x2f4: {  	[sflag:s14] =	ssyncset.done $0x0  }
0x2f5: {  	[sflag:s14] =	ssyncadd.s32 $0xFFFFD800  }
0x2f6: {  	_ =	swait.ge [sflag:s14], $0x2800  }
0x2f7: {  	[sflag:s14] =	ssyncset.done $0x0  }
0x2f8: {  	[sflag:s14] =	ssyncadd.s32 $0xFFFFD800  }
0x2f9: {  	_ =	swait.ge [sflag:s14], $0x2800  }
0x2fa: {  	[sflag:s14] =	ssyncset.done $0x0  }
0x2fb: {  	[sflag:s14] =	ssyncadd.s32 $0xFFFFD800  }
0x2fc: {  	_ =	swait.ge [sflag:s14], $0x2800  }
0x2fd: {  	[sflag:s14] =	ssyncset.done $0x0  }
0x2fe: {  	[sflag:s14] =	ssyncadd.s32 $0xFFFFD800  }
0x2ff: {  	_ =	swait.ge [sflag:s14], $0x2800  }
0x300: {  	[sflag:s14] =	ssyncset.done $0x0  }
0x301: {  	[sflag:s14] =	ssyncadd.s32 $0xFFFFD800  }
0x302: {  	_ =	swait.ge [sflag:s14], $0x2800  }
0x303: {  	[sflag:s14] =	ssyncset.done $0x0  }
0x304: {  	[sflag:s14] =	ssyncadd.s32 $0xFFFFD800  }
0x305: {  	_ =	swait.ge [sflag:s14], $0x2800  }
0x306: {  	[sflag:s14] =	ssyncset.done $0x0  }
0x307: {  	[sflag:s14] =	ssyncadd.s32 $0xFFFFD800  }
0x308: {  	_ =	swait.ge [sflag:s14], $0x2800  }
0x309: {  	[sflag:s14] =	ssyncset.done $0x0  }
0x30a: {  	[sflag:s14] =	ssyncadd.s32 $0xFFFFD800  }
0x30b: {  	_ =	swait.ge [sflag:s14], $0x2800  }
0x30c: {  	[sflag:s14] =	ssyncset.done $0x0  }
0x30d: {  	[sflag:s14] =	ssyncadd.s32 $0xFFFFD800  }
0x30e: {  	_ =	swait.ge [sflag:s14], $0x2800  }
0x30f: {  	[sflag:s14] =	ssyncset.done $0x0  }
0x310: {  	[sflag:s14] =	ssyncadd.s32 $0xFFFFD800  }
0x311: {  	_ =	swait.ge [sflag:s14], $0x2800  }
0x312: {  	[sflag:s14] =	ssyncset.done $0x0  }
0x313: {  	[sflag:s14] =	ssyncadd.s32 $0xFFFFD800  }
0x314: {  	_ =	swait.ge [sflag:s14], $0x2800  }
0x315: {  	[sflag:s14] =	ssyncset.done $0x0  }
0x316: {  	[sflag:s14] =	ssyncadd.s32 $0xFFFFD800  }
0x317: {  	_ =	swait.ge [sflag:s14], $0x2800  }
0x318: {  	[sflag:s14] =	ssyncset.done $0x0  }
0x319: {  	[sflag:s14] =	ssyncadd.s32 $0xFFFFD800  }
0x31a: {  	_ =	swait.ge [sflag:s14], $0x2800  }
0x31b: {  	[sflag:s14] =	ssyncset.done $0x0  }
0x31c: {  	[sflag:s14] =	ssyncadd.s32 $0xFFFFD800  }
0x31d: {  	_ =	swait.ge [sflag:s14], $0x2800  }
0x31e: {  	[sflag:s14] =	ssyncset.done $0x0  }
0x31f: {  	[sflag:s14] =	ssyncadd.s32 $0xFFFFD800  }
0x320: {  	_ =	swait.ge [sflag:s14], $0x2800  }
0x321: {  	[sflag:s14] =	ssyncset.done $0x0  }
0x322: {  	[sflag:s14] =	ssyncadd.s32 $0xFFFFD800  }
0x323: {  	_ =	swait.ge [sflag:s14], $0x2800  }
0x324: {  	[sflag:s14] =	ssyncset.done $0x0  }
0x325: {  	[sflag:s14] =	ssyncadd.s32 $0xFFFFD800  }
0x326: {  	_ =	swait.ge [sflag:s14], $0x2800  }
0x327: {  	[sflag:s14] =	ssyncset.done $0x0  }
0x328: {  	[sflag:s14] =	ssyncadd.s32 $0xFFFFD800  }
0x329: {  	_ =	swait.ge [sflag:s14], $0x2800  }
0x32a: {  	[sflag:s14] =	ssyncset.done $0x0  }
0x32b: {  	[sflag:s14] =	ssyncadd.s32 $0xFFFFD800  }
0x32c: {  	_ =	swait.ge [sflag:s14], $0x2800  }
0x32d: {  	[sflag:s14] =	ssyncset.done $0x0  }
0x32e: {  	[sflag:s14] =	ssyncadd.s32 $0xFFFFD800  }
0x32f: {  	_ =	swait.ge [sflag:s14], $0x2800  }
0x330: {  	[sflag:s14] =	ssyncset.done $0x0  }
0x331: {  	[sflag:s14] =	ssyncadd.s32 $0xFFFFD800  }
0x332: {  	_ =	swait.ge [sflag:s14], $0x2800  }
0x333: {  	[sflag:s14] =	ssyncset.done $0x0  }
0x334: {  	[sflag:s14] =	ssyncadd.s32 $0xFFFFD800  }
0x335: {  	_ =	swait.ge [sflag:s14], $0x2800  }
0x336: {  	[sflag:s14] =	ssyncset.done $0x0  }
0x337: {  	[sflag:s14] =	ssyncadd.s32 $0xFFFFD800  }
0x338: {  	_ =	swait.ge [sflag:s14], $0x2800  }
0x339: {  	[sflag:s14] =	ssyncset.done $0x0  }
0x33a: {  	[sflag:s14] =	ssyncadd.s32 $0xFFFFD800  }
0x33b: {  	_ =	swait.ge [sflag:s14], $0x2800  }
0x33c: {  	[sflag:s14] =	ssyncset.done $0x0  }
0x33d: {  	[sflag:s14] =	ssyncadd.s32 $0xFFFFD800  }
0x33e: {  	_ =	swait.ge [sflag:s14], $0x2800  }
0x33f: {  	[sflag:s14] =	ssyncset.done $0x0  }
0x340: {  	[sflag:s14] =	ssyncadd.s32 $0xFFFFD800  }
0x341: {  	_ =	swait.ge [sflag:s14], $0x2800  }
0x342: {  	[sflag:s14] =	ssyncset.done $0x0  }
0x343: {  	[sflag:s14] =	ssyncadd.s32 $0xFFFFD800  }
0x344: {  	_ =	swait.ge [sflag:s14], $0x2800  }
0x345: {  	[sflag:s14] =	ssyncset.done $0x0  }
0x346: {  	[sflag:s14] =	ssyncadd.s32 $0xFFFFD800  }
0x347: {  	_ =	swait.ge [sflag:s14], $0x2800  }
0x348: {  	[sflag:s14] =	ssyncset.done $0x0  }
0x349: {  	[sflag:s14] =	ssyncadd.s32 $0xFFFFD800  }
0x34a: {  	_ =	swait.ge [sflag:s14], $0x2800  }
0x34b: {  	[sflag:s14] =	ssyncset.done $0x0  }
0x34c: {  	[sflag:s14] =	ssyncadd.s32 $0xFFFFD800  }
0x34d: {  	_ =	swait.ge [sflag:s14], $0x2800  }
0x34e: {  	[sflag:s14] =	ssyncset.done $0x0  }
0x34f: {  	[sflag:s14] =	ssyncadd.s32 $0xFFFFD800  }
0x350: {  	_ =	swait.ge [sflag:s14], $0x2800  }
0x351: {  	[sflag:s14] =	ssyncset.done $0x0  }
0x352: {  	[sflag:s14] =	ssyncadd.s32 $0xFFFFD800  }
0x353: {  	_ =	swait.ge [sflag:s14], $0x2800  }
0x354: {  	[sflag:s14] =	ssyncset.done $0x0  }
0x355: {  	[sflag:s14] =	ssyncadd.s32 $0xFFFFD800  }
0x356: {  	_ =	swait.ge [sflag:s14], $0x2800  }
0x357: {  	[sflag:s14] =	ssyncset.done $0x0  }
0x358: {  	[sflag:s14] =	ssyncadd.s32 $0xFFFFD800  }
0x359: {  	_ =	swait.ge [sflag:s14], $0x2800  }
0x35a: {  	[sflag:s14] =	ssyncset.done $0x0  }
0x35b: {  	[sflag:s14] =	ssyncadd.s32 $0xFFFFD800  }
0x35c: {  	_ =	swait.ge [sflag:s14], $0x2800  }
0x35d: {  	[sflag:s14] =	ssyncset.done $0x0  }
0x35e: {  	[sflag:s14] =	ssyncadd.s32 $0xFFFFD800  }
0x35f: {  	_ =	swait.ge [sflag:s14], $0x2800  }
0x360: {  	[sflag:s14] =	ssyncset.done $0x0  }
0x361: {  	[sflag:s14] =	ssyncadd.s32 $0xFFFFD800  }
0x362: {  	_ =	swait.ge [sflag:s14], $0x2800  }
0x363: {  	[sflag:s14] =	ssyncset.done $0x0  }
0x364: {  	[sflag:s14] =	ssyncadd.s32 $0xFFFFD800  }
0x365: {  	_ =	swait.ge [sflag:s14], $0x2800  }
0x366: {  	[sflag:s14] =	ssyncset.done $0x0  }
0x367: {  	[sflag:s14] =	ssyncadd.s32 $0xFFFFD800  }
0x368: {  	_ =	swait.ge [sflag:s14], $0x2800  }
0x369: {  	[sflag:s14] =	ssyncset.done $0x0  }
0x36a: {  	[sflag:s14] =	ssyncadd.s32 $0xFFFFD800  }
0x36b: {  	[bflag:$0x0] =	sbarrier.arrive $0xFFFF  }
0x36c: {  	s19 =	stileid.u32;
	s15 =	sld [smem:$0x7FD]  }
0x36d: {  	s4 =	sshll.u32 s19, $0x6;
	s19 =	sld [smem:$0x7FA];
	_ =	sdelay $0x1  }
0x36e: {  	s4 =	sor.u32 $0x1C02, s4;
	s12 =	sshrl.u32 s15, $0x3  }
0x36f: {  	[hbm:s19], [sflag:s4] =	dma.local [spmem:s12], $0x2700  }
0x370: {  	_ =	swait.ge [sflag:s16], $0x2700  }
0x371: {  	s12 =	sld [smem:$0x7F9]  }
0x372: {  	s19 =	sld [smem:$0x7FB]  }
0x373: {  	[sflag:s16] =	ssyncset.done $0x0  }
0x374: {  	[sflag:s16] =	ssyncadd.s32 $0xFFFFD900;
	s12 =	sshrl.u32 @!p0 s12, $0x3  }
0x375: {  	[hbm:s19], [sflag:s4] =	dma.local @!p0 [spmem:s12], $0x100  }
0x376: {  	s4 =	simm.s32 @!p0 $0x2  }
0x377: {  	_ =	swait.ge @!p0 [sflag:s4], $0x100  }
0x378: {  	s12 =	sld [smem:$0x7F1];
	_ =	sdelay $0x2  }
0x379: {  	s19 =	sadd.s32 $0x1, s12;
	s12 =	sld [smem:$0x7FC];
	_ =	sdelay $0x2  }
0x37a: {  	p1 =	sne.s32 s19, s12  }
.Ltmp2:
0x37b: {  	_ = 	snop;
	(pc) =	sbr.rel @p1 .LBB2_1-.Ltmp2, $3  }
0x37c: {  	_ =	sdelay $0x1  }
0x37d: {  	[sflag:s4] =	ssyncset.done @!p0 $0x0  }
0x37e: {  	[sflag:s4] =	ssyncadd.s32 @!p0 $0xFFFFFF00  }
0x37f: {  	_ =	sfence.sel $0x180000  }
0x380: {  	[bflag:$0x0] =	sbarrier.arrive $0xFFFF  }
0x381: {  	_ =	strace $0x90000047  }
0x382: {  	s0 =	stileid.u32;
	[bflag:$0x2] =	sbarrier.arrive $0xFFFF  }
0x383: {  	p0 =	sne.s32 s0, $0x0;
	s0 =	rddreg [dreg:$0x3]  }
0x384: {  	s0 =	sadd.s32 @!p0 $0x100000, s0  }
0x385: {  	[sflag:s0] =	ssyncadd.tile.s32 @!p0 $0x1;
	_ =	shalt  }
.Lfunc_end2:
_tile_overlayer_lowered:
.L_overlay_start_2:
0x386: {  	(tag) =	ssettag $0x2  }
0x387: {  	s0 =	rddreg [dreg:$0x0];
	s2 =	stileid.u32  }
0x388: {  	s1 =	rddreg [dreg:$0x1];
	p0 =	sne.s32 s2, $0x0  }
0x389: {  	s3 =	rddreg [dreg:$0x2];
	[bflag:$0x3] =	sbarrier.arrive $0xFFFF;
	s2 =	simm.s32 @!p0 $0x1C02  }
0x38a: {  	[timem:s3], [sflag:s2] =	dma.local @!p0 [hbm:s0], s1  }
0x38b: {  	s0 =	simm.s32 @!p0 $0x2  }
0x38c: {  	_ =	swait.ge @!p0 [sflag:s0], s1  }
0x38d: {  	s1 =	ssub.s32 @!p0 $0x0, s1;
	[sflag:s0] =	ssyncset.done @!p0 $0x0  }
0x38e: {  	[sflag:s0] =	ssyncadd.s32 @!p0 s1  }
0x38f: {  	[bflag:$0x3] =	sbarrier.arrive $0xFFFF  }
0x390: {  	_ =	shalt  }

</sc_bundles>
